<compile_context>
chip_gen: v7x
topology: tpu7x:2x2x1
jax: 0.10.2.dev20260603
libtpu: 0.0.44.dev20260713+nightly
codegen_flags: <defaults>
</compile_context>

<pallas_src>
import functools

import jax
import jax.numpy as jnp
from jax import lax
from jax.experimental import pallas as pl
from jax.experimental.pallas import tpu as pltpu
from jax.experimental.pallas import tpu_sc as plsc

N_ROWS = 4096
N_COLS = 4096
NC = 2
NS = 16
NW = NC * NS
ROWS_PER_W = N_ROWS // NW
R = 8
NCHUNK = ROWS_PER_W // R
LANES = 16
HCOLS = N_COLS // 2
HG = HCOLS // LANES
U = 2


@functools.partial(
    pl.kernel,
    mesh=plsc.VectorSubcoreMesh(core_axis_name="c", subcore_axis_name="s"),
    out_type=jax.ShapeDtypeStruct((N_ROWS, N_COLS), jnp.float32),
    compiler_params=pltpu.CompilerParams(
        needs_layout_passes=False,
        disable_bounds_checks=True,
        disable_semaphore_checks=True,
    ),
    scratch_types=[
        pltpu.VMEM((N_COLS,), jnp.int32),
        pltpu.VMEM((R, N_COLS), jnp.float32),
        pltpu.VMEM((R, N_COLS), jnp.float32),
        pltpu.VMEM((R, HCOLS), jnp.float32),
        pltpu.VMEM((R, HCOLS), jnp.float32),
        pltpu.SemaphoreType.DMA,
        pltpu.SemaphoreType.DMA,
        pltpu.SemaphoreType.DMA,
        pltpu.SemaphoreType.DMA,
    ],
)
def _permute(x_hbm, perm_hbm, out_hbm, perm_v,
             in0, in1, outh0, outh1, isem0, isem1, osem0, osem1):
    wid = lax.axis_index("s") * NC + lax.axis_index("c")
    row0 = wid * ROWS_PER_W

    in_bufs = (in0, in1)
    in_sems = (isem0, isem1)
    out_bufs = (outh0, outh1)
    out_sems = (osem0, osem1)
    row_ids = [jnp.full((LANES,), r, jnp.int32) for r in range(R)]

    def start_in(c, b):
        pltpu.async_copy(x_hbm.at[pl.ds(row0 + c * R, R)], in_bufs[b],
                         in_sems[b])

    def wait_in(c, b):
        pltpu.make_async_copy(x_hbm.at[pl.ds(row0 + c * R, R)], in_bufs[b],
                              in_sems[b]).wait()

    def out_dst(c, h):
        return out_hbm.at[pl.ds(row0 + c * R, R), pl.ds(h * HCOLS, HCOLS)]

    def start_out(c, h):
        pltpu.async_copy(out_bufs[h], out_dst(c, h), out_sems[h])

    def wait_out(c, h):
        pltpu.make_async_copy(out_bufs[h], out_dst(c, h), out_sems[h]).wait()

    def gather_half(src_v, h):
        dst_v = out_bufs[h]

        @plsc.parallel_loop(0, HG // U)
        def _(gu):
            g0 = gu * U
            idxs = [perm_v[pl.ds((h * HG + g0 + u) * LANES, LANES)]
                    for u in range(U)]
            vals = [[plsc.load_gather(src_v, [row_ids[r], idxs[u]])
                     for r in range(R)] for u in range(U)]
            for u in range(U):
                for r in range(R):
                    dst_v[r, pl.ds((g0 + u) * LANES, LANES)] = vals[u][r]

    start_in(0, 0)
    start_in(1, 1)
    pltpu.sync_copy(perm_hbm, perm_v)
    wait_in(0, 0)
    for h in range(2):
        gather_half(in_bufs[0], h)
        start_out(0, h)
    start_in(2, 0)

    @pl.loop(0, (NCHUNK - 2) // 2)
    def _(cc):
        for b in range(2):
            c = 1 + cc * 2 + b
            bb = (1 + b) % 2
            wait_in(c, bb)
            for h in range(2):
                wait_out(c - 1, h)
                gather_half(in_bufs[bb], h)
                start_out(c, h)

            @pl.when(c + 2 < NCHUNK)
            def _():
                start_in(c + 2, bb)

    c = NCHUNK - 1
    wait_in(c, 1)
    for h in range(2):
        wait_out(c - 1, h)
        gather_half(in_bufs[1], h)
        start_out(c, h)
    for h in range(2):
        wait_out(c, h)


def kernel(x, permutation):
    return _permute(x, permutation)

# --- scband reference (transcript-rebuilt; emitter-appended) ---
"""Pipeline reference for scband-fixed-random-permutation-9672266350791 (READ-ONLY COPY).

The authoritative reference and input builder live on the scoring server;
editing this copy changes nothing except your own understanding.
"""

import jax, jax.numpy as jnp
import numpy as np

INPUT_DIM = 4096
SEED = 0
N_ROWS = 4096


def setup_inputs(seed: int = 0) -> dict:
    key = jax.random.key(seed)
    x = jax.random.normal(key, (N_ROWS, INPUT_DIM), dtype=jnp.float32)
    # Replicate torch module's __init__: fixed permutation from numpy seed
    np.random.seed(SEED)
    perm = np.random.permutation(INPUT_DIM)
    permutation = jnp.asarray(perm, dtype=jnp.int32)
    return {"x": x, "permutation": permutation}


def reference(x, permutation):
    # forward(x, inverse=False): gather columns by fixed permutation
    return x[:, permutation]

if __name__ == "__main__":
    import jax
    _d = setup_inputs()
    print(jax.jit(kernel)(*tuple(_d.values())))

</pallas_src>

<mosaic_0001>
#map = affine_map<(d0, d1) -> (0, 0)>
#map1 = affine_map<(d0, d1) -> (0)>
module attributes {stable_mosaic.version = 14 : i64} {
  func.func @_permute(%arg0: i32, %arg1: i32, %arg2: memref<4096x4096xf32, #tpu.memory_space<hbm>>, %arg3: memref<4096xi32, #tpu.memory_space<hbm>>, %arg4: memref<4096x4096xf32, #tpu.memory_space<hbm>>, %arg5: memref<4096xi32, #tpu.memory_space<vmem>>, %arg6: memref<8x4096xf32, #tpu.memory_space<vmem>>, %arg7: memref<8x4096xf32, #tpu.memory_space<vmem>>, %arg8: memref<8x2048xf32, #tpu.memory_space<vmem>>, %arg9: memref<8x2048xf32, #tpu.memory_space<vmem>>, %arg10: memref<!tpu.dma_semaphore, #tpu.memory_space<semaphore_mem>>, %arg11: memref<!tpu.dma_semaphore, #tpu.memory_space<semaphore_mem>>, %arg12: memref<!tpu.dma_semaphore, #tpu.memory_space<semaphore_mem>>, %arg13: memref<!tpu.dma_semaphore, #tpu.memory_space<semaphore_mem>>) attributes {dimension_semantics = [#tpu.dimension_semantics<core_parallel>, #tpu.dimension_semantics<subcore_parallel>], iteration_bounds = array<i64: 2, 16>, scalar_prefetch = 0 : i64, scratch_operands = 9 : i64, tpu.core_type = #tpu.core_type<sc_vector_subcore>, window_params = [{transform_indices = #map}, {transform_indices = #map1}, {transform_indices = #map}]} {
    %mul3A = arith.constant 2 : i32
    %mul3A_0 = arith.muli %arg1, %mul3A : i32
    %add3A = arith.addi %mul3A_0, %arg0 : i32
    %mul3A_1 = arith.constant 128 : i32
    %mul3A_2 = arith.muli %add3A, %mul3A_1 : i32
    %broadcast_in_dim3A = arith.constant 0 : i32
    %broadcast_in_dim3A_3 = vector.broadcast %broadcast_in_dim3A : i32 to vector<16xi32>
    %broadcast_in_dim3A_4 = arith.constant 1 : i32
    %broadcast_in_dim3A_5 = vector.broadcast %broadcast_in_dim3A_4 : i32 to vector<16xi32>
    %broadcast_in_dim3A_6 = arith.constant 2 : i32
    %broadcast_in_dim3A_7 = vector.broadcast %broadcast_in_dim3A_6 : i32 to vector<16xi32>
    %broadcast_in_dim3A_8 = arith.constant 3 : i32
    %broadcast_in_dim3A_9 = vector.broadcast %broadcast_in_dim3A_8 : i32 to vector<16xi32>
    %broadcast_in_dim3A_10 = arith.constant 4 : i32
    %broadcast_in_dim3A_11 = vector.broadcast %broadcast_in_dim3A_10 : i32 to vector<16xi32>
    %broadcast_in_dim3A_12 = arith.constant 5 : i32
    %broadcast_in_dim3A_13 = vector.broadcast %broadcast_in_dim3A_12 : i32 to vector<16xi32>
    %broadcast_in_dim3A_14 = arith.constant 6 : i32
    %broadcast_in_dim3A_15 = vector.broadcast %broadcast_in_dim3A_14 : i32 to vector<16xi32>
    %broadcast_in_dim3A_16 = arith.constant 7 : i32
    %broadcast_in_dim3A_17 = vector.broadcast %broadcast_in_dim3A_16 : i32 to vector<16xi32>
    %add3A_18 = arith.constant 0 : i32
    %add3A_19 = arith.addi %mul3A_2, %add3A_18 : i32
    %dma_start3A = arith.constant 0 : i32
    %dma_start3A_20 = tpu.memref_slice %arg2[%add3A_19, %dma_start3A] : memref<4096x4096xf32, #tpu.memory_space<hbm>> -> memref<8x4096xf32, #tpu.memory_space<hbm>>
    %dma_start3A_21 = arith.constant 0 : i32
    %dma_start3A_22 = tpu.memref_slice %arg2[%add3A_19, %dma_start3A_21] : memref<4096x4096xf32, #tpu.memory_space<hbm>> -> memref<8x4096xf32, #tpu.memory_space<hbm>>
    tpu.enqueue_dma source(%dma_start3A_22 : memref<8x4096xf32, #tpu.memory_space<hbm>>) target(%arg6 : memref<8x4096xf32, #tpu.memory_space<vmem>>) target_semaphore(%arg10 : memref<!tpu.dma_semaphore, #tpu.memory_space<semaphore_mem>>)
    %add3A_23 = arith.constant 8 : i32
    %add3A_24 = arith.addi %mul3A_2, %add3A_23 : i32
    %dma_start3A_25 = arith.constant 0 : i32
    %dma_start3A_26 = tpu.memref_slice %arg2[%add3A_24, %dma_start3A_25] : memref<4096x4096xf32, #tpu.memory_space<hbm>> -> memref<8x4096xf32, #tpu.memory_space<hbm>>
    %dma_start3A_27 = arith.constant 0 : i32
    %dma_start3A_28 = tpu.memref_slice %arg2[%add3A_24, %dma_start3A_27] : memref<4096x4096xf32, #tpu.memory_space<hbm>> -> memref<8x4096xf32, #tpu.memory_space<hbm>>
    tpu.enqueue_dma source(%dma_start3A_28 : memref<8x4096xf32, #tpu.memory_space<hbm>>) target(%arg7 : memref<8x4096xf32, #tpu.memory_space<vmem>>) target_semaphore(%arg11 : memref<!tpu.dma_semaphore, #tpu.memory_space<semaphore_mem>>)
    "tpu.region"() ({
      %run_scoped3A = tpu.sem_alloc : memref<!tpu.dma_semaphore, #tpu.memory_space<semaphore_mem>>
      tpu.enqueue_dma source(%arg3 : memref<4096xi32, #tpu.memory_space<hbm>>) target(%arg5 : memref<4096xi32, #tpu.memory_space<vmem>>) target_semaphore(%run_scoped3A : memref<!tpu.dma_semaphore, #tpu.memory_space<semaphore_mem>>)
      tpu.wait_dma2 semaphore(%run_scoped3A : memref<!tpu.dma_semaphore, #tpu.memory_space<semaphore_mem>>) src(%arg3 : memref<4096xi32, #tpu.memory_space<hbm>>) dst(%arg5 : memref<4096xi32, #tpu.memory_space<vmem>>)
      tpu.yield
    }) : () -> ()
    %add3A_29 = arith.constant 0 : i32
    %add3A_30 = arith.addi %mul3A_2, %add3A_29 : i32
    %dma_wait3A = arith.constant 0 : i32
    %dma_wait3A_31 = tpu.memref_slice %arg2[%add3A_30, %dma_wait3A] : memref<4096x4096xf32, #tpu.memory_space<hbm>> -> memref<8x4096xf32, #tpu.memory_space<hbm>>
    %dma_wait3A_32 = arith.constant 0 : i32
    %dma_wait3A_33 = tpu.memref_slice %arg2[%add3A_30, %dma_wait3A_32] : memref<4096x4096xf32, #tpu.memory_space<hbm>> -> memref<8x4096xf32, #tpu.memory_space<hbm>>
    tpu.wait_dma2 semaphore(%arg10 : memref<!tpu.dma_semaphore, #tpu.memory_space<semaphore_mem>>) src(%dma_wait3A_33 : memref<8x4096xf32, #tpu.memory_space<hbm>>) dst(%arg6 : memref<8x4096xf32, #tpu.memory_space<vmem>>)
    %parallel_loop3A = arith.constant 0 : i32
    %parallel_loop3A_34 = arith.constant 64 : i32
    %parallel_loop3A_35 = arith.constant 1 : i32
    scf.for %parallel_loop3A_109 = %parallel_loop3A to %parallel_loop3A_34 step %parallel_loop3A_35  : i32 {
      %parallel_loop3A_110 = arith.constant 2 : i32
      %parallel_loop3A_111 = arith.muli %parallel_loop3A_109, %parallel_loop3A_110 : i32
      %parallel_loop3A_112 = arith.constant 0 : i32
      %parallel_loop3A_113 = arith.addi %parallel_loop3A_112, %parallel_loop3A_111 : i32
      %parallel_loop3A_114 = arith.constant 0 : i32
      %parallel_loop3A_115 = arith.addi %parallel_loop3A_113, %parallel_loop3A_114 : i32
      %parallel_loop3A_116 = arith.constant 16 : i32
      %parallel_loop3A_117 = arith.muli %parallel_loop3A_115, %parallel_loop3A_116 : i32
      %parallel_loop3A_118 = arith.index_cast %parallel_loop3A_117 : i32 to index
      %parallel_loop3A_119 = tpu.vector_load %arg5[%parallel_loop3A_118] {strides = array<i32>} : memref<4096xi32, #tpu.memory_space<vmem>>, vector<16xi32>,
      %parallel_loop3A_120 = arith.constant 0 : i32
      %parallel_loop3A_121 = arith.addi %parallel_loop3A_120, %parallel_loop3A_111 : i32
      %parallel_loop3A_122 = arith.constant 1 : i32
      %parallel_loop3A_123 = arith.addi %parallel_loop3A_121, %parallel_loop3A_122 : i32
      %parallel_loop3A_124 = arith.constant 16 : i32
      %parallel_loop3A_125 = arith.muli %parallel_loop3A_123, %parallel_loop3A_124 : i32
      %parallel_loop3A_126 = arith.index_cast %parallel_loop3A_125 : i32 to index
      %parallel_loop3A_127 = tpu.vector_load %arg5[%parallel_loop3A_126] {strides = array<i32>} : memref<4096xi32, #tpu.memory_space<vmem>>, vector<16xi32>,
      %parallel_loop3A_128 = tpu.vector_load_idx %arg6[%broadcast_in_dim3A_3, %parallel_loop3A_119] : memref<8x4096xf32, #tpu.memory_space<vmem>>[vector<16xi32>, vector<16xi32>], vector<16xf32>,
      %parallel_loop3A_129 = tpu.vector_load_idx %arg6[%broadcast_in_dim3A_5, %parallel_loop3A_119] : memref<8x4096xf32, #tpu.memory_space<vmem>>[vector<16xi32>, vector<16xi32>], vector<16xf32>,
      %parallel_loop3A_130 = tpu.vector_load_idx %arg6[%broadcast_in_dim3A_7, %parallel_loop3A_119] : memref<8x4096xf32, #tpu.memory_space<vmem>>[vector<16xi32>, vector<16xi32>], vector<16xf32>,
      %parallel_loop3A_131 = tpu.vector_load_idx %arg6[%broadcast_in_dim3A_9, %parallel_loop3A_119] : memref<8x4096xf32, #tpu.memory_space<vmem>>[vector<16xi32>, vector<16xi32>], vector<16xf32>,
      %parallel_loop3A_132 = tpu.vector_load_idx %arg6[%broadcast_in_dim3A_11, %parallel_loop3A_119] : memref<8x4096xf32, #tpu.memory_space<vmem>>[vector<16xi32>, vector<16xi32>], vector<16xf32>,
      %parallel_loop3A_133 = tpu.vector_load_idx %arg6[%broadcast_in_dim3A_13, %parallel_loop3A_119] : memref<8x4096xf32, #tpu.memory_space<vmem>>[vector<16xi32>, vector<16xi32>], vector<16xf32>,
      %parallel_loop3A_134 = tpu.vector_load_idx %arg6[%broadcast_in_dim3A_15, %parallel_loop3A_119] : memref<8x4096xf32, #tpu.memory_space<vmem>>[vector<16xi32>, vector<16xi32>], vector<16xf32>,
      %parallel_loop3A_135 = tpu.vector_load_idx %arg6[%broadcast_in_dim3A_17, %parallel_loop3A_119] : memref<8x4096xf32, #tpu.memory_space<vmem>>[vector<16xi32>, vector<16xi32>], vector<16xf32>,
      %parallel_loop3A_136 = tpu.vector_load_idx %arg6[%broadcast_in_dim3A_3, %parallel_loop3A_127] : memref<8x4096xf32, #tpu.memory_space<vmem>>[vector<16xi32>, vector<16xi32>], vector<16xf32>,
      %parallel_loop3A_137 = tpu.vector_load_idx %arg6[%broadcast_in_dim3A_5, %parallel_loop3A_127] : memref<8x4096xf32, #tpu.memory_space<vmem>>[vector<16xi32>, vector<16xi32>], vector<16xf32>,
      %parallel_loop3A_138 = tpu.vector_load_idx %arg6[%broadcast_in_dim3A_7, %parallel_loop3A_127] : memref<8x4096xf32, #tpu.memory_space<vmem>>[vector<16xi32>, vector<16xi32>], vector<16xf32>,
      %parallel_loop3A_139 = tpu.vector_load_idx %arg6[%broadcast_in_dim3A_9, %parallel_loop3A_127] : memref<8x4096xf32, #tpu.memory_space<vmem>>[vector<16xi32>, vector<16xi32>], vector<16xf32>,
      %parallel_loop3A_140 = tpu.vector_load_idx %arg6[%broadcast_in_dim3A_11, %parallel_loop3A_127] : memref<8x4096xf32, #tpu.memory_space<vmem>>[vector<16xi32>, vector<16xi32>], vector<16xf32>,
      %parallel_loop3A_141 = tpu.vector_load_idx %arg6[%broadcast_in_dim3A_13, %parallel_loop3A_127] : memref<8x4096xf32, #tpu.memory_space<vmem>>[vector<16xi32>, vector<16xi32>], vector<16xf32>,
      %parallel_loop3A_142 = tpu.vector_load_idx %arg6[%broadcast_in_dim3A_15, %parallel_loop3A_127] : memref<8x4096xf32, #tpu.memory_space<vmem>>[vector<16xi32>, vector<16xi32>], vector<16xf32>,
      %parallel_loop3A_143 = tpu.vector_load_idx %arg6[%broadcast_in_dim3A_17, %parallel_loop3A_127] : memref<8x4096xf32, #tpu.memory_space<vmem>>[vector<16xi32>, vector<16xi32>], vector<16xf32>,
      %parallel_loop3A_144 = arith.constant 0 : i32
      %parallel_loop3A_145 = arith.addi %parallel_loop3A_111, %parallel_loop3A_144 : i32
      %parallel_loop3A_146 = arith.constant 16 : i32
      %parallel_loop3A_147 = arith.muli %parallel_loop3A_145, %parallel_loop3A_146 : i32
      %parallel_loop3A_148 = arith.constant 0 : i32
      %parallel_loop3A_149 = arith.index_cast %parallel_loop3A_148 : i32 to index
      %parallel_loop3A_150 = arith.index_cast %parallel_loop3A_147 : i32 to index
      %parallel_loop3A_151 = tpu.vector_load %arg8[%parallel_loop3A_149, %parallel_loop3A_150] {strides = array<i32>} : memref<8x2048xf32, #tpu.memory_space<vmem>>, vector<16xf32>,
      tpu.vector_store %arg8[%parallel_loop3A_149, %parallel_loop3A_150], %parallel_loop3A_128 {strides = array<i32>} : memref<8x2048xf32, #tpu.memory_space<vmem>>, vector<16xf32>,
      %parallel_loop3A_152 = arith.constant 0 : i32
      %parallel_loop3A_153 = arith.addi %parallel_loop3A_111, %parallel_loop3A_152 : i32
      %parallel_loop3A_154 = arith.constant 16 : i32
      %parallel_loop3A_155 = arith.muli %parallel_loop3A_153, %parallel_loop3A_154 : i32
      %parallel_loop3A_156 = arith.constant 1 : i32
      %parallel_loop3A_157 = arith.index_cast %parallel_loop3A_156 : i32 to index
      %parallel_loop3A_158 = arith.index_cast %parallel_loop3A_155 : i32 to index
      %parallel_loop3A_159 = tpu.vector_load %arg8[%parallel_loop3A_157, %parallel_loop3A_158] {strides = array<i32>} : memref<8x2048xf32, #tpu.memory_space<vmem>>, vector<16xf32>,
      tpu.vector_store %arg8[%parallel_loop3A_157, %parallel_loop3A_158], %parallel_loop3A_129 {strides = array<i32>} : memref<8x2048xf32, #tpu.memory_space<vmem>>, vector<16xf32>,
      %parallel_loop3A_160 = arith.constant 0 : i32
      %parallel_loop3A_161 = arith.addi %parallel_loop3A_111, %parallel_loop3A_160 : i32
      %parallel_loop3A_162 = arith.constant 16 : i32
      %parallel_loop3A_163 = arith.muli %parallel_loop3A_161, %parallel_loop3A_162 : i32
      %parallel_loop3A_164 = arith.constant 2 : i32
      %parallel_loop3A_165 = arith.index_cast %parallel_loop3A_164 : i32 to index
      %parallel_loop3A_166 = arith.index_cast %parallel_loop3A_163 : i32 to index
      %parallel_loop3A_167 = tpu.vector_load %arg8[%parallel_loop3A_165, %parallel_loop3A_166] {strides = array<i32>} : memref<8x2048xf32, #tpu.memory_space<vmem>>, vector<16xf32>,
      tpu.vector_store %arg8[%parallel_loop3A_165, %parallel_loop3A_166], %parallel_loop3A_130 {strides = array<i32>} : memref<8x2048xf32, #tpu.memory_space<vmem>>, vector<16xf32>,
      %parallel_loop3A_168 = arith.constant 0 : i32
      %parallel_loop3A_169 = arith.addi %parallel_loop3A_111, %parallel_loop3A_168 : i32
      %parallel_loop3A_170 = arith.constant 16 : i32
      %parallel_loop3A_171 = arith.muli %parallel_loop3A_169, %parallel_loop3A_170 : i32
      %parallel_loop3A_172 = arith.constant 3 : i32
      %parallel_loop3A_173 = arith.index_cast %parallel_loop3A_172 : i32 to index
      %parallel_loop3A_174 = arith.index_cast %parallel_loop3A_171 : i32 to index
      %parallel_loop3A_175 = tpu.vector_load %arg8[%parallel_loop3A_173, %parallel_loop3A_174] {strides = array<i32>} : memref<8x2048xf32, #tpu.memory_space<vmem>>, vector<16xf32>,
      tpu.vector_store %arg8[%parallel_loop3A_173, %parallel_loop3A_174], %parallel_loop3A_131 {strides = array<i32>} : memref<8x2048xf32, #tpu.memory_space<vmem>>, vector<16xf32>,
      %parallel_loop3A_176 = arith.constant 0 : i32
      %parallel_loop3A_177 = arith.addi %parallel_loop3A_111, %parallel_loop3A_176 : i32
      %parallel_loop3A_178 = arith.constant 16 : i32
      %parallel_loop3A_179 = arith.muli %parallel_loop3A_177, %parallel_loop3A_178 : i32
      %parallel_loop3A_180 = arith.constant 4 : i32
      %parallel_loop3A_181 = arith.index_cast %parallel_loop3A_180 : i32 to index
      %parallel_loop3A_182 = arith.index_cast %parallel_loop3A_179 : i32 to index
      %parallel_loop3A_183 = tpu.vector_load %arg8[%parallel_loop3A_181, %parallel_loop3A_182] {strides = array<i32>} : memref<8x2048xf32, #tpu.memory_space<vmem>>, vector<16xf32>,
      tpu.vector_store %arg8[%parallel_loop3A_181, %parallel_loop3A_182], %parallel_loop3A_132 {strides = array<i32>} : memref<8x2048xf32, #tpu.memory_space<vmem>>, vector<16xf32>,
      %parallel_loop3A_184 = arith.constant 0 : i32
      %parallel_loop3A_185 = arith.addi %parallel_loop3A_111, %parallel_loop3A_184 : i32
      %parallel_loop3A_186 = arith.constant 16 : i32
      %parallel_loop3A_187 = arith.muli %parallel_loop3A_185, %parallel_loop3A_186 : i32
      %parallel_loop3A_188 = arith.constant 5 : i32
      %parallel_loop3A_189 = arith.index_cast %parallel_loop3A_188 : i32 to index
      %parallel_loop3A_190 = arith.index_cast %parallel_loop3A_187 : i32 to index
      %parallel_loop3A_191 = tpu.vector_load %arg8[%parallel_loop3A_189, %parallel_loop3A_190] {strides = array<i32>} : memref<8x2048xf32, #tpu.memory_space<vmem>>, vector<16xf32>,
      tpu.vector_store %arg8[%parallel_loop3A_189, %parallel_loop3A_190], %parallel_loop3A_133 {strides = array<i32>} : memref<8x2048xf32, #tpu.memory_space<vmem>>, vector<16xf32>,
      %parallel_loop3A_192 = arith.constant 0 : i32
      %parallel_loop3A_193 = arith.addi %parallel_loop3A_111, %parallel_loop3A_192 : i32
      %parallel_loop3A_194 = arith.constant 16 : i32
      %parallel_loop3A_195 = arith.muli %parallel_loop3A_193, %parallel_loop3A_194 : i32
      %parallel_loop3A_196 = arith.constant 6 : i32
      %parallel_loop3A_197 = arith.index_cast %parallel_loop3A_196 : i32 to index
      %parallel_loop3A_198 = arith.index_cast %parallel_loop3A_195 : i32 to index
      %parallel_loop3A_199 = tpu.vector_load %arg8[%parallel_loop3A_197, %parallel_loop3A_198] {strides = array<i32>} : memref<8x2048xf32, #tpu.memory_space<vmem>>, vector<16xf32>,
      tpu.vector_store %arg8[%parallel_loop3A_197, %parallel_loop3A_198], %parallel_loop3A_134 {strides = array<i32>} : memref<8x2048xf32, #tpu.memory_space<vmem>>, vector<16xf32>,
      %parallel_loop3A_200 = arith.constant 0 : i32
      %parallel_loop3A_201 = arith.addi %parallel_loop3A_111, %parallel_loop3A_200 : i32
      %parallel_loop3A_202 = arith.constant 16 : i32
      %parallel_loop3A_203 = arith.muli %parallel_loop3A_201, %parallel_loop3A_202 : i32
      %parallel_loop3A_204 = arith.constant 7 : i32
      %parallel_loop3A_205 = arith.index_cast %parallel_loop3A_204 : i32 to index
      %parallel_loop3A_206 = arith.index_cast %parallel_loop3A_203 : i32 to index
      %parallel_loop3A_207 = tpu.vector_load %arg8[%parallel_loop3A_205, %parallel_loop3A_206] {strides = array<i32>} : memref<8x2048xf32, #tpu.memory_space<vmem>>, vector<16xf32>,
      tpu.vector_store %arg8[%parallel_loop3A_205, %parallel_loop3A_206], %parallel_loop3A_135 {strides = array<i32>} : memref<8x2048xf32, #tpu.memory_space<vmem>>, vector<16xf32>,
      %parallel_loop3A_208 = arith.constant 1 : i32
      %parallel_loop3A_209 = arith.addi %parallel_loop3A_111, %parallel_loop3A_208 : i32
      %parallel_loop3A_210 = arith.constant 16 : i32
      %parallel_loop3A_211 = arith.muli %parallel_loop3A_209, %parallel_loop3A_210 : i32
      %parallel_loop3A_212 = arith.constant 0 : i32
      %parallel_loop3A_213 = arith.index_cast %parallel_loop3A_212 : i32 to index
      %parallel_loop3A_214 = arith.index_cast %parallel_loop3A_211 : i32 to index
      %parallel_loop3A_215 = tpu.vector_load %arg8[%parallel_loop3A_213, %parallel_loop3A_214] {strides = array<i32>} : memref<8x2048xf32, #tpu.memory_space<vmem>>, vector<16xf32>,
      tpu.vector_store %arg8[%parallel_loop3A_213, %parallel_loop3A_214], %parallel_loop3A_136 {strides = array<i32>} : memref<8x2048xf32, #tpu.memory_space<vmem>>, vector<16xf32>,
      %parallel_loop3A_216 = arith.constant 1 : i32
      %parallel_loop3A_217 = arith.addi %parallel_loop3A_111, %parallel_loop3A_216 : i32
      %parallel_loop3A_218 = arith.constant 16 : i32
      %parallel_loop3A_219 = arith.muli %parallel_loop3A_217, %parallel_loop3A_218 : i32
      %parallel_loop3A_220 = arith.constant 1 : i32
      %parallel_loop3A_221 = arith.index_cast %parallel_loop3A_220 : i32 to index
      %parallel_loop3A_222 = arith.index_cast %parallel_loop3A_219 : i32 to index
      %parallel_loop3A_223 = tpu.vector_load %arg8[%parallel_loop3A_221, %parallel_loop3A_222] {strides = array<i32>} : memref<8x2048xf32, #tpu.memory_space<vmem>>, vector<16xf32>,
      tpu.vector_store %arg8[%parallel_loop3A_221, %parallel_loop3A_222], %parallel_loop3A_137 {strides = array<i32>} : memref<8x2048xf32, #tpu.memory_space<vmem>>, vector<16xf32>,
      %parallel_loop3A_224 = arith.constant 1 : i32
      %parallel_loop3A_225 = arith.addi %parallel_loop3A_111, %parallel_loop3A_224 : i32
      %parallel_loop3A_226 = arith.constant 16 : i32
      %parallel_loop3A_227 = arith.muli %parallel_loop3A_225, %parallel_loop3A_226 : i32
      %parallel_loop3A_228 = arith.constant 2 : i32
      %parallel_loop3A_229 = arith.index_cast %parallel_loop3A_228 : i32 to index
      %parallel_loop3A_230 = arith.index_cast %parallel_loop3A_227 : i32 to index
      %parallel_loop3A_231 = tpu.vector_load %arg8[%parallel_loop3A_229, %parallel_loop3A_230] {strides = array<i32>} : memref<8x2048xf32, #tpu.memory_space<vmem>>, vector<16xf32>,
      tpu.vector_store %arg8[%parallel_loop3A_229, %parallel_loop3A_230], %parallel_loop3A_138 {strides = array<i32>} : memref<8x2048xf32, #tpu.memory_space<vmem>>, vector<16xf32>,
      %parallel_loop3A_232 = arith.constant 1 : i32
      %parallel_loop3A_233 = arith.addi %parallel_loop3A_111, %parallel_loop3A_232 : i32
      %parallel_loop3A_234 = arith.constant 16 : i32
      %parallel_loop3A_235 = arith.muli %parallel_loop3A_233, %parallel_loop3A_234 : i32
      %parallel_loop3A_236 = arith.constant 3 : i32
      %parallel_loop3A_237 = arith.index_cast %parallel_loop3A_236 : i32 to index
      %parallel_loop3A_238 = arith.index_cast %parallel_loop3A_235 : i32 to index
      %parallel_loop3A_239 = tpu.vector_load %arg8[%parallel_loop3A_237, %parallel_loop3A_238] {strides = array<i32>} : memref<8x2048xf32, #tpu.memory_space<vmem>>, vector<16xf32>,
      tpu.vector_store %arg8[%parallel_loop3A_237, %parallel_loop3A_238], %parallel_loop3A_139 {strides = array<i32>} : memref<8x2048xf32, #tpu.memory_space<vmem>>, vector<16xf32>,
      %parallel_loop3A_240 = arith.constant 1 : i32
      %parallel_loop3A_241 = arith.addi %parallel_loop3A_111, %parallel_loop3A_240 : i32
      %parallel_loop3A_242 = arith.constant 16 : i32
      %parallel_loop3A_243 = arith.muli %parallel_loop3A_241, %parallel_loop3A_242 : i32
      %parallel_loop3A_244 = arith.constant 4 : i32
      %parallel_loop3A_245 = arith.index_cast %parallel_loop3A_244 : i32 to index
      %parallel_loop3A_246 = arith.index_cast %parallel_loop3A_243 : i32 to index
      %parallel_loop3A_247 = tpu.vector_load %arg8[%parallel_loop3A_245, %parallel_loop3A_246] {strides = array<i32>} : memref<8x2048xf32, #tpu.memory_space<vmem>>, vector<16xf32>,
      tpu.vector_store %arg8[%parallel_loop3A_245, %parallel_loop3A_246], %parallel_loop3A_140 {strides = array<i32>} : memref<8x2048xf32, #tpu.memory_space<vmem>>, vector<16xf32>,
      %parallel_loop3A_248 = arith.constant 1 : i32
      %parallel_loop3A_249 = arith.addi %parallel_loop3A_111, %parallel_loop3A_248 : i32
      %parallel_loop3A_250 = arith.constant 16 : i32
      %parallel_loop3A_251 = arith.muli %parallel_loop3A_249, %parallel_loop3A_250 : i32
      %parallel_loop3A_252 = arith.constant 5 : i32
      %parallel_loop3A_253 = arith.index_cast %parallel_loop3A_252 : i32 to index
      %parallel_loop3A_254 = arith.index_cast %parallel_loop3A_251 : i32 to index
      %parallel_loop3A_255 = tpu.vector_load %arg8[%parallel_loop3A_253, %parallel_loop3A_254] {strides = array<i32>} : memref<8x2048xf32, #tpu.memory_space<vmem>>, vector<16xf32>,
      tpu.vector_store %arg8[%parallel_loop3A_253, %parallel_loop3A_254], %parallel_loop3A_141 {strides = array<i32>} : memref<8x2048xf32, #tpu.memory_space<vmem>>, vector<16xf32>,
      %parallel_loop3A_256 = arith.constant 1 : i32
      %parallel_loop3A_257 = arith.addi %parallel_loop3A_111, %parallel_loop3A_256 : i32
      %parallel_loop3A_258 = arith.constant 16 : i32
      %parallel_loop3A_259 = arith.muli %parallel_loop3A_257, %parallel_loop3A_258 : i32
      %parallel_loop3A_260 = arith.constant 6 : i32
      %parallel_loop3A_261 = arith.index_cast %parallel_loop3A_260 : i32 to index
      %parallel_loop3A_262 = arith.index_cast %parallel_loop3A_259 : i32 to index
      %parallel_loop3A_263 = tpu.vector_load %arg8[%parallel_loop3A_261, %parallel_loop3A_262] {strides = array<i32>} : memref<8x2048xf32, #tpu.memory_space<vmem>>, vector<16xf32>,
      tpu.vector_store %arg8[%parallel_loop3A_261, %parallel_loop3A_262], %parallel_loop3A_142 {strides = array<i32>} : memref<8x2048xf32, #tpu.memory_space<vmem>>, vector<16xf32>,
      %parallel_loop3A_264 = arith.constant 1 : i32
      %parallel_loop3A_265 = arith.addi %parallel_loop3A_111, %parallel_loop3A_264 : i32
      %parallel_loop3A_266 = arith.constant 16 : i32
      %parallel_loop3A_267 = arith.muli %parallel_loop3A_265, %parallel_loop3A_266 : i32
      %parallel_loop3A_268 = arith.constant 7 : i32
      %parallel_loop3A_269 = arith.index_cast %parallel_loop3A_268 : i32 to index
      %parallel_loop3A_270 = arith.index_cast %parallel_loop3A_267 : i32 to index
      %parallel_loop3A_271 = tpu.vector_load %arg8[%parallel_loop3A_269, %parallel_loop3A_270] {strides = array<i32>} : memref<8x2048xf32, #tpu.memory_space<vmem>>, vector<16xf32>,
      tpu.vector_store %arg8[%parallel_loop3A_269, %parallel_loop3A_270], %parallel_loop3A_143 {strides = array<i32>} : memref<8x2048xf32, #tpu.memory_space<vmem>>, vector<16xf32>,
    } {sc.loop_unroll_factor = 1 : i64, sc.parallel_access}
    %add3A_36 = arith.constant 0 : i32
    %add3A_37 = arith.addi %mul3A_2, %add3A_36 : i32
    %dma_start3A_38 = arith.constant 0 : i32
    %dma_start3A_39 = tpu.memref_slice %arg4[%add3A_37, %dma_start3A_38] : memref<4096x4096xf32, #tpu.memory_space<hbm>> -> memref<8x2048xf32, #tpu.memory_space<hbm>>
    %dma_start3A_40 = arith.constant 0 : i32
    %dma_start3A_41 = tpu.memref_slice %arg4[%add3A_37, %dma_start3A_40] : memref<4096x4096xf32, #tpu.memory_space<hbm>> -> memref<8x2048xf32, #tpu.memory_space<hbm>>
    tpu.enqueue_dma source(%arg8 : memref<8x2048xf32, #tpu.memory_space<vmem>>) target(%dma_start3A_41 : memref<8x2048xf32, #tpu.memory_space<hbm>>) target_semaphore(%arg12 : memref<!tpu.dma_semaphore, #tpu.memory_space<semaphore_mem>>)
    %parallel_loop3A_42 = arith.constant 0 : i32
    %parallel_loop3A_43 = arith.constant 64 : i32
    %parallel_loop3A_44 = arith.constant 1 : i32
    scf.for %parallel_loop3A_109 = %parallel_loop3A_42 to %parallel_loop3A_43 step %parallel_loop3A_44  : i32 {
      %parallel_loop3A_110 = arith.constant 2 : i32
      %parallel_loop3A_111 = arith.muli %parallel_loop3A_109, %parallel_loop3A_110 : i32
      %parallel_loop3A_112 = arith.constant 128 : i32
      %parallel_loop3A_113 = arith.addi %parallel_loop3A_112, %parallel_loop3A_111 : i32
      %parallel_loop3A_114 = arith.constant 0 : i32
      %parallel_loop3A_115 = arith.addi %parallel_loop3A_113, %parallel_loop3A_114 : i32
      %parallel_loop3A_116 = arith.constant 16 : i32
      %parallel_loop3A_117 = arith.muli %parallel_loop3A_115, %parallel_loop3A_116 : i32
      %parallel_loop3A_118 = arith.index_cast %parallel_loop3A_117 : i32 to index
      %parallel_loop3A_119 = tpu.vector_load %arg5[%parallel_loop3A_118] {strides = array<i32>} : memref<4096xi32, #tpu.memory_space<vmem>>, vector<16xi32>,
      %parallel_loop3A_120 = arith.constant 128 : i32
      %parallel_loop3A_121 = arith.addi %parallel_loop3A_120, %parallel_loop3A_111 : i32
      %parallel_loop3A_122 = arith.constant 1 : i32
      %parallel_loop3A_123 = arith.addi %parallel_loop3A_121, %parallel_loop3A_122 : i32
      %parallel_loop3A_124 = arith.constant 16 : i32
      %parallel_loop3A_125 = arith.muli %parallel_loop3A_123, %parallel_loop3A_124 : i32
      %parallel_loop3A_126 = arith.index_cast %parallel_loop3A_125 : i32 to index
      %parallel_loop3A_127 = tpu.vector_load %arg5[%parallel_loop3A_126] {strides = array<i32>} : memref<4096xi32, #tpu.memory_space<vmem>>, vector<16xi32>,
      %parallel_loop3A_128 = tpu.vector_load_idx %arg6[%broadcast_in_dim3A_3, %parallel_loop3A_119] : memref<8x4096xf32, #tpu.memory_space<vmem>>[vector<16xi32>, vector<16xi32>], vector<16xf32>,
      %parallel_loop3A_129 = tpu.vector_load_idx %arg6[%broadcast_in_dim3A_5, %parallel_loop3A_119] : memref<8x4096xf32, #tpu.memory_space<vmem>>[vector<16xi32>, vector<16xi32>], vector<16xf32>,
      %parallel_loop3A_130 = tpu.vector_load_idx %arg6[%broadcast_in_dim3A_7, %parallel_loop3A_119] : memref<8x4096xf32, #tpu.memory_space<vmem>>[vector<16xi32>, vector<16xi32>], vector<16xf32>,
      %parallel_loop3A_131 = tpu.vector_load_idx %arg6[%broadcast_in_dim3A_9, %parallel_loop3A_119] : memref<8x4096xf32, #tpu.memory_space<vmem>>[vector<16xi32>, vector<16xi32>], vector<16xf32>,
      %parallel_loop3A_132 = tpu.vector_load_idx %arg6[%broadcast_in_dim3A_11, %parallel_loop3A_119] : memref<8x4096xf32, #tpu.memory_space<vmem>>[vector<16xi32>, vector<16xi32>], vector<16xf32>,
      %parallel_loop3A_133 = tpu.vector_load_idx %arg6[%broadcast_in_dim3A_13, %parallel_loop3A_119] : memref<8x4096xf32, #tpu.memory_space<vmem>>[vector<16xi32>, vector<16xi32>], vector<16xf32>,
      %parallel_loop3A_134 = tpu.vector_load_idx %arg6[%broadcast_in_dim3A_15, %parallel_loop3A_119] : memref<8x4096xf32, #tpu.memory_space<vmem>>[vector<16xi32>, vector<16xi32>], vector<16xf32>,
      %parallel_loop3A_135 = tpu.vector_load_idx %arg6[%broadcast_in_dim3A_17, %parallel_loop3A_119] : memref<8x4096xf32, #tpu.memory_space<vmem>>[vector<16xi32>, vector<16xi32>], vector<16xf32>,
      %parallel_loop3A_136 = tpu.vector_load_idx %arg6[%broadcast_in_dim3A_3, %parallel_loop3A_127] : memref<8x4096xf32, #tpu.memory_space<vmem>>[vector<16xi32>, vector<16xi32>], vector<16xf32>,
      %parallel_loop3A_137 = tpu.vector_load_idx %arg6[%broadcast_in_dim3A_5, %parallel_loop3A_127] : memref<8x4096xf32, #tpu.memory_space<vmem>>[vector<16xi32>, vector<16xi32>], vector<16xf32>,
      %parallel_loop3A_138 = tpu.vector_load_idx %arg6[%broadcast_in_dim3A_7, %parallel_loop3A_127] : memref<8x4096xf32, #tpu.memory_space<vmem>>[vector<16xi32>, vector<16xi32>], vector<16xf32>,
      %parallel_loop3A_139 = tpu.vector_load_idx %arg6[%broadcast_in_dim3A_9, %parallel_loop3A_127] : memref<8x4096xf32, #tpu.memory_space<vmem>>[vector<16xi32>, vector<16xi32>], vector<16xf32>,
      %parallel_loop3A_140 = tpu.vector_load_idx %arg6[%broadcast_in_dim3A_11, %parallel_loop3A_127] : memref<8x4096xf32, #tpu.memory_space<vmem>>[vector<16xi32>, vector<16xi32>], vector<16xf32>,
      %parallel_loop3A_141 = tpu.vector_load_idx %arg6[%broadcast_in_dim3A_13, %parallel_loop3A_127] : memref<8x4096xf32, #tpu.memory_space<vmem>>[vector<16xi32>, vector<16xi32>], vector<16xf32>,
      %parallel_loop3A_142 = tpu.vector_load_idx %arg6[%broadcast_in_dim3A_15, %parallel_loop3A_127] : memref<8x4096xf32, #tpu.memory_space<vmem>>[vector<16xi32>, vector<16xi32>], vector<16xf32>,
      %parallel_loop3A_143 = tpu.vector_load_idx %arg6[%broadcast_in_dim3A_17, %parallel_loop3A_127] : memref<8x4096xf32, #tpu.memory_space<vmem>>[vector<16xi32>, vector<16xi32>], vector<16xf32>,
      %parallel_loop3A_144 = arith.constant 0 : i32
      %parallel_loop3A_145 = arith.addi %parallel_loop3A_111, %parallel_loop3A_144 : i32
      %parallel_loop3A_146 = arith.constant 16 : i32
      %parallel_loop3A_147 = arith.muli %parallel_loop3A_145, %parallel_loop3A_146 : i32
      %parallel_loop3A_148 = arith.constant 0 : i32
      %parallel_loop3A_149 = arith.index_cast %parallel_loop3A_148 : i32 to index
      %parallel_loop3A_150 = arith.index_cast %parallel_loop3A_147 : i32 to index
      %parallel_loop3A_151 = tpu.vector_load %arg9[%parallel_loop3A_149, %parallel_loop3A_150] {strides = array<i32>} : memref<8x2048xf32, #tpu.memory_space<vmem>>, vector<16xf32>,
      tpu.vector_store %arg9[%parallel_loop3A_149, %parallel_loop3A_150], %parallel_loop3A_128 {strides = array<i32>} : memref<8x2048xf32, #tpu.memory_space<vmem>>, vector<16xf32>,
      %parallel_loop3A_152 = arith.constant 0 : i32
      %parallel_loop3A_153 = arith.addi %parallel_loop3A_111, %parallel_loop3A_152 : i32
      %parallel_loop3A_154 = arith.constant 16 : i32
      %parallel_loop3A_155 = arith.muli %parallel_loop3A_153, %parallel_loop3A_154 : i32
      %parallel_loop3A_156 = arith.constant 1 : i32
      %parallel_loop3A_157 = arith.index_cast %parallel_loop3A_156 : i32 to index
      %parallel_loop3A_158 = arith.index_cast %parallel_loop3A_155 : i32 to index
      %parallel_loop3A_159 = tpu.vector_load %arg9[%parallel_loop3A_157, %parallel_loop3A_158] {strides = array<i32>} : memref<8x2048xf32, #tpu.memory_space<vmem>>, vector<16xf32>,
      tpu.vector_store %arg9[%parallel_loop3A_157, %parallel_loop3A_158], %parallel_loop3A_129 {strides = array<i32>} : memref<8x2048xf32, #tpu.memory_space<vmem>>, vector<16xf32>,
      %parallel_loop3A_160 = arith.constant 0 : i32
      %parallel_loop3A_161 = arith.addi %parallel_loop3A_111, %parallel_loop3A_160 : i32
      %parallel_loop3A_162 = arith.constant 16 : i32
      %parallel_loop3A_163 = arith.muli %parallel_loop3A_161, %parallel_loop3A_162 : i32
      %parallel_loop3A_164 = arith.constant 2 : i32
      %parallel_loop3A_165 = arith.index_cast %parallel_loop3A_164 : i32 to index
      %parallel_loop3A_166 = arith.index_cast %parallel_loop3A_163 : i32 to index
      %parallel_loop3A_167 = tpu.vector_load %arg9[%parallel_loop3A_165, %parallel_loop3A_166] {strides = array<i32>} : memref<8x2048xf32, #tpu.memory_space<vmem>>, vector<16xf32>,
      tpu.vector_store %arg9[%parallel_loop3A_165, %parallel_loop3A_166], %parallel_loop3A_130 {strides = array<i32>} : memref<8x2048xf32, #tpu.memory_space<vmem>>, vector<16xf32>,
      %parallel_loop3A_168 = arith.constant 0 : i32
      %parallel_loop3A_169 = arith.addi %parallel_loop3A_111, %parallel_loop3A_168 : i32
      %parallel_loop3A_170 = arith.constant 16 : i32
      %parallel_loop3A_171 = arith.muli %parallel_loop3A_169, %parallel_loop3A_170 : i32
      %parallel_loop3A_172 = arith.constant 3 : i32
      %parallel_loop3A_173 = arith.index_cast %parallel_loop3A_172 : i32 to index
      %parallel_loop3A_174 = arith.index_cast %parallel_loop3A_171 : i32 to index
      %parallel_loop3A_175 = tpu.vector_load %arg9[%parallel_loop3A_173, %parallel_loop3A_174] {strides = array<i32>} : memref<8x2048xf32, #tpu.memory_space<vmem>>, vector<16xf32>,
      tpu.vector_store %arg9[%parallel_loop3A_173, %parallel_loop3A_174], %parallel_loop3A_131 {strides = array<i32>} : memref<8x2048xf32, #tpu.memory_space<vmem>>, vector<16xf32>,
      %parallel_loop3A_176 = arith.constant 0 : i32
      %parallel_loop3A_177 = arith.addi %parallel_loop3A_111, %parallel_loop3A_176 : i32
      %parallel_loop3A_178 = arith.constant 16 : i32
      %parallel_loop3A_179 = arith.muli %parallel_loop3A_177, %parallel_loop3A_178 : i32
      %parallel_loop3A_180 = arith.constant 4 : i32
      %parallel_loop3A_181 = arith.index_cast %parallel_loop3A_180 : i32 to index
      %parallel_loop3A_182 = arith.index_cast %parallel_loop3A_179 : i32 to index
      %parallel_loop3A_183 = tpu.vector_load %arg9[%parallel_loop3A_181, %parallel_loop3A_182] {strides = array<i32>} : memref<8x2048xf32, #tpu.memory_space<vmem>>, vector<16xf32>,
      tpu.vector_store %arg9[%parallel_loop3A_181, %parallel_loop3A_182], %parallel_loop3A_132 {strides = array<i32>} : memref<8x2048xf32, #tpu.memory_space<vmem>>, vector<16xf32>,
      %parallel_loop3A_184 = arith.constant 0 : i32
      %parallel_loop3A_185 = arith.addi %parallel_loop3A_111, %parallel_loop3A_184 : i32
      %parallel_loop3A_186 = arith.constant 16 : i32
      %parallel_loop3A_187 = arith.muli %parallel_loop3A_185, %parallel_loop3A_186 : i32
      %parallel_loop3A_188 = arith.constant 5 : i32
      %parallel_loop3A_189 = arith.index_cast %parallel_loop3A_188 : i32 to index
      %parallel_loop3A_190 = arith.index_cast %parallel_loop3A_187 : i32 to index
      %parallel_loop3A_191 = tpu.vector_load %arg9[%parallel_loop3A_189, %parallel_loop3A_190] {strides = array<i32>} : memref<8x2048xf32, #tpu.memory_space<vmem>>, vector<16xf32>,
      tpu.vector_store %arg9[%parallel_loop3A_189, %parallel_loop3A_190], %parallel_loop3A_133 {strides = array<i32>} : memref<8x2048xf32, #tpu.memory_space<vmem>>, vector<16xf32>,
      %parallel_loop3A_192 = arith.constant 0 : i32
      %parallel_loop3A_193 = arith.addi %parallel_loop3A_111, %parallel_loop3A_192 : i32
      %parallel_loop3A_194 = arith.constant 16 : i32
      %parallel_loop3A_195 = arith.muli %parallel_loop3A_193, %parallel_loop3A_194 : i32
      %parallel_loop3A_196 = arith.constant 6 : i32
      %parallel_loop3A_197 = arith.index_cast %parallel_loop3A_196 : i32 to index
      %parallel_loop3A_198 = arith.index_cast %parallel_loop3A_195 : i32 to index
      %parallel_loop3A_199 = tpu.vector_load %arg9[%parallel_loop3A_197, %parallel_loop3A_198] {strides = array<i32>} : memref<8x2048xf32, #tpu.memory_space<vmem>>, vector<16xf32>,
      tpu.vector_store %arg9[%parallel_loop3A_197, %parallel_loop3A_198], %parallel_loop3A_134 {strides = array<i32>} : memref<8x2048xf32, #tpu.memory_space<vmem>>, vector<16xf32>,
      %parallel_loop3A_200 = arith.constant 0 : i32
      %parallel_loop3A_201 = arith.addi %parallel_loop3A_111, %parallel_loop3A_200 : i32
      %parallel_loop3A_202 = arith.constant 16 : i32
      %parallel_loop3A_203 = arith.muli %parallel_loop3A_201, %parallel_loop3A_202 : i32
      %parallel_loop3A_204 = arith.constant 7 : i32
      %parallel_loop3A_205 = arith.index_cast %parallel_loop3A_204 : i32 to index
      %parallel_loop3A_206 = arith.index_cast %parallel_loop3A_203 : i32 to index
      %parallel_loop3A_207 = tpu.vector_load %arg9[%parallel_loop3A_205, %parallel_loop3A_206] {strides = array<i32>} : memref<8x2048xf32, #tpu.memory_space<vmem>>, vector<16xf32>,
      tpu.vector_store %arg9[%parallel_loop3A_205, %parallel_loop3A_206], %parallel_loop3A_135 {strides = array<i32>} : memref<8x2048xf32, #tpu.memory_space<vmem>>, vector<16xf32>,
      %parallel_loop3A_208 = arith.constant 1 : i32
      %parallel_loop3A_209 = arith.addi %parallel_loop3A_111, %parallel_loop3A_208 : i32
      %parallel_loop3A_210 = arith.constant 16 : i32
      %parallel_loop3A_211 = arith.muli %parallel_loop3A_209, %parallel_loop3A_210 : i32
      %parallel_loop3A_212 = arith.constant 0 : i32
      %parallel_loop3A_213 = arith.index_cast %parallel_loop3A_212 : i32 to index
      %parallel_loop3A_214 = arith.index_cast %parallel_loop3A_211 : i32 to index
      %parallel_loop3A_215 = tpu.vector_load %arg9[%parallel_loop3A_213, %parallel_loop3A_214] {strides = array<i32>} : memref<8x2048xf32, #tpu.memory_space<vmem>>, vector<16xf32>,
      tpu.vector_store %arg9[%parallel_loop3A_213, %parallel_loop3A_214], %parallel_loop3A_136 {strides = array<i32>} : memref<8x2048xf32, #tpu.memory_space<vmem>>, vector<16xf32>,
      %parallel_loop3A_216 = arith.constant 1 : i32
      %parallel_loop3A_217 = arith.addi %parallel_loop3A_111, %parallel_loop3A_216 : i32
      %parallel_loop3A_218 = arith.constant 16 : i32
      %parallel_loop3A_219 = arith.muli %parallel_loop3A_217, %parallel_loop3A_218 : i32
      %parallel_loop3A_220 = arith.constant 1 : i32
      %parallel_loop3A_221 = arith.index_cast %parallel_loop3A_220 : i32 to index
      %parallel_loop3A_222 = arith.index_cast %parallel_loop3A_219 : i32 to index
      %parallel_loop3A_223 = tpu.vector_load %arg9[%parallel_loop3A_221, %parallel_loop3A_222] {strides = array<i32>} : memref<8x2048xf32, #tpu.memory_space<vmem>>, vector<16xf32>,
      tpu.vector_store %arg9[%parallel_loop3A_221, %parallel_loop3A_222], %parallel_loop3A_137 {strides = array<i32>} : memref<8x2048xf32, #tpu.memory_space<vmem>>, vector<16xf32>,
      %parallel_loop3A_224 = arith.constant 1 : i32
      %parallel_loop3A_225 = arith.addi %parallel_loop3A_111, %parallel_loop3A_224 : i32
      %parallel_loop3A_226 = arith.constant 16 : i32
      %parallel_loop3A_227 = arith.muli %parallel_loop3A_225, %parallel_loop3A_226 : i32
      %parallel_loop3A_228 = arith.constant 2 : i32
      %parallel_loop3A_229 = arith.index_cast %parallel_loop3A_228 : i32 to index
      %parallel_loop3A_230 = arith.index_cast %parallel_loop3A_227 : i32 to index
      %parallel_loop3A_231 = tpu.vector_load %arg9[%parallel_loop3A_229, %parallel_loop3A_230] {strides = array<i32>} : memref<8x2048xf32, #tpu.memory_space<vmem>>, vector<16xf32>,
      tpu.vector_store %arg9[%parallel_loop3A_229, %parallel_loop3A_230], %parallel_loop3A_138 {strides = array<i32>} : memref<8x2048xf32, #tpu.memory_space<vmem>>, vector<16xf32>,
      %parallel_loop3A_232 = arith.constant 1 : i32
      %parallel_loop3A_233 = arith.addi %parallel_loop3A_111, %parallel_loop3A_232 : i32
      %parallel_loop3A_234 = arith.constant 16 : i32
      %parallel_loop3A_235 = arith.muli %parallel_loop3A_233, %parallel_loop3A_234 : i32
      %parallel_loop3A_236 = arith.constant 3 : i32
      %parallel_loop3A_237 = arith.index_cast %parallel_loop3A_236 : i32 to index
      %parallel_loop3A_238 = arith.index_cast %parallel_loop3A_235 : i32 to index
      %parallel_loop3A_239 = tpu.vector_load %arg9[%parallel_loop3A_237, %parallel_loop3A_238] {strides = array<i32>} : memref<8x2048xf32, #tpu.memory_space<vmem>>, vector<16xf32>,
      tpu.vector_store %arg9[%parallel_loop3A_237, %parallel_loop3A_238], %parallel_loop3A_139 {strides = array<i32>} : memref<8x2048xf32, #tpu.memory_space<vmem>>, vector<16xf32>,
      %parallel_loop3A_240 = arith.constant 1 : i32
      %parallel_loop3A_241 = arith.addi %parallel_loop3A_111, %parallel_loop3A_240 : i32
      %parallel_loop3A_242 = arith.constant 16 : i32
      %parallel_loop3A_243 = arith.muli %parallel_loop3A_241, %parallel_loop3A_242 : i32
      %parallel_loop3A_244 = arith.constant 4 : i32
      %parallel_loop3A_245 = arith.index_cast %parallel_loop3A_244 : i32 to index
      %parallel_loop3A_246 = arith.index_cast %parallel_loop3A_243 : i32 to index
      %parallel_loop3A_247 = tpu.vector_load %arg9[%parallel_loop3A_245, %parallel_loop3A_246] {strides = array<i32>} : memref<8x2048xf32, #tpu.memory_space<vmem>>, vector<16xf32>,
      tpu.vector_store %arg9[%parallel_loop3A_245, %parallel_loop3A_246], %parallel_loop3A_140 {strides = array<i32>} : memref<8x2048xf32, #tpu.memory_space<vmem>>, vector<16xf32>,
      %parallel_loop3A_248 = arith.constant 1 : i32
      %parallel_loop3A_249 = arith.addi %parallel_loop3A_111, %parallel_loop3A_248 : i32
      %parallel_loop3A_250 = arith.constant 16 : i32
      %parallel_loop3A_251 = arith.muli %parallel_loop3A_249, %parallel_loop3A_250 : i32
      %parallel_loop3A_252 = arith.constant 5 : i32
      %parallel_loop3A_253 = arith.index_cast %parallel_loop3A_252 : i32 to index
      %parallel_loop3A_254 = arith.index_cast %parallel_loop3A_251 : i32 to index
      %parallel_loop3A_255 = tpu.vector_load %arg9[%parallel_loop3A_253, %parallel_loop3A_254] {strides = array<i32>} : memref<8x2048xf32, #tpu.memory_space<vmem>>, vector<16xf32>,
      tpu.vector_store %arg9[%parallel_loop3A_253, %parallel_loop3A_254], %parallel_loop3A_141 {strides = array<i32>} : memref<8x2048xf32, #tpu.memory_space<vmem>>, vector<16xf32>,
      %parallel_loop3A_256 = arith.constant 1 : i32
      %parallel_loop3A_257 = arith.addi %parallel_loop3A_111, %parallel_loop3A_256 : i32
      %parallel_loop3A_258 = arith.constant 16 : i32
      %parallel_loop3A_259 = arith.muli %parallel_loop3A_257, %parallel_loop3A_258 : i32
      %parallel_loop3A_260 = arith.constant 6 : i32
      %parallel_loop3A_261 = arith.index_cast %parallel_loop3A_260 : i32 to index
      %parallel_loop3A_262 = arith.index_cast %parallel_loop3A_259 : i32 to index
      %parallel_loop3A_263 = tpu.vector_load %arg9[%parallel_loop3A_261, %parallel_loop3A_262] {strides = array<i32>} : memref<8x2048xf32, #tpu.memory_space<vmem>>, vector<16xf32>,
      tpu.vector_store %arg9[%parallel_loop3A_261, %parallel_loop3A_262], %parallel_loop3A_142 {strides = array<i32>} : memref<8x2048xf32, #tpu.memory_space<vmem>>, vector<16xf32>,
      %parallel_loop3A_264 = arith.constant 1 : i32
      %parallel_loop3A_265 = arith.addi %parallel_loop3A_111, %parallel_loop3A_264 : i32
      %parallel_loop3A_266 = arith.constant 16 : i32
      %parallel_loop3A_267 = arith.muli %parallel_loop3A_265, %parallel_loop3A_266 : i32
      %parallel_loop3A_268 = arith.constant 7 : i32
      %parallel_loop3A_269 = arith.index_cast %parallel_loop3A_268 : i32 to index
      %parallel_loop3A_270 = arith.index_cast %parallel_loop3A_267 : i32 to index
      %parallel_loop3A_271 = tpu.vector_load %arg9[%parallel_loop3A_269, %parallel_loop3A_270] {strides = array<i32>} : memref<8x2048xf32, #tpu.memory_space<vmem>>, vector<16xf32>,
      tpu.vector_store %arg9[%parallel_loop3A_269, %parallel_loop3A_270], %parallel_loop3A_143 {strides = array<i32>} : memref<8x2048xf32, #tpu.memory_space<vmem>>, vector<16xf32>,
    } {sc.loop_unroll_factor = 1 : i64, sc.parallel_access}
    %add3A_45 = arith.constant 0 : i32
    %add3A_46 = arith.addi %mul3A_2, %add3A_45 : i32
    %dma_start3A_47 = arith.constant 2048 : i32
    %dma_start3A_48 = tpu.memref_slice %arg4[%add3A_46, %dma_start3A_47] : memref<4096x4096xf32, #tpu.memory_space<hbm>> -> memref<8x2048xf32, #tpu.memory_space<hbm>>
    %dma_start3A_49 = arith.constant 2048 : i32
    %dma_start3A_50 = tpu.memref_slice %arg4[%add3A_46, %dma_start3A_49] : memref<4096x4096xf32, #tpu.memory_space<hbm>> -> memref<8x2048xf32, #tpu.memory_space<hbm>>
    tpu.enqueue_dma source(%arg9 : memref<8x2048xf32, #tpu.memory_space<vmem>>) target(%dma_start3A_50 : memref<8x2048xf32, #tpu.memory_space<hbm>>) target_semaphore(%arg13 : memref<!tpu.dma_semaphore, #tpu.memory_space<semaphore_mem>>)
    %add3A_51 = arith.constant 16 : i32
    %add3A_52 = arith.addi %mul3A_2, %add3A_51 : i32
    %dma_start3A_53 = arith.constant 0 : i32
    %dma_start3A_54 = tpu.memref_slice %arg2[%add3A_52, %dma_start3A_53] : memref<4096x4096xf32, #tpu.memory_space<hbm>> -> memref<8x4096xf32, #tpu.memory_space<hbm>>
    %dma_start3A_55 = arith.constant 0 : i32
    %dma_start3A_56 = tpu.memref_slice %arg2[%add3A_52, %dma_start3A_55] : memref<4096x4096xf32, #tpu.memory_space<hbm>> -> memref<8x4096xf32, #tpu.memory_space<hbm>>
    tpu.enqueue_dma source(%dma_start3A_56 : memref<8x4096xf32, #tpu.memory_space<hbm>>) target(%arg6 : memref<8x4096xf32, #tpu.memory_space<vmem>>) target_semaphore(%arg10 : memref<!tpu.dma_semaphore, #tpu.memory_space<semaphore_mem>>)
    %scan3A = arith.constant 0 : i32
    %scan3A_57 = arith.constant 7 : i32
    %scan3A_58 = arith.addi %scan3A, %scan3A_57 : i32
    %scan3A_59 = arith.constant 1 : i32
    scf.for %scan3A_109 = %scan3A to %scan3A_58 step %scan3A_59  : i32 {
      %mul3A_110 = arith.constant 1 : i32
      %mul3A_111 = arith.muli %scan3A_109, %mul3A_110 : i32
      %add3A_112 = arith.constant 0 : i32
      %add3A_113 = arith.addi %add3A_112, %mul3A_111 : i32
      %mul3A_114 = arith.constant 2 : i32
      %mul3A_115 = arith.muli %add3A_113, %mul3A_114 : i32
      %add3A_116 = arith.constant 1 : i32
      %add3A_117 = arith.addi %add3A_116, %mul3A_115 : i32
      %add3A_118 = arith.constant 0 : i32
      %add3A_119 = arith.addi %add3A_117, %add3A_118 : i32
      %mul3A_120 = arith.constant 8 : i32
      %mul3A_121 = arith.muli %add3A_119, %mul3A_120 : i32
      %add3A_122 = arith.addi %mul3A_2, %mul3A_121 : i32
      %dma_wait3A_123 = arith.constant 0 : i32
      %dma_wait3A_124 = tpu.memref_slice %arg2[%add3A_122, %dma_wait3A_123] : memref<4096x4096xf32, #tpu.memory_space<hbm>> -> memref<8x4096xf32, #tpu.memory_space<hbm>>
      %dma_wait3A_125 = arith.constant 0 : i32
      %dma_wait3A_126 = tpu.memref_slice %arg2[%add3A_122, %dma_wait3A_125] : memref<4096x4096xf32, #tpu.memory_space<hbm>> -> memref<8x4096xf32, #tpu.memory_space<hbm>>
      tpu.wait_dma2 semaphore(%arg11 : memref<!tpu.dma_semaphore, #tpu.memory_space<semaphore_mem>>) src(%dma_wait3A_126 : memref<8x4096xf32, #tpu.memory_space<hbm>>) dst(%arg7 : memref<8x4096xf32, #tpu.memory_space<vmem>>)
      %sub3A = arith.constant 1 : i32
      %sub3A_127 = arith.subi %add3A_119, %sub3A : i32
      %mul3A_128 = arith.constant 8 : i32
      %mul3A_129 = arith.muli %sub3A_127, %mul3A_128 : i32
      %add3A_130 = arith.addi %mul3A_2, %mul3A_129 : i32
      %dma_wait3A_131 = arith.constant 0 : i32
      %dma_wait3A_132 = tpu.memref_slice %arg4[%add3A_130, %dma_wait3A_131] : memref<4096x4096xf32, #tpu.memory_space<hbm>> -> memref<8x2048xf32, #tpu.memory_space<hbm>>
      %dma_wait3A_133 = arith.constant 0 : i32
      %dma_wait3A_134 = tpu.memref_slice %arg4[%add3A_130, %dma_wait3A_133] : memref<4096x4096xf32, #tpu.memory_space<hbm>> -> memref<8x2048xf32, #tpu.memory_space<hbm>>
      tpu.wait_dma2 semaphore(%arg12 : memref<!tpu.dma_semaphore, #tpu.memory_space<semaphore_mem>>) src(%arg8 : memref<8x2048xf32, #tpu.memory_space<vmem>>) dst(%dma_wait3A_134 : memref<8x2048xf32, #tpu.memory_space<hbm>>)
      %parallel_loop3A_135 = arith.constant 0 : i32
      %parallel_loop3A_136 = arith.constant 64 : i32
      %parallel_loop3A_137 = arith.constant 1 : i32
      scf.for %parallel_loop3A_226 = %parallel_loop3A_135 to %parallel_loop3A_136 step %parallel_loop3A_137  : i32 {
        %parallel_loop3A_227 = arith.constant 2 : i32
        %parallel_loop3A_228 = arith.muli %parallel_loop3A_226, %parallel_loop3A_227 : i32
        %parallel_loop3A_229 = arith.constant 0 : i32
        %parallel_loop3A_230 = arith.addi %parallel_loop3A_229, %parallel_loop3A_228 : i32
        %parallel_loop3A_231 = arith.constant 0 : i32
        %parallel_loop3A_232 = arith.addi %parallel_loop3A_230, %parallel_loop3A_231 : i32
        %parallel_loop3A_233 = arith.constant 16 : i32
        %parallel_loop3A_234 = arith.muli %parallel_loop3A_232, %parallel_loop3A_233 : i32
        %parallel_loop3A_235 = arith.index_cast %parallel_loop3A_234 : i32 to index
        %parallel_loop3A_236 = tpu.vector_load %arg5[%parallel_loop3A_235] {strides = array<i32>} : memref<4096xi32, #tpu.memory_space<vmem>>, vector<16xi32>,
        %parallel_loop3A_237 = arith.constant 0 : i32
        %parallel_loop3A_238 = arith.addi %parallel_loop3A_237, %parallel_loop3A_228 : i32
        %parallel_loop3A_239 = arith.constant 1 : i32
        %parallel_loop3A_240 = arith.addi %parallel_loop3A_238, %parallel_loop3A_239 : i32
        %parallel_loop3A_241 = arith.constant 16 : i32
        %parallel_loop3A_242 = arith.muli %parallel_loop3A_240, %parallel_loop3A_241 : i32
        %parallel_loop3A_243 = arith.index_cast %parallel_loop3A_242 : i32 to index
        %parallel_loop3A_244 = tpu.vector_load %arg5[%parallel_loop3A_243] {strides = array<i32>} : memref<4096xi32, #tpu.memory_space<vmem>>, vector<16xi32>,
        %parallel_loop3A_245 = tpu.vector_load_idx %arg7[%broadcast_in_dim3A_3, %parallel_loop3A_236] : memref<8x4096xf32, #tpu.memory_space<vmem>>[vector<16xi32>, vector<16xi32>], vector<16xf32>,
        %parallel_loop3A_246 = tpu.vector_load_idx %arg7[%broadcast_in_dim3A_5, %parallel_loop3A_236] : memref<8x4096xf32, #tpu.memory_space<vmem>>[vector<16xi32>, vector<16xi32>], vector<16xf32>,
        %parallel_loop3A_247 = tpu.vector_load_idx %arg7[%broadcast_in_dim3A_7, %parallel_loop3A_236] : memref<8x4096xf32, #tpu.memory_space<vmem>>[vector<16xi32>, vector<16xi32>], vector<16xf32>,
        %parallel_loop3A_248 = tpu.vector_load_idx %arg7[%broadcast_in_dim3A_9, %parallel_loop3A_236] : memref<8x4096xf32, #tpu.memory_space<vmem>>[vector<16xi32>, vector<16xi32>], vector<16xf32>,
        %parallel_loop3A_249 = tpu.vector_load_idx %arg7[%broadcast_in_dim3A_11, %parallel_loop3A_236] : memref<8x4096xf32, #tpu.memory_space<vmem>>[vector<16xi32>, vector<16xi32>], vector<16xf32>,
        %parallel_loop3A_250 = tpu.vector_load_idx %arg7[%broadcast_in_dim3A_13, %parallel_loop3A_236] : memref<8x4096xf32, #tpu.memory_space<vmem>>[vector<16xi32>, vector<16xi32>], vector<16xf32>,
        %parallel_loop3A_251 = tpu.vector_load_idx %arg7[%broadcast_in_dim3A_15, %parallel_loop3A_236] : memref<8x4096xf32, #tpu.memory_space<vmem>>[vector<16xi32>, vector<16xi32>], vector<16xf32>,
        %parallel_loop3A_252 = tpu.vector_load_idx %arg7[%broadcast_in_dim3A_17, %parallel_loop3A_236] : memref<8x4096xf32, #tpu.memory_space<vmem>>[vector<16xi32>, vector<16xi32>], vector<16xf32>,
        %parallel_loop3A_253 = tpu.vector_load_idx %arg7[%broadcast_in_dim3A_3, %parallel_loop3A_244] : memref<8x4096xf32, #tpu.memory_space<vmem>>[vector<16xi32>, vector<16xi32>], vector<16xf32>,
        %parallel_loop3A_254 = tpu.vector_load_idx %arg7[%broadcast_in_dim3A_5, %parallel_loop3A_244] : memref<8x4096xf32, #tpu.memory_space<vmem>>[vector<16xi32>, vector<16xi32>], vector<16xf32>,
        %parallel_loop3A_255 = tpu.vector_load_idx %arg7[%broadcast_in_dim3A_7, %parallel_loop3A_244] : memref<8x4096xf32, #tpu.memory_space<vmem>>[vector<16xi32>, vector<16xi32>], vector<16xf32>,
        %parallel_loop3A_256 = tpu.vector_load_idx %arg7[%broadcast_in_dim3A_9, %parallel_loop3A_244] : memref<8x4096xf32, #tpu.memory_space<vmem>>[vector<16xi32>, vector<16xi32>], vector<16xf32>,
        %parallel_loop3A_257 = tpu.vector_load_idx %arg7[%broadcast_in_dim3A_11, %parallel_loop3A_244] : memref<8x4096xf32, #tpu.memory_space<vmem>>[vector<16xi32>, vector<16xi32>], vector<16xf32>,
        %parallel_loop3A_258 = tpu.vector_load_idx %arg7[%broadcast_in_dim3A_13, %parallel_loop3A_244] : memref<8x4096xf32, #tpu.memory_space<vmem>>[vector<16xi32>, vector<16xi32>], vector<16xf32>,
        %parallel_loop3A_259 = tpu.vector_load_idx %arg7[%broadcast_in_dim3A_15, %parallel_loop3A_244] : memref<8x4096xf32, #tpu.memory_space<vmem>>[vector<16xi32>, vector<16xi32>], vector<16xf32>,
        %parallel_loop3A_260 = tpu.vector_load_idx %arg7[%broadcast_in_dim3A_17, %parallel_loop3A_244] : memref<8x4096xf32, #tpu.memory_space<vmem>>[vector<16xi32>, vector<16xi32>], vector<16xf32>,
        %parallel_loop3A_261 = arith.constant 0 : i32
        %parallel_loop3A_262 = arith.addi %parallel_loop3A_228, %parallel_loop3A_261 : i32
        %parallel_loop3A_263 = arith.constant 16 : i32
        %parallel_loop3A_264 = arith.muli %parallel_loop3A_262, %parallel_loop3A_263 : i32
        %parallel_loop3A_265 = arith.constant 0 : i32
        %parallel_loop3A_266 = arith.index_cast %parallel_loop3A_265 : i32 to index
        %parallel_loop3A_267 = arith.index_cast %parallel_loop3A_264 : i32 to index
        %parallel_loop3A_268 = tpu.vector_load %arg8[%parallel_loop3A_266, %parallel_loop3A_267] {strides = array<i32>} : memref<8x2048xf32, #tpu.memory_space<vmem>>, vector<16xf32>,
        tpu.vector_store %arg8[%parallel_loop3A_266, %parallel_loop3A_267], %parallel_loop3A_245 {strides = array<i32>} : memref<8x2048xf32, #tpu.memory_space<vmem>>, vector<16xf32>,
        %parallel_loop3A_269 = arith.constant 0 : i32
        %parallel_loop3A_270 = arith.addi %parallel_loop3A_228, %parallel_loop3A_269 : i32
        %parallel_loop3A_271 = arith.constant 16 : i32
        %parallel_loop3A_272 = arith.muli %parallel_loop3A_270, %parallel_loop3A_271 : i32
        %parallel_loop3A_273 = arith.constant 1 : i32
        %parallel_loop3A_274 = arith.index_cast %parallel_loop3A_273 : i32 to index
        %parallel_loop3A_275 = arith.index_cast %parallel_loop3A_272 : i32 to index
        %parallel_loop3A_276 = tpu.vector_load %arg8[%parallel_loop3A_274, %parallel_loop3A_275] {strides = array<i32>} : memref<8x2048xf32, #tpu.memory_space<vmem>>, vector<16xf32>,
        tpu.vector_store %arg8[%parallel_loop3A_274, %parallel_loop3A_275], %parallel_loop3A_246 {strides = array<i32>} : memref<8x2048xf32, #tpu.memory_space<vmem>>, vector<16xf32>,
        %parallel_loop3A_277 = arith.constant 0 : i32
        %parallel_loop3A_278 = arith.addi %parallel_loop3A_228, %parallel_loop3A_277 : i32
        %parallel_loop3A_279 = arith.constant 16 : i32
        %parallel_loop3A_280 = arith.muli %parallel_loop3A_278, %parallel_loop3A_279 : i32
        %parallel_loop3A_281 = arith.constant 2 : i32
        %parallel_loop3A_282 = arith.index_cast %parallel_loop3A_281 : i32 to index
        %parallel_loop3A_283 = arith.index_cast %parallel_loop3A_280 : i32 to index
        %parallel_loop3A_284 = tpu.vector_load %arg8[%parallel_loop3A_282, %parallel_loop3A_283] {strides = array<i32>} : memref<8x2048xf32, #tpu.memory_space<vmem>>, vector<16xf32>,
        tpu.vector_store %arg8[%parallel_loop3A_282, %parallel_loop3A_283], %parallel_loop3A_247 {strides = array<i32>} : memref<8x2048xf32, #tpu.memory_space<vmem>>, vector<16xf32>,
        %parallel_loop3A_285 = arith.constant 0 : i32
        %parallel_loop3A_286 = arith.addi %parallel_loop3A_228, %parallel_loop3A_285 : i32
        %parallel_loop3A_287 = arith.constant 16 : i32
        %parallel_loop3A_288 = arith.muli %parallel_loop3A_286, %parallel_loop3A_287 : i32
        %parallel_loop3A_289 = arith.constant 3 : i32
        %parallel_loop3A_290 = arith.index_cast %parallel_loop3A_289 : i32 to index
        %parallel_loop3A_291 = arith.index_cast %parallel_loop3A_288 : i32 to index
        %parallel_loop3A_292 = tpu.vector_load %arg8[%parallel_loop3A_290, %parallel_loop3A_291] {strides = array<i32>} : memref<8x2048xf32, #tpu.memory_space<vmem>>, vector<16xf32>,
        tpu.vector_store %arg8[%parallel_loop3A_290, %parallel_loop3A_291], %parallel_loop3A_248 {strides = array<i32>} : memref<8x2048xf32, #tpu.memory_space<vmem>>, vector<16xf32>,
        %parallel_loop3A_293 = arith.constant 0 : i32
        %parallel_loop3A_294 = arith.addi %parallel_loop3A_228, %parallel_loop3A_293 : i32
        %parallel_loop3A_295 = arith.constant 16 : i32
        %parallel_loop3A_296 = arith.muli %parallel_loop3A_294, %parallel_loop3A_295 : i32
        %parallel_loop3A_297 = arith.constant 4 : i32
        %parallel_loop3A_298 = arith.index_cast %parallel_loop3A_297 : i32 to index
        %parallel_loop3A_299 = arith.index_cast %parallel_loop3A_296 : i32 to index
        %parallel_loop3A_300 = tpu.vector_load %arg8[%parallel_loop3A_298, %parallel_loop3A_299] {strides = array<i32>} : memref<8x2048xf32, #tpu.memory_space<vmem>>, vector<16xf32>,
        tpu.vector_store %arg8[%parallel_loop3A_298, %parallel_loop3A_299], %parallel_loop3A_249 {strides = array<i32>} : memref<8x2048xf32, #tpu.memory_space<vmem>>, vector<16xf32>,
        %parallel_loop3A_301 = arith.constant 0 : i32
        %parallel_loop3A_302 = arith.addi %parallel_loop3A_228, %parallel_loop3A_301 : i32
        %parallel_loop3A_303 = arith.constant 16 : i32
        %parallel_loop3A_304 = arith.muli %parallel_loop3A_302, %parallel_loop3A_303 : i32
        %parallel_loop3A_305 = arith.constant 5 : i32
        %parallel_loop3A_306 = arith.index_cast %parallel_loop3A_305 : i32 to index
        %parallel_loop3A_307 = arith.index_cast %parallel_loop3A_304 : i32 to index
        %parallel_loop3A_308 = tpu.vector_load %arg8[%parallel_loop3A_306, %parallel_loop3A_307] {strides = array<i32>} : memref<8x2048xf32, #tpu.memory_space<vmem>>, vector<16xf32>,
        tpu.vector_store %arg8[%parallel_loop3A_306, %parallel_loop3A_307], %parallel_loop3A_250 {strides = array<i32>} : memref<8x2048xf32, #tpu.memory_space<vmem>>, vector<16xf32>,
        %parallel_loop3A_309 = arith.constant 0 : i32
        %parallel_loop3A_310 = arith.addi %parallel_loop3A_228, %parallel_loop3A_309 : i32
        %parallel_loop3A_311 = arith.constant 16 : i32
        %parallel_loop3A_312 = arith.muli %parallel_loop3A_310, %parallel_loop3A_311 : i32
        %parallel_loop3A_313 = arith.constant 6 : i32
        %parallel_loop3A_314 = arith.index_cast %parallel_loop3A_313 : i32 to index
        %parallel_loop3A_315 = arith.index_cast %parallel_loop3A_312 : i32 to index
        %parallel_loop3A_316 = tpu.vector_load %arg8[%parallel_loop3A_314, %parallel_loop3A_315] {strides = array<i32>} : memref<8x2048xf32, #tpu.memory_space<vmem>>, vector<16xf32>,
        tpu.vector_store %arg8[%parallel_loop3A_314, %parallel_loop3A_315], %parallel_loop3A_251 {strides = array<i32>} : memref<8x2048xf32, #tpu.memory_space<vmem>>, vector<16xf32>,
        %parallel_loop3A_317 = arith.constant 0 : i32
        %parallel_loop3A_318 = arith.addi %parallel_loop3A_228, %parallel_loop3A_317 : i32
        %parallel_loop3A_319 = arith.constant 16 : i32
        %parallel_loop3A_320 = arith.muli %parallel_loop3A_318, %parallel_loop3A_319 : i32
        %parallel_loop3A_321 = arith.constant 7 : i32
        %parallel_loop3A_322 = arith.index_cast %parallel_loop3A_321 : i32 to index
        %parallel_loop3A_323 = arith.index_cast %parallel_loop3A_320 : i32 to index
        %parallel_loop3A_324 = tpu.vector_load %arg8[%parallel_loop3A_322, %parallel_loop3A_323] {strides = array<i32>} : memref<8x2048xf32, #tpu.memory_space<vmem>>, vector<16xf32>,
        tpu.vector_store %arg8[%parallel_loop3A_322, %parallel_loop3A_323], %parallel_loop3A_252 {strides = array<i32>} : memref<8x2048xf32, #tpu.memory_space<vmem>>, vector<16xf32>,
        %parallel_loop3A_325 = arith.constant 1 : i32
        %parallel_loop3A_326 = arith.addi %parallel_loop3A_228, %parallel_loop3A_325 : i32
        %parallel_loop3A_327 = arith.constant 16 : i32
        %parallel_loop3A_328 = arith.muli %parallel_loop3A_326, %parallel_loop3A_327 : i32
        %parallel_loop3A_329 = arith.constant 0 : i32
        %parallel_loop3A_330 = arith.index_cast %parallel_loop3A_329 : i32 to index
        %parallel_loop3A_331 = arith.index_cast %parallel_loop3A_328 : i32 to index
        %parallel_loop3A_332 = tpu.vector_load %arg8[%parallel_loop3A_330, %parallel_loop3A_331] {strides = array<i32>} : memref<8x2048xf32, #tpu.memory_space<vmem>>, vector<16xf32>,
        tpu.vector_store %arg8[%parallel_loop3A_330, %parallel_loop3A_331], %parallel_loop3A_253 {strides = array<i32>} : memref<8x2048xf32, #tpu.memory_space<vmem>>, vector<16xf32>,
        %parallel_loop3A_333 = arith.constant 1 : i32
        %parallel_loop3A_334 = arith.addi %parallel_loop3A_228, %parallel_loop3A_333 : i32
        %parallel_loop3A_335 = arith.constant 16 : i32
        %parallel_loop3A_336 = arith.muli %parallel_loop3A_334, %parallel_loop3A_335 : i32
        %parallel_loop3A_337 = arith.constant 1 : i32
        %parallel_loop3A_338 = arith.index_cast %parallel_loop3A_337 : i32 to index
        %parallel_loop3A_339 = arith.index_cast %parallel_loop3A_336 : i32 to index
        %parallel_loop3A_340 = tpu.vector_load %arg8[%parallel_loop3A_338, %parallel_loop3A_339] {strides = array<i32>} : memref<8x2048xf32, #tpu.memory_space<vmem>>, vector<16xf32>,
        tpu.vector_store %arg8[%parallel_loop3A_338, %parallel_loop3A_339], %parallel_loop3A_254 {strides = array<i32>} : memref<8x2048xf32, #tpu.memory_space<vmem>>, vector<16xf32>,
        %parallel_loop3A_341 = arith.constant 1 : i32
        %parallel_loop3A_342 = arith.addi %parallel_loop3A_228, %parallel_loop3A_341 : i32
        %parallel_loop3A_343 = arith.constant 16 : i32
        %parallel_loop3A_344 = arith.muli %parallel_loop3A_342, %parallel_loop3A_343 : i32
        %parallel_loop3A_345 = arith.constant 2 : i32
        %parallel_loop3A_346 = arith.index_cast %parallel_loop3A_345 : i32 to index
        %parallel_loop3A_347 = arith.index_cast %parallel_loop3A_344 : i32 to index
        %parallel_loop3A_348 = tpu.vector_load %arg8[%parallel_loop3A_346, %parallel_loop3A_347] {strides = array<i32>} : memref<8x2048xf32, #tpu.memory_space<vmem>>, vector<16xf32>,
        tpu.vector_store %arg8[%parallel_loop3A_346, %parallel_loop3A_347], %parallel_loop3A_255 {strides = array<i32>} : memref<8x2048xf32, #tpu.memory_space<vmem>>, vector<16xf32>,
        %parallel_loop3A_349 = arith.constant 1 : i32
        %parallel_loop3A_350 = arith.addi %parallel_loop3A_228, %parallel_loop3A_349 : i32
        %parallel_loop3A_351 = arith.constant 16 : i32
        %parallel_loop3A_352 = arith.muli %parallel_loop3A_350, %parallel_loop3A_351 : i32
        %parallel_loop3A_353 = arith.constant 3 : i32
        %parallel_loop3A_354 = arith.index_cast %parallel_loop3A_353 : i32 to index
        %parallel_loop3A_355 = arith.index_cast %parallel_loop3A_352 : i32 to index
        %parallel_loop3A_356 = tpu.vector_load %arg8[%parallel_loop3A_354, %parallel_loop3A_355] {strides = array<i32>} : memref<8x2048xf32, #tpu.memory_space<vmem>>, vector<16xf32>,
        tpu.vector_store %arg8[%parallel_loop3A_354, %parallel_loop3A_355], %parallel_loop3A_256 {strides = array<i32>} : memref<8x2048xf32, #tpu.memory_space<vmem>>, vector<16xf32>,
        %parallel_loop3A_357 = arith.constant 1 : i32
        %parallel_loop3A_358 = arith.addi %parallel_loop3A_228, %parallel_loop3A_357 : i32
        %parallel_loop3A_359 = arith.constant 16 : i32
        %parallel_loop3A_360 = arith.muli %parallel_loop3A_358, %parallel_loop3A_359 : i32
        %parallel_loop3A_361 = arith.constant 4 : i32
        %parallel_loop3A_362 = arith.index_cast %parallel_loop3A_361 : i32 to index
        %parallel_loop3A_363 = arith.index_cast %parallel_loop3A_360 : i32 to index
        %parallel_loop3A_364 = tpu.vector_load %arg8[%parallel_loop3A_362, %parallel_loop3A_363] {strides = array<i32>} : memref<8x2048xf32, #tpu.memory_space<vmem>>, vector<16xf32>,
        tpu.vector_store %arg8[%parallel_loop3A_362, %parallel_loop3A_363], %parallel_loop3A_257 {strides = array<i32>} : memref<8x2048xf32, #tpu.memory_space<vmem>>, vector<16xf32>,
        %parallel_loop3A_365 = arith.constant 1 : i32
        %parallel_loop3A_366 = arith.addi %parallel_loop3A_228, %parallel_loop3A_365 : i32
        %parallel_loop3A_367 = arith.constant 16 : i32
        %parallel_loop3A_368 = arith.muli %parallel_loop3A_366, %parallel_loop3A_367 : i32
        %parallel_loop3A_369 = arith.constant 5 : i32
        %parallel_loop3A_370 = arith.index_cast %parallel_loop3A_369 : i32 to index
        %parallel_loop3A_371 = arith.index_cast %parallel_loop3A_368 : i32 to index
        %parallel_loop3A_372 = tpu.vector_load %arg8[%parallel_loop3A_370, %parallel_loop3A_371] {strides = array<i32>} : memref<8x2048xf32, #tpu.memory_space<vmem>>, vector<16xf32>,
        tpu.vector_store %arg8[%parallel_loop3A_370, %parallel_loop3A_371], %parallel_loop3A_258 {strides = array<i32>} : memref<8x2048xf32, #tpu.memory_space<vmem>>, vector<16xf32>,
        %parallel_loop3A_373 = arith.constant 1 : i32
        %parallel_loop3A_374 = arith.addi %parallel_loop3A_228, %parallel_loop3A_373 : i32
        %parallel_loop3A_375 = arith.constant 16 : i32
        %parallel_loop3A_376 = arith.muli %parallel_loop3A_374, %parallel_loop3A_375 : i32
        %parallel_loop3A_377 = arith.constant 6 : i32
        %parallel_loop3A_378 = arith.index_cast %parallel_loop3A_377 : i32 to index
        %parallel_loop3A_379 = arith.index_cast %parallel_loop3A_376 : i32 to index
        %parallel_loop3A_380 = tpu.vector_load %arg8[%parallel_loop3A_378, %parallel_loop3A_379] {strides = array<i32>} : memref<8x2048xf32, #tpu.memory_space<vmem>>, vector<16xf32>,
        tpu.vector_store %arg8[%parallel_loop3A_378, %parallel_loop3A_379], %parallel_loop3A_259 {strides = array<i32>} : memref<8x2048xf32, #tpu.memory_space<vmem>>, vector<16xf32>,
        %parallel_loop3A_381 = arith.constant 1 : i32
        %parallel_loop3A_382 = arith.addi %parallel_loop3A_228, %parallel_loop3A_381 : i32
        %parallel_loop3A_383 = arith.constant 16 : i32
        %parallel_loop3A_384 = arith.muli %parallel_loop3A_382, %parallel_loop3A_383 : i32
        %parallel_loop3A_385 = arith.constant 7 : i32
        %parallel_loop3A_386 = arith.index_cast %parallel_loop3A_385 : i32 to index
        %parallel_loop3A_387 = arith.index_cast %parallel_loop3A_384 : i32 to index
        %parallel_loop3A_388 = tpu.vector_load %arg8[%parallel_loop3A_386, %parallel_loop3A_387] {strides = array<i32>} : memref<8x2048xf32, #tpu.memory_space<vmem>>, vector<16xf32>,
        tpu.vector_store %arg8[%parallel_loop3A_386, %parallel_loop3A_387], %parallel_loop3A_260 {strides = array<i32>} : memref<8x2048xf32, #tpu.memory_space<vmem>>, vector<16xf32>,
      } {sc.loop_unroll_factor = 1 : i64, sc.parallel_access}
      %mul3A_138 = arith.constant 8 : i32
      %mul3A_139 = arith.muli %add3A_119, %mul3A_138 : i32
      %add3A_140 = arith.addi %mul3A_2, %mul3A_139 : i32
      %dma_start3A_141 = arith.constant 0 : i32
      %dma_start3A_142 = tpu.memref_slice %arg4[%add3A_140, %dma_start3A_141] : memref<4096x4096xf32, #tpu.memory_space<hbm>> -> memref<8x2048xf32, #tpu.memory_space<hbm>>
      %dma_start3A_143 = arith.constant 0 : i32
      %dma_start3A_144 = tpu.memref_slice %arg4[%add3A_140, %dma_start3A_143] : memref<4096x4096xf32, #tpu.memory_space<hbm>> -> memref<8x2048xf32, #tpu.memory_space<hbm>>
      tpu.enqueue_dma source(%arg8 : memref<8x2048xf32, #tpu.memory_space<vmem>>) target(%dma_start3A_144 : memref<8x2048xf32, #tpu.memory_space<hbm>>) target_semaphore(%arg12 : memref<!tpu.dma_semaphore, #tpu.memory_space<semaphore_mem>>)
      %sub3A_145 = arith.constant 1 : i32
      %sub3A_146 = arith.subi %add3A_119, %sub3A_145 : i32
      %mul3A_147 = arith.constant 8 : i32
      %mul3A_148 = arith.muli %sub3A_146, %mul3A_147 : i32
      %add3A_149 = arith.addi %mul3A_2, %mul3A_148 : i32
      %dma_wait3A_150 = arith.constant 2048 : i32
      %dma_wait3A_151 = tpu.memref_slice %arg4[%add3A_149, %dma_wait3A_150] : memref<4096x4096xf32, #tpu.memory_space<hbm>> -> memref<8x2048xf32, #tpu.memory_space<hbm>>
      %dma_wait3A_152 = arith.constant 2048 : i32
      %dma_wait3A_153 = tpu.memref_slice %arg4[%add3A_149, %dma_wait3A_152] : memref<4096x4096xf32, #tpu.memory_space<hbm>> -> memref<8x2048xf32, #tpu.memory_space<hbm>>
      tpu.wait_dma2 semaphore(%arg13 : memref<!tpu.dma_semaphore, #tpu.memory_space<semaphore_mem>>) src(%arg9 : memref<8x2048xf32, #tpu.memory_space<vmem>>) dst(%dma_wait3A_153 : memref<8x2048xf32, #tpu.memory_space<hbm>>)
      %parallel_loop3A_154 = arith.constant 0 : i32
      %parallel_loop3A_155 = arith.constant 64 : i32
      %parallel_loop3A_156 = arith.constant 1 : i32
      scf.for %parallel_loop3A_226 = %parallel_loop3A_154 to %parallel_loop3A_155 step %parallel_loop3A_156  : i32 {
        %parallel_loop3A_227 = arith.constant 2 : i32
        %parallel_loop3A_228 = arith.muli %parallel_loop3A_226, %parallel_loop3A_227 : i32
        %parallel_loop3A_229 = arith.constant 128 : i32
        %parallel_loop3A_230 = arith.addi %parallel_loop3A_229, %parallel_loop3A_228 : i32
        %parallel_loop3A_231 = arith.constant 0 : i32
        %parallel_loop3A_232 = arith.addi %parallel_loop3A_230, %parallel_loop3A_231 : i32
        %parallel_loop3A_233 = arith.constant 16 : i32
        %parallel_loop3A_234 = arith.muli %parallel_loop3A_232, %parallel_loop3A_233 : i32
        %parallel_loop3A_235 = arith.index_cast %parallel_loop3A_234 : i32 to index
        %parallel_loop3A_236 = tpu.vector_load %arg5[%parallel_loop3A_235] {strides = array<i32>} : memref<4096xi32, #tpu.memory_space<vmem>>, vector<16xi32>,
        %parallel_loop3A_237 = arith.constant 128 : i32
        %parallel_loop3A_238 = arith.addi %parallel_loop3A_237, %parallel_loop3A_228 : i32
        %parallel_loop3A_239 = arith.constant 1 : i32
        %parallel_loop3A_240 = arith.addi %parallel_loop3A_238, %parallel_loop3A_239 : i32
        %parallel_loop3A_241 = arith.constant 16 : i32
        %parallel_loop3A_242 = arith.muli %parallel_loop3A_240, %parallel_loop3A_241 : i32
        %parallel_loop3A_243 = arith.index_cast %parallel_loop3A_242 : i32 to index
        %parallel_loop3A_244 = tpu.vector_load %arg5[%parallel_loop3A_243] {strides = array<i32>} : memref<4096xi32, #tpu.memory_space<vmem>>, vector<16xi32>,
        %parallel_loop3A_245 = tpu.vector_load_idx %arg7[%broadcast_in_dim3A_3, %parallel_loop3A_236] : memref<8x4096xf32, #tpu.memory_space<vmem>>[vector<16xi32>, vector<16xi32>], vector<16xf32>,
        %parallel_loop3A_246 = tpu.vector_load_idx %arg7[%broadcast_in_dim3A_5, %parallel_loop3A_236] : memref<8x4096xf32, #tpu.memory_space<vmem>>[vector<16xi32>, vector<16xi32>], vector<16xf32>,
        %parallel_loop3A_247 = tpu.vector_load_idx %arg7[%broadcast_in_dim3A_7, %parallel_loop3A_236] : memref<8x4096xf32, #tpu.memory_space<vmem>>[vector<16xi32>, vector<16xi32>], vector<16xf32>,
        %parallel_loop3A_248 = tpu.vector_load_idx %arg7[%broadcast_in_dim3A_9, %parallel_loop3A_236] : memref<8x4096xf32, #tpu.memory_space<vmem>>[vector<16xi32>, vector<16xi32>], vector<16xf32>,
        %parallel_loop3A_249 = tpu.vector_load_idx %arg7[%broadcast_in_dim3A_11, %parallel_loop3A_236] : memref<8x4096xf32, #tpu.memory_space<vmem>>[vector<16xi32>, vector<16xi32>], vector<16xf32>,
        %parallel_loop3A_250 = tpu.vector_load_idx %arg7[%broadcast_in_dim3A_13, %parallel_loop3A_236] : memref<8x4096xf32, #tpu.memory_space<vmem>>[vector<16xi32>, vector<16xi32>], vector<16xf32>,
        %parallel_loop3A_251 = tpu.vector_load_idx %arg7[%broadcast_in_dim3A_15, %parallel_loop3A_236] : memref<8x4096xf32, #tpu.memory_space<vmem>>[vector<16xi32>, vector<16xi32>], vector<16xf32>,
        %parallel_loop3A_252 = tpu.vector_load_idx %arg7[%broadcast_in_dim3A_17, %parallel_loop3A_236] : memref<8x4096xf32, #tpu.memory_space<vmem>>[vector<16xi32>, vector<16xi32>], vector<16xf32>,
        %parallel_loop3A_253 = tpu.vector_load_idx %arg7[%broadcast_in_dim3A_3, %parallel_loop3A_244] : memref<8x4096xf32, #tpu.memory_space<vmem>>[vector<16xi32>, vector<16xi32>], vector<16xf32>,
        %parallel_loop3A_254 = tpu.vector_load_idx %arg7[%broadcast_in_dim3A_5, %parallel_loop3A_244] : memref<8x4096xf32, #tpu.memory_space<vmem>>[vector<16xi32>, vector<16xi32>], vector<16xf32>,
        %parallel_loop3A_255 = tpu.vector_load_idx %arg7[%broadcast_in_dim3A_7, %parallel_loop3A_244] : memref<8x4096xf32, #tpu.memory_space<vmem>>[vector<16xi32>, vector<16xi32>], vector<16xf32>,
        %parallel_loop3A_256 = tpu.vector_load_idx %arg7[%broadcast_in_dim3A_9, %parallel_loop3A_244] : memref<8x4096xf32, #tpu.memory_space<vmem>>[vector<16xi32>, vector<16xi32>], vector<16xf32>,
        %parallel_loop3A_257 = tpu.vector_load_idx %arg7[%broadcast_in_dim3A_11, %parallel_loop3A_244] : memref<8x4096xf32, #tpu.memory_space<vmem>>[vector<16xi32>, vector<16xi32>], vector<16xf32>,
        %parallel_loop3A_258 = tpu.vector_load_idx %arg7[%broadcast_in_dim3A_13, %parallel_loop3A_244] : memref<8x4096xf32, #tpu.memory_space<vmem>>[vector<16xi32>, vector<16xi32>], vector<16xf32>,
        %parallel_loop3A_259 = tpu.vector_load_idx %arg7[%broadcast_in_dim3A_15, %parallel_loop3A_244] : memref<8x4096xf32, #tpu.memory_space<vmem>>[vector<16xi32>, vector<16xi32>], vector<16xf32>,
        %parallel_loop3A_260 = tpu.vector_load_idx %arg7[%broadcast_in_dim3A_17, %parallel_loop3A_244] : memref<8x4096xf32, #tpu.memory_space<vmem>>[vector<16xi32>, vector<16xi32>], vector<16xf32>,
        %parallel_loop3A_261 = arith.constant 0 : i32
        %parallel_loop3A_262 = arith.addi %parallel_loop3A_228, %parallel_loop3A_261 : i32
        %parallel_loop3A_263 = arith.constant 16 : i32
        %parallel_loop3A_264 = arith.muli %parallel_loop3A_262, %parallel_loop3A_263 : i32
        %parallel_loop3A_265 = arith.constant 0 : i32
        %parallel_loop3A_266 = arith.index_cast %parallel_loop3A_265 : i32 to index
        %parallel_loop3A_267 = arith.index_cast %parallel_loop3A_264 : i32 to index
        %parallel_loop3A_268 = tpu.vector_load %arg9[%parallel_loop3A_266, %parallel_loop3A_267] {strides = array<i32>} : memref<8x2048xf32, #tpu.memory_space<vmem>>, vector<16xf32>,
        tpu.vector_store %arg9[%parallel_loop3A_266, %parallel_loop3A_267], %parallel_loop3A_245 {strides = array<i32>} : memref<8x2048xf32, #tpu.memory_space<vmem>>, vector<16xf32>,
        %parallel_loop3A_269 = arith.constant 0 : i32
        %parallel_loop3A_270 = arith.addi %parallel_loop3A_228, %parallel_loop3A_269 : i32
        %parallel_loop3A_271 = arith.constant 16 : i32
        %parallel_loop3A_272 = arith.muli %parallel_loop3A_270, %parallel_loop3A_271 : i32
        %parallel_loop3A_273 = arith.constant 1 : i32
        %parallel_loop3A_274 = arith.index_cast %parallel_loop3A_273 : i32 to index
        %parallel_loop3A_275 = arith.index_cast %parallel_loop3A_272 : i32 to index
        %parallel_loop3A_276 = tpu.vector_load %arg9[%parallel_loop3A_274, %parallel_loop3A_275] {strides = array<i32>} : memref<8x2048xf32, #tpu.memory_space<vmem>>, vector<16xf32>,
        tpu.vector_store %arg9[%parallel_loop3A_274, %parallel_loop3A_275], %parallel_loop3A_246 {strides = array<i32>} : memref<8x2048xf32, #tpu.memory_space<vmem>>, vector<16xf32>,
        %parallel_loop3A_277 = arith.constant 0 : i32
        %parallel_loop3A_278 = arith.addi %parallel_loop3A_228, %parallel_loop3A_277 : i32
        %parallel_loop3A_279 = arith.constant 16 : i32
        %parallel_loop3A_280 = arith.muli %parallel_loop3A_278, %parallel_loop3A_279 : i32
        %parallel_loop3A_281 = arith.constant 2 : i32
        %parallel_loop3A_282 = arith.index_cast %parallel_loop3A_281 : i32 to index
        %parallel_loop3A_283 = arith.index_cast %parallel_loop3A_280 : i32 to index
        %parallel_loop3A_284 = tpu.vector_load %arg9[%parallel_loop3A_282, %parallel_loop3A_283] {strides = array<i32>} : memref<8x2048xf32, #tpu.memory_space<vmem>>, vector<16xf32>,
        tpu.vector_store %arg9[%parallel_loop3A_282, %parallel_loop3A_283], %parallel_loop3A_247 {strides = array<i32>} : memref<8x2048xf32, #tpu.memory_space<vmem>>, vector<16xf32>,
        %parallel_loop3A_285 = arith.constant 0 : i32
        %parallel_loop3A_286 = arith.addi %parallel_loop3A_228, %parallel_loop3A_285 : i32
        %parallel_loop3A_287 = arith.constant 16 : i32
        %parallel_loop3A_288 = arith.muli %parallel_loop3A_286, %parallel_loop3A_287 : i32
        %parallel_loop3A_289 = arith.constant 3 : i32
        %parallel_loop3A_290 = arith.index_cast %parallel_loop3A_289 : i32 to index
        %parallel_loop3A_291 = arith.index_cast %parallel_loop3A_288 : i32 to index
        %parallel_loop3A_292 = tpu.vector_load %arg9[%parallel_loop3A_290, %parallel_loop3A_291] {strides = array<i32>} : memref<8x2048xf32, #tpu.memory_space<vmem>>, vector<16xf32>,
        tpu.vector_store %arg9[%parallel_loop3A_290, %parallel_loop3A_291], %parallel_loop3A_248 {strides = array<i32>} : memref<8x2048xf32, #tpu.memory_space<vmem>>, vector<16xf32>,
        %parallel_loop3A_293 = arith.constant 0 : i32
        %parallel_loop3A_294 = arith.addi %parallel_loop3A_228, %parallel_loop3A_293 : i32
        %parallel_loop3A_295 = arith.constant 16 : i32
        %parallel_loop3A_296 = arith.muli %parallel_loop3A_294, %parallel_loop3A_295 : i32
        %parallel_loop3A_297 = arith.constant 4 : i32
        %parallel_loop3A_298 = arith.index_cast %parallel_loop3A_297 : i32 to index
        %parallel_loop3A_299 = arith.index_cast %parallel_loop3A_296 : i32 to index
        %parallel_loop3A_300 = tpu.vector_load %arg9[%parallel_loop3A_298, %parallel_loop3A_299] {strides = array<i32>} : memref<8x2048xf32, #tpu.memory_space<vmem>>, vector<16xf32>,
        tpu.vector_store %arg9[%parallel_loop3A_298, %parallel_loop3A_299], %parallel_loop3A_249 {strides = array<i32>} : memref<8x2048xf32, #tpu.memory_space<vmem>>, vector<16xf32>,
        %parallel_loop3A_301 = arith.constant 0 : i32
        %parallel_loop3A_302 = arith.addi %parallel_loop3A_228, %parallel_loop3A_301 : i32
        %parallel_loop3A_303 = arith.constant 16 : i32
        %parallel_loop3A_304 = arith.muli %parallel_loop3A_302, %parallel_loop3A_303 : i32
        %parallel_loop3A_305 = arith.constant 5 : i32
        %parallel_loop3A_306 = arith.index_cast %parallel_loop3A_305 : i32 to index
        %parallel_loop3A_307 = arith.index_cast %parallel_loop3A_304 : i32 to index
        %parallel_loop3A_308 = tpu.vector_load %arg9[%parallel_loop3A_306, %parallel_loop3A_307] {strides = array<i32>} : memref<8x2048xf32, #tpu.memory_space<vmem>>, vector<16xf32>,
        tpu.vector_store %arg9[%parallel_loop3A_306, %parallel_loop3A_307], %parallel_loop3A_250 {strides = array<i32>} : memref<8x2048xf32, #tpu.memory_space<vmem>>, vector<16xf32>,
        %parallel_loop3A_309 = arith.constant 0 : i32
        %parallel_loop3A_310 = arith.addi %parallel_loop3A_228, %parallel_loop3A_309 : i32
        %parallel_loop3A_311 = arith.constant 16 : i32
        %parallel_loop3A_312 = arith.muli %parallel_loop3A_310, %parallel_loop3A_311 : i32
        %parallel_loop3A_313 = arith.constant 6 : i32
        %parallel_loop3A_314 = arith.index_cast %parallel_loop3A_313 : i32 to index
        %parallel_loop3A_315 = arith.index_cast %parallel_loop3A_312 : i32 to index
        %parallel_loop3A_316 = tpu.vector_load %arg9[%parallel_loop3A_314, %parallel_loop3A_315] {strides = array<i32>} : memref<8x2048xf32, #tpu.memory_space<vmem>>, vector<16xf32>,
        tpu.vector_store %arg9[%parallel_loop3A_314, %parallel_loop3A_315], %parallel_loop3A_251 {strides = array<i32>} : memref<8x2048xf32, #tpu.memory_space<vmem>>, vector<16xf32>,
        %parallel_loop3A_317 = arith.constant 0 : i32
        %parallel_loop3A_318 = arith.addi %parallel_loop3A_228, %parallel_loop3A_317 : i32
        %parallel_loop3A_319 = arith.constant 16 : i32
        %parallel_loop3A_320 = arith.muli %parallel_loop3A_318, %parallel_loop3A_319 : i32
        %parallel_loop3A_321 = arith.constant 7 : i32
        %parallel_loop3A_322 = arith.index_cast %parallel_loop3A_321 : i32 to index
        %parallel_loop3A_323 = arith.index_cast %parallel_loop3A_320 : i32 to index
        %parallel_loop3A_324 = tpu.vector_load %arg9[%parallel_loop3A_322, %parallel_loop3A_323] {strides = array<i32>} : memref<8x2048xf32, #tpu.memory_space<vmem>>, vector<16xf32>,
        tpu.vector_store %arg9[%parallel_loop3A_322, %parallel_loop3A_323], %parallel_loop3A_252 {strides = array<i32>} : memref<8x2048xf32, #tpu.memory_space<vmem>>, vector<16xf32>,
        %parallel_loop3A_325 = arith.constant 1 : i32
        %parallel_loop3A_326 = arith.addi %parallel_loop3A_228, %parallel_loop3A_325 : i32
        %parallel_loop3A_327 = arith.constant 16 : i32
        %parallel_loop3A_328 = arith.muli %parallel_loop3A_326, %parallel_loop3A_327 : i32
        %parallel_loop3A_329 = arith.constant 0 : i32
        %parallel_loop3A_330 = arith.index_cast %parallel_loop3A_329 : i32 to index
        %parallel_loop3A_331 = arith.index_cast %parallel_loop3A_328 : i32 to index
        %parallel_loop3A_332 = tpu.vector_load %arg9[%parallel_loop3A_330, %parallel_loop3A_331] {strides = array<i32>} : memref<8x2048xf32, #tpu.memory_space<vmem>>, vector<16xf32>,
        tpu.vector_store %arg9[%parallel_loop3A_330, %parallel_loop3A_331], %parallel_loop3A_253 {strides = array<i32>} : memref<8x2048xf32, #tpu.memory_space<vmem>>, vector<16xf32>,
        %parallel_loop3A_333 = arith.constant 1 : i32
        %parallel_loop3A_334 = arith.addi %parallel_loop3A_228, %parallel_loop3A_333 : i32
        %parallel_loop3A_335 = arith.constant 16 : i32
        %parallel_loop3A_336 = arith.muli %parallel_loop3A_334, %parallel_loop3A_335 : i32
        %parallel_loop3A_337 = arith.constant 1 : i32
        %parallel_loop3A_338 = arith.index_cast %parallel_loop3A_337 : i32 to index
        %parallel_loop3A_339 = arith.index_cast %parallel_loop3A_336 : i32 to index
        %parallel_loop3A_340 = tpu.vector_load %arg9[%parallel_loop3A_338, %parallel_loop3A_339] {strides = array<i32>} : memref<8x2048xf32, #tpu.memory_space<vmem>>, vector<16xf32>,
        tpu.vector_store %arg9[%parallel_loop3A_338, %parallel_loop3A_339], %parallel_loop3A_254 {strides = array<i32>} : memref<8x2048xf32, #tpu.memory_space<vmem>>, vector<16xf32>,
        %parallel_loop3A_341 = arith.constant 1 : i32
        %parallel_loop3A_342 = arith.addi %parallel_loop3A_228, %parallel_loop3A_341 : i32
        %parallel_loop3A_343 = arith.constant 16 : i32
        %parallel_loop3A_344 = arith.muli %parallel_loop3A_342, %parallel_loop3A_343 : i32
        %parallel_loop3A_345 = arith.constant 2 : i32
        %parallel_loop3A_346 = arith.index_cast %parallel_loop3A_345 : i32 to index
        %parallel_loop3A_347 = arith.index_cast %parallel_loop3A_344 : i32 to index
        %parallel_loop3A_348 = tpu.vector_load %arg9[%parallel_loop3A_346, %parallel_loop3A_347] {strides = array<i32>} : memref<8x2048xf32, #tpu.memory_space<vmem>>, vector<16xf32>,
        tpu.vector_store %arg9[%parallel_loop3A_346, %parallel_loop3A_347], %parallel_loop3A_255 {strides = array<i32>} : memref<8x2048xf32, #tpu.memory_space<vmem>>, vector<16xf32>,
        %parallel_loop3A_349 = arith.constant 1 : i32
        %parallel_loop3A_350 = arith.addi %parallel_loop3A_228, %parallel_loop3A_349 : i32
        %parallel_loop3A_351 = arith.constant 16 : i32
        %parallel_loop3A_352 = arith.muli %parallel_loop3A_350, %parallel_loop3A_351 : i32
        %parallel_loop3A_353 = arith.constant 3 : i32
        %parallel_loop3A_354 = arith.index_cast %parallel_loop3A_353 : i32 to index
        %parallel_loop3A_355 = arith.index_cast %parallel_loop3A_352 : i32 to index
        %parallel_loop3A_356 = tpu.vector_load %arg9[%parallel_loop3A_354, %parallel_loop3A_355] {strides = array<i32>} : memref<8x2048xf32, #tpu.memory_space<vmem>>, vector<16xf32>,
        tpu.vector_store %arg9[%parallel_loop3A_354, %parallel_loop3A_355], %parallel_loop3A_256 {strides = array<i32>} : memref<8x2048xf32, #tpu.memory_space<vmem>>, vector<16xf32>,
        %parallel_loop3A_357 = arith.constant 1 : i32
        %parallel_loop3A_358 = arith.addi %parallel_loop3A_228, %parallel_loop3A_357 : i32
        %parallel_loop3A_359 = arith.constant 16 : i32
        %parallel_loop3A_360 = arith.muli %parallel_loop3A_358, %parallel_loop3A_359 : i32
        %parallel_loop3A_361 = arith.constant 4 : i32
        %parallel_loop3A_362 = arith.index_cast %parallel_loop3A_361 : i32 to index
        %parallel_loop3A_363 = arith.index_cast %parallel_loop3A_360 : i32 to index
        %parallel_loop3A_364 = tpu.vector_load %arg9[%parallel_loop3A_362, %parallel_loop3A_363] {strides = array<i32>} : memref<8x2048xf32, #tpu.memory_space<vmem>>, vector<16xf32>,
        tpu.vector_store %arg9[%parallel_loop3A_362, %parallel_loop3A_363], %parallel_loop3A_257 {strides = array<i32>} : memref<8x2048xf32, #tpu.memory_space<vmem>>, vector<16xf32>,
        %parallel_loop3A_365 = arith.constant 1 : i32
        %parallel_loop3A_366 = arith.addi %parallel_loop3A_228, %parallel_loop3A_365 : i32
        %parallel_loop3A_367 = arith.constant 16 : i32
        %parallel_loop3A_368 = arith.muli %parallel_loop3A_366, %parallel_loop3A_367 : i32
        %parallel_loop3A_369 = arith.constant 5 : i32
        %parallel_loop3A_370 = arith.index_cast %parallel_loop3A_369 : i32 to index
        %parallel_loop3A_371 = arith.index_cast %parallel_loop3A_368 : i32 to index
        %parallel_loop3A_372 = tpu.vector_load %arg9[%parallel_loop3A_370, %parallel_loop3A_371] {strides = array<i32>} : memref<8x2048xf32, #tpu.memory_space<vmem>>, vector<16xf32>,
        tpu.vector_store %arg9[%parallel_loop3A_370, %parallel_loop3A_371], %parallel_loop3A_258 {strides = array<i32>} : memref<8x2048xf32, #tpu.memory_space<vmem>>, vector<16xf32>,
        %parallel_loop3A_373 = arith.constant 1 : i32
        %parallel_loop3A_374 = arith.addi %parallel_loop3A_228, %parallel_loop3A_373 : i32
        %parallel_loop3A_375 = arith.constant 16 : i32
        %parallel_loop3A_376 = arith.muli %parallel_loop3A_374, %parallel_loop3A_375 : i32
        %parallel_loop3A_377 = arith.constant 6 : i32
        %parallel_loop3A_378 = arith.index_cast %parallel_loop3A_377 : i32 to index
        %parallel_loop3A_379 = arith.index_cast %parallel_loop3A_376 : i32 to index
        %parallel_loop3A_380 = tpu.vector_load %arg9[%parallel_loop3A_378, %parallel_loop3A_379] {strides = array<i32>} : memref<8x2048xf32, #tpu.memory_space<vmem>>, vector<16xf32>,
        tpu.vector_store %arg9[%parallel_loop3A_378, %parallel_loop3A_379], %parallel_loop3A_259 {strides = array<i32>} : memref<8x2048xf32, #tpu.memory_space<vmem>>, vector<16xf32>,
        %parallel_loop3A_381 = arith.constant 1 : i32
        %parallel_loop3A_382 = arith.addi %parallel_loop3A_228, %parallel_loop3A_381 : i32
        %parallel_loop3A_383 = arith.constant 16 : i32
        %parallel_loop3A_384 = arith.muli %parallel_loop3A_382, %parallel_loop3A_383 : i32
        %parallel_loop3A_385 = arith.constant 7 : i32
        %parallel_loop3A_386 = arith.index_cast %parallel_loop3A_385 : i32 to index
        %parallel_loop3A_387 = arith.index_cast %parallel_loop3A_384 : i32 to index
        %parallel_loop3A_388 = tpu.vector_load %arg9[%parallel_loop3A_386, %parallel_loop3A_387] {strides = array<i32>} : memref<8x2048xf32, #tpu.memory_space<vmem>>, vector<16xf32>,
        tpu.vector_store %arg9[%parallel_loop3A_386, %parallel_loop3A_387], %parallel_loop3A_260 {strides = array<i32>} : memref<8x2048xf32, #tpu.memory_space<vmem>>, vector<16xf32>,
      } {sc.loop_unroll_factor = 1 : i64, sc.parallel_access}
      %mul3A_157 = arith.constant 8 : i32
      %mul3A_158 = arith.muli %add3A_119, %mul3A_157 : i32
      %add3A_159 = arith.addi %mul3A_2, %mul3A_158 : i32
      %dma_start3A_160 = arith.constant 2048 : i32
      %dma_start3A_161 = tpu.memref_slice %arg4[%add3A_159, %dma_start3A_160] : memref<4096x4096xf32, #tpu.memory_space<hbm>> -> memref<8x2048xf32, #tpu.memory_space<hbm>>
      %dma_start3A_162 = arith.constant 2048 : i32
      %dma_start3A_163 = tpu.memref_slice %arg4[%add3A_159, %dma_start3A_162] : memref<4096x4096xf32, #tpu.memory_space<hbm>> -> memref<8x2048xf32, #tpu.memory_space<hbm>>
      tpu.enqueue_dma source(%arg9 : memref<8x2048xf32, #tpu.memory_space<vmem>>) target(%dma_start3A_163 : memref<8x2048xf32, #tpu.memory_space<hbm>>) target_semaphore(%arg13 : memref<!tpu.dma_semaphore, #tpu.memory_space<semaphore_mem>>)
      %add3A_164 = arith.constant 2 : i32
      %add3A_165 = arith.addi %add3A_119, %add3A_164 : i32
      %lt3A = arith.constant 16 : i32
      %lt3A_166 = arith.cmpi slt, %add3A_165, %lt3A : i32
      %convert_element_type3A = arith.extui %lt3A_166 : i1 to i32
      %cond3A = arith.constant 0 : i32
      %cond3A_167 = arith.cmpi ne, %convert_element_type3A, %cond3A : i32
      scf.if %cond3A_167 {
        %add3A_226 = arith.constant 2 : i32
        %add3A_227 = arith.addi %add3A_119, %add3A_226 : i32
        %mul3A_228 = arith.constant 8 : i32
        %mul3A_229 = arith.muli %add3A_227, %mul3A_228 : i32
        %add3A_230 = arith.addi %mul3A_2, %mul3A_229 : i32
        %dma_start3A_231 = arith.constant 0 : i32
        %dma_start3A_232 = tpu.memref_slice %arg2[%add3A_230, %dma_start3A_231] : memref<4096x4096xf32, #tpu.memory_space<hbm>> -> memref<8x4096xf32, #tpu.memory_space<hbm>>
        %dma_start3A_233 = arith.constant 0 : i32
        %dma_start3A_234 = tpu.memref_slice %arg2[%add3A_230, %dma_start3A_233] : memref<4096x4096xf32, #tpu.memory_space<hbm>> -> memref<8x4096xf32, #tpu.memory_space<hbm>>
        tpu.enqueue_dma source(%dma_start3A_234 : memref<8x4096xf32, #tpu.memory_space<hbm>>) target(%arg7 : memref<8x4096xf32, #tpu.memory_space<vmem>>) target_semaphore(%arg11 : memref<!tpu.dma_semaphore, #tpu.memory_space<semaphore_mem>>)
      } else {
      }
      %mul3A_168 = arith.constant 2 : i32
      %mul3A_169 = arith.muli %add3A_113, %mul3A_168 : i32
      %add3A_170 = arith.constant 1 : i32
      %add3A_171 = arith.addi %add3A_170, %mul3A_169 : i32
      %add3A_172 = arith.constant 1 : i32
      %add3A_173 = arith.addi %add3A_171, %add3A_172 : i32
      %mul3A_174 = arith.constant 8 : i32
      %mul3A_175 = arith.muli %add3A_173, %mul3A_174 : i32
      %add3A_176 = arith.addi %mul3A_2, %mul3A_175 : i32
      %dma_wait3A_177 = arith.constant 0 : i32
      %dma_wait3A_178 = tpu.memref_slice %arg2[%add3A_176, %dma_wait3A_177] : memref<4096x4096xf32, #tpu.memory_space<hbm>> -> memref<8x4096xf32, #tpu.memory_space<hbm>>
      %dma_wait3A_179 = arith.constant 0 : i32
      %dma_wait3A_180 = tpu.memref_slice %arg2[%add3A_176, %dma_wait3A_179] : memref<4096x4096xf32, #tpu.memory_space<hbm>> -> memref<8x4096xf32, #tpu.memory_space<hbm>>
      tpu.wait_dma2 semaphore(%arg10 : memref<!tpu.dma_semaphore, #tpu.memory_space<semaphore_mem>>) src(%dma_wait3A_180 : memref<8x4096xf32, #tpu.memory_space<hbm>>) dst(%arg6 : memref<8x4096xf32, #tpu.memory_space<vmem>>)
      %sub3A_181 = arith.constant 1 : i32
      %sub3A_182 = arith.subi %add3A_173, %sub3A_181 : i32
      %mul3A_183 = arith.constant 8 : i32
      %mul3A_184 = arith.muli %sub3A_182, %mul3A_183 : i32
      %add3A_185 = arith.addi %mul3A_2, %mul3A_184 : i32
      %dma_wait3A_186 = arith.constant 0 : i32
      %dma_wait3A_187 = tpu.memref_slice %arg4[%add3A_185, %dma_wait3A_186] : memref<4096x4096xf32, #tpu.memory_space<hbm>> -> memref<8x2048xf32, #tpu.memory_space<hbm>>
      %dma_wait3A_188 = arith.constant 0 : i32
      %dma_wait3A_189 = tpu.memref_slice %arg4[%add3A_185, %dma_wait3A_188] : memref<4096x4096xf32, #tpu.memory_space<hbm>> -> memref<8x2048xf32, #tpu.memory_space<hbm>>
      tpu.wait_dma2 semaphore(%arg12 : memref<!tpu.dma_semaphore, #tpu.memory_space<semaphore_mem>>) src(%arg8 : memref<8x2048xf32, #tpu.memory_space<vmem>>) dst(%dma_wait3A_189 : memref<8x2048xf32, #tpu.memory_space<hbm>>)
      %parallel_loop3A_190 = arith.constant 0 : i32
      %parallel_loop3A_191 = arith.constant 64 : i32
      %parallel_loop3A_192 = arith.constant 1 : i32
      scf.for %parallel_loop3A_226 = %parallel_loop3A_190 to %parallel_loop3A_191 step %parallel_loop3A_192  : i32 {
        %parallel_loop3A_227 = arith.constant 2 : i32
        %parallel_loop3A_228 = arith.muli %parallel_loop3A_226, %parallel_loop3A_227 : i32
        %parallel_loop3A_229 = arith.constant 0 : i32
        %parallel_loop3A_230 = arith.addi %parallel_loop3A_229, %parallel_loop3A_228 : i32
        %parallel_loop3A_231 = arith.constant 0 : i32
        %parallel_loop3A_232 = arith.addi %parallel_loop3A_230, %parallel_loop3A_231 : i32
        %parallel_loop3A_233 = arith.constant 16 : i32
        %parallel_loop3A_234 = arith.muli %parallel_loop3A_232, %parallel_loop3A_233 : i32
        %parallel_loop3A_235 = arith.index_cast %parallel_loop3A_234 : i32 to index
        %parallel_loop3A_236 = tpu.vector_load %arg5[%parallel_loop3A_235] {strides = array<i32>} : memref<4096xi32, #tpu.memory_space<vmem>>, vector<16xi32>,
        %parallel_loop3A_237 = arith.constant 0 : i32
        %parallel_loop3A_238 = arith.addi %parallel_loop3A_237, %parallel_loop3A_228 : i32
        %parallel_loop3A_239 = arith.constant 1 : i32
        %parallel_loop3A_240 = arith.addi %parallel_loop3A_238, %parallel_loop3A_239 : i32
        %parallel_loop3A_241 = arith.constant 16 : i32
        %parallel_loop3A_242 = arith.muli %parallel_loop3A_240, %parallel_loop3A_241 : i32
        %parallel_loop3A_243 = arith.index_cast %parallel_loop3A_242 : i32 to index
        %parallel_loop3A_244 = tpu.vector_load %arg5[%parallel_loop3A_243] {strides = array<i32>} : memref<4096xi32, #tpu.memory_space<vmem>>, vector<16xi32>,
        %parallel_loop3A_245 = tpu.vector_load_idx %arg6[%broadcast_in_dim3A_3, %parallel_loop3A_236] : memref<8x4096xf32, #tpu.memory_space<vmem>>[vector<16xi32>, vector<16xi32>], vector<16xf32>,
        %parallel_loop3A_246 = tpu.vector_load_idx %arg6[%broadcast_in_dim3A_5, %parallel_loop3A_236] : memref<8x4096xf32, #tpu.memory_space<vmem>>[vector<16xi32>, vector<16xi32>], vector<16xf32>,
        %parallel_loop3A_247 = tpu.vector_load_idx %arg6[%broadcast_in_dim3A_7, %parallel_loop3A_236] : memref<8x4096xf32, #tpu.memory_space<vmem>>[vector<16xi32>, vector<16xi32>], vector<16xf32>,
        %parallel_loop3A_248 = tpu.vector_load_idx %arg6[%broadcast_in_dim3A_9, %parallel_loop3A_236] : memref<8x4096xf32, #tpu.memory_space<vmem>>[vector<16xi32>, vector<16xi32>], vector<16xf32>,
        %parallel_loop3A_249 = tpu.vector_load_idx %arg6[%broadcast_in_dim3A_11, %parallel_loop3A_236] : memref<8x4096xf32, #tpu.memory_space<vmem>>[vector<16xi32>, vector<16xi32>], vector<16xf32>,
        %parallel_loop3A_250 = tpu.vector_load_idx %arg6[%broadcast_in_dim3A_13, %parallel_loop3A_236] : memref<8x4096xf32, #tpu.memory_space<vmem>>[vector<16xi32>, vector<16xi32>], vector<16xf32>,
        %parallel_loop3A_251 = tpu.vector_load_idx %arg6[%broadcast_in_dim3A_15, %parallel_loop3A_236] : memref<8x4096xf32, #tpu.memory_space<vmem>>[vector<16xi32>, vector<16xi32>], vector<16xf32>,
        %parallel_loop3A_252 = tpu.vector_load_idx %arg6[%broadcast_in_dim3A_17, %parallel_loop3A_236] : memref<8x4096xf32, #tpu.memory_space<vmem>>[vector<16xi32>, vector<16xi32>], vector<16xf32>,
        %parallel_loop3A_253 = tpu.vector_load_idx %arg6[%broadcast_in_dim3A_3, %parallel_loop3A_244] : memref<8x4096xf32, #tpu.memory_space<vmem>>[vector<16xi32>, vector<16xi32>], vector<16xf32>,
        %parallel_loop3A_254 = tpu.vector_load_idx %arg6[%broadcast_in_dim3A_5, %parallel_loop3A_244] : memref<8x4096xf32, #tpu.memory_space<vmem>>[vector<16xi32>, vector<16xi32>], vector<16xf32>,
        %parallel_loop3A_255 = tpu.vector_load_idx %arg6[%broadcast_in_dim3A_7, %parallel_loop3A_244] : memref<8x4096xf32, #tpu.memory_space<vmem>>[vector<16xi32>, vector<16xi32>], vector<16xf32>,
        %parallel_loop3A_256 = tpu.vector_load_idx %arg6[%broadcast_in_dim3A_9, %parallel_loop3A_244] : memref<8x4096xf32, #tpu.memory_space<vmem>>[vector<16xi32>, vector<16xi32>], vector<16xf32>,
        %parallel_loop3A_257 = tpu.vector_load_idx %arg6[%broadcast_in_dim3A_11, %parallel_loop3A_244] : memref<8x4096xf32, #tpu.memory_space<vmem>>[vector<16xi32>, vector<16xi32>], vector<16xf32>,
        %parallel_loop3A_258 = tpu.vector_load_idx %arg6[%broadcast_in_dim3A_13, %parallel_loop3A_244] : memref<8x4096xf32, #tpu.memory_space<vmem>>[vector<16xi32>, vector<16xi32>], vector<16xf32>,
        %parallel_loop3A_259 = tpu.vector_load_idx %arg6[%broadcast_in_dim3A_15, %parallel_loop3A_244] : memref<8x4096xf32, #tpu.memory_space<vmem>>[vector<16xi32>, vector<16xi32>], vector<16xf32>,
        %parallel_loop3A_260 = tpu.vector_load_idx %arg6[%broadcast_in_dim3A_17, %parallel_loop3A_244] : memref<8x4096xf32, #tpu.memory_space<vmem>>[vector<16xi32>, vector<16xi32>], vector<16xf32>,
        %parallel_loop3A_261 = arith.constant 0 : i32
        %parallel_loop3A_262 = arith.addi %parallel_loop3A_228, %parallel_loop3A_261 : i32
        %parallel_loop3A_263 = arith.constant 16 : i32
        %parallel_loop3A_264 = arith.muli %parallel_loop3A_262, %parallel_loop3A_263 : i32
        %parallel_loop3A_265 = arith.constant 0 : i32
        %parallel_loop3A_266 = arith.index_cast %parallel_loop3A_265 : i32 to index
        %parallel_loop3A_267 = arith.index_cast %parallel_loop3A_264 : i32 to index
        %parallel_loop3A_268 = tpu.vector_load %arg8[%parallel_loop3A_266, %parallel_loop3A_267] {strides = array<i32>} : memref<8x2048xf32, #tpu.memory_space<vmem>>, vector<16xf32>,
        tpu.vector_store %arg8[%parallel_loop3A_266, %parallel_loop3A_267], %parallel_loop3A_245 {strides = array<i32>} : memref<8x2048xf32, #tpu.memory_space<vmem>>, vector<16xf32>,
        %parallel_loop3A_269 = arith.constant 0 : i32
        %parallel_loop3A_270 = arith.addi %parallel_loop3A_228, %parallel_loop3A_269 : i32
        %parallel_loop3A_271 = arith.constant 16 : i32
        %parallel_loop3A_272 = arith.muli %parallel_loop3A_270, %parallel_loop3A_271 : i32
        %parallel_loop3A_273 = arith.constant 1 : i32
        %parallel_loop3A_274 = arith.index_cast %parallel_loop3A_273 : i32 to index
        %parallel_loop3A_275 = arith.index_cast %parallel_loop3A_272 : i32 to index
        %parallel_loop3A_276 = tpu.vector_load %arg8[%parallel_loop3A_274, %parallel_loop3A_275] {strides = array<i32>} : memref<8x2048xf32, #tpu.memory_space<vmem>>, vector<16xf32>,
        tpu.vector_store %arg8[%parallel_loop3A_274, %parallel_loop3A_275], %parallel_loop3A_246 {strides = array<i32>} : memref<8x2048xf32, #tpu.memory_space<vmem>>, vector<16xf32>,
        %parallel_loop3A_277 = arith.constant 0 : i32
        %parallel_loop3A_278 = arith.addi %parallel_loop3A_228, %parallel_loop3A_277 : i32
        %parallel_loop3A_279 = arith.constant 16 : i32
        %parallel_loop3A_280 = arith.muli %parallel_loop3A_278, %parallel_loop3A_279 : i32
        %parallel_loop3A_281 = arith.constant 2 : i32
        %parallel_loop3A_282 = arith.index_cast %parallel_loop3A_281 : i32 to index
        %parallel_loop3A_283 = arith.index_cast %parallel_loop3A_280 : i32 to index
        %parallel_loop3A_284 = tpu.vector_load %arg8[%parallel_loop3A_282, %parallel_loop3A_283] {strides = array<i32>} : memref<8x2048xf32, #tpu.memory_space<vmem>>, vector<16xf32>,
        tpu.vector_store %arg8[%parallel_loop3A_282, %parallel_loop3A_283], %parallel_loop3A_247 {strides = array<i32>} : memref<8x2048xf32, #tpu.memory_space<vmem>>, vector<16xf32>,
        %parallel_loop3A_285 = arith.constant 0 : i32
        %parallel_loop3A_286 = arith.addi %parallel_loop3A_228, %parallel_loop3A_285 : i32
        %parallel_loop3A_287 = arith.constant 16 : i32
        %parallel_loop3A_288 = arith.muli %parallel_loop3A_286, %parallel_loop3A_287 : i32
        %parallel_loop3A_289 = arith.constant 3 : i32
        %parallel_loop3A_290 = arith.index_cast %parallel_loop3A_289 : i32 to index
        %parallel_loop3A_291 = arith.index_cast %parallel_loop3A_288 : i32 to index
        %parallel_loop3A_292 = tpu.vector_load %arg8[%parallel_loop3A_290, %parallel_loop3A_291] {strides = array<i32>} : memref<8x2048xf32, #tpu.memory_space<vmem>>, vector<16xf32>,
        tpu.vector_store %arg8[%parallel_loop3A_290, %parallel_loop3A_291], %parallel_loop3A_248 {strides = array<i32>} : memref<8x2048xf32, #tpu.memory_space<vmem>>, vector<16xf32>,
        %parallel_loop3A_293 = arith.constant 0 : i32
        %parallel_loop3A_294 = arith.addi %parallel_loop3A_228, %parallel_loop3A_293 : i32
        %parallel_loop3A_295 = arith.constant 16 : i32
        %parallel_loop3A_296 = arith.muli %parallel_loop3A_294, %parallel_loop3A_295 : i32
        %parallel_loop3A_297 = arith.constant 4 : i32
        %parallel_loop3A_298 = arith.index_cast %parallel_loop3A_297 : i32 to index
        %parallel_loop3A_299 = arith.index_cast %parallel_loop3A_296 : i32 to index
        %parallel_loop3A_300 = tpu.vector_load %arg8[%parallel_loop3A_298, %parallel_loop3A_299] {strides = array<i32>} : memref<8x2048xf32, #tpu.memory_space<vmem>>, vector<16xf32>,
        tpu.vector_store %arg8[%parallel_loop3A_298, %parallel_loop3A_299], %parallel_loop3A_249 {strides = array<i32>} : memref<8x2048xf32, #tpu.memory_space<vmem>>, vector<16xf32>,
        %parallel_loop3A_301 = arith.constant 0 : i32
        %parallel_loop3A_302 = arith.addi %parallel_loop3A_228, %parallel_loop3A_301 : i32
        %parallel_loop3A_303 = arith.constant 16 : i32
        %parallel_loop3A_304 = arith.muli %parallel_loop3A_302, %parallel_loop3A_303 : i32
        %parallel_loop3A_305 = arith.constant 5 : i32
        %parallel_loop3A_306 = arith.index_cast %parallel_loop3A_305 : i32 to index
        %parallel_loop3A_307 = arith.index_cast %parallel_loop3A_304 : i32 to index
        %parallel_loop3A_308 = tpu.vector_load %arg8[%parallel_loop3A_306, %parallel_loop3A_307] {strides = array<i32>} : memref<8x2048xf32, #tpu.memory_space<vmem>>, vector<16xf32>,
        tpu.vector_store %arg8[%parallel_loop3A_306, %parallel_loop3A_307], %parallel_loop3A_250 {strides = array<i32>} : memref<8x2048xf32, #tpu.memory_space<vmem>>, vector<16xf32>,
        %parallel_loop3A_309 = arith.constant 0 : i32
        %parallel_loop3A_310 = arith.addi %parallel_loop3A_228, %parallel_loop3A_309 : i32
        %parallel_loop3A_311 = arith.constant 16 : i32
        %parallel_loop3A_312 = arith.muli %parallel_loop3A_310, %parallel_loop3A_311 : i32
        %parallel_loop3A_313 = arith.constant 6 : i32
        %parallel_loop3A_314 = arith.index_cast %parallel_loop3A_313 : i32 to index
        %parallel_loop3A_315 = arith.index_cast %parallel_loop3A_312 : i32 to index
        %parallel_loop3A_316 = tpu.vector_load %arg8[%parallel_loop3A_314, %parallel_loop3A_315] {strides = array<i32>} : memref<8x2048xf32, #tpu.memory_space<vmem>>, vector<16xf32>,
        tpu.vector_store %arg8[%parallel_loop3A_314, %parallel_loop3A_315], %parallel_loop3A_251 {strides = array<i32>} : memref<8x2048xf32, #tpu.memory_space<vmem>>, vector<16xf32>,
        %parallel_loop3A_317 = arith.constant 0 : i32
        %parallel_loop3A_318 = arith.addi %parallel_loop3A_228, %parallel_loop3A_317 : i32
        %parallel_loop3A_319 = arith.constant 16 : i32
        %parallel_loop3A_320 = arith.muli %parallel_loop3A_318, %parallel_loop3A_319 : i32
        %parallel_loop3A_321 = arith.constant 7 : i32
        %parallel_loop3A_322 = arith.index_cast %parallel_loop3A_321 : i32 to index
        %parallel_loop3A_323 = arith.index_cast %parallel_loop3A_320 : i32 to index
        %parallel_loop3A_324 = tpu.vector_load %arg8[%parallel_loop3A_322, %parallel_loop3A_323] {strides = array<i32>} : memref<8x2048xf32, #tpu.memory_space<vmem>>, vector<16xf32>,
        tpu.vector_store %arg8[%parallel_loop3A_322, %parallel_loop3A_323], %parallel_loop3A_252 {strides = array<i32>} : memref<8x2048xf32, #tpu.memory_space<vmem>>, vector<16xf32>,
        %parallel_loop3A_325 = arith.constant 1 : i32
        %parallel_loop3A_326 = arith.addi %parallel_loop3A_228, %parallel_loop3A_325 : i32
        %parallel_loop3A_327 = arith.constant 16 : i32
        %parallel_loop3A_328 = arith.muli %parallel_loop3A_326, %parallel_loop3A_327 : i32
        %parallel_loop3A_329 = arith.constant 0 : i32
        %parallel_loop3A_330 = arith.index_cast %parallel_loop3A_329 : i32 to index
        %parallel_loop3A_331 = arith.index_cast %parallel_loop3A_328 : i32 to index
        %parallel_loop3A_332 = tpu.vector_load %arg8[%parallel_loop3A_330, %parallel_loop3A_331] {strides = array<i32>} : memref<8x2048xf32, #tpu.memory_space<vmem>>, vector<16xf32>,
        tpu.vector_store %arg8[%parallel_loop3A_330, %parallel_loop3A_331], %parallel_loop3A_253 {strides = array<i32>} : memref<8x2048xf32, #tpu.memory_space<vmem>>, vector<16xf32>,
        %parallel_loop3A_333 = arith.constant 1 : i32
        %parallel_loop3A_334 = arith.addi %parallel_loop3A_228, %parallel_loop3A_333 : i32
        %parallel_loop3A_335 = arith.constant 16 : i32
        %parallel_loop3A_336 = arith.muli %parallel_loop3A_334, %parallel_loop3A_335 : i32
        %parallel_loop3A_337 = arith.constant 1 : i32
        %parallel_loop3A_338 = arith.index_cast %parallel_loop3A_337 : i32 to index
        %parallel_loop3A_339 = arith.index_cast %parallel_loop3A_336 : i32 to index
        %parallel_loop3A_340 = tpu.vector_load %arg8[%parallel_loop3A_338, %parallel_loop3A_339] {strides = array<i32>} : memref<8x2048xf32, #tpu.memory_space<vmem>>, vector<16xf32>,
        tpu.vector_store %arg8[%parallel_loop3A_338, %parallel_loop3A_339], %parallel_loop3A_254 {strides = array<i32>} : memref<8x2048xf32, #tpu.memory_space<vmem>>, vector<16xf32>,
        %parallel_loop3A_341 = arith.constant 1 : i32
        %parallel_loop3A_342 = arith.addi %parallel_loop3A_228, %parallel_loop3A_341 : i32
        %parallel_loop3A_343 = arith.constant 16 : i32
        %parallel_loop3A_344 = arith.muli %parallel_loop3A_342, %parallel_loop3A_343 : i32
        %parallel_loop3A_345 = arith.constant 2 : i32
        %parallel_loop3A_346 = arith.index_cast %parallel_loop3A_345 : i32 to index
        %parallel_loop3A_347 = arith.index_cast %parallel_loop3A_344 : i32 to index
        %parallel_loop3A_348 = tpu.vector_load %arg8[%parallel_loop3A_346, %parallel_loop3A_347] {strides = array<i32>} : memref<8x2048xf32, #tpu.memory_space<vmem>>, vector<16xf32>,
        tpu.vector_store %arg8[%parallel_loop3A_346, %parallel_loop3A_347], %parallel_loop3A_255 {strides = array<i32>} : memref<8x2048xf32, #tpu.memory_space<vmem>>, vector<16xf32>,
        %parallel_loop3A_349 = arith.constant 1 : i32
        %parallel_loop3A_350 = arith.addi %parallel_loop3A_228, %parallel_loop3A_349 : i32
        %parallel_loop3A_351 = arith.constant 16 : i32
        %parallel_loop3A_352 = arith.muli %parallel_loop3A_350, %parallel_loop3A_351 : i32
        %parallel_loop3A_353 = arith.constant 3 : i32
        %parallel_loop3A_354 = arith.index_cast %parallel_loop3A_353 : i32 to index
        %parallel_loop3A_355 = arith.index_cast %parallel_loop3A_352 : i32 to index
        %parallel_loop3A_356 = tpu.vector_load %arg8[%parallel_loop3A_354, %parallel_loop3A_355] {strides = array<i32>} : memref<8x2048xf32, #tpu.memory_space<vmem>>, vector<16xf32>,
        tpu.vector_store %arg8[%parallel_loop3A_354, %parallel_loop3A_355], %parallel_loop3A_256 {strides = array<i32>} : memref<8x2048xf32, #tpu.memory_space<vmem>>, vector<16xf32>,
        %parallel_loop3A_357 = arith.constant 1 : i32
        %parallel_loop3A_358 = arith.addi %parallel_loop3A_228, %parallel_loop3A_357 : i32
        %parallel_loop3A_359 = arith.constant 16 : i32
        %parallel_loop3A_360 = arith.muli %parallel_loop3A_358, %parallel_loop3A_359 : i32
        %parallel_loop3A_361 = arith.constant 4 : i32
        %parallel_loop3A_362 = arith.index_cast %parallel_loop3A_361 : i32 to index
        %parallel_loop3A_363 = arith.index_cast %parallel_loop3A_360 : i32 to index
        %parallel_loop3A_364 = tpu.vector_load %arg8[%parallel_loop3A_362, %parallel_loop3A_363] {strides = array<i32>} : memref<8x2048xf32, #tpu.memory_space<vmem>>, vector<16xf32>,
        tpu.vector_store %arg8[%parallel_loop3A_362, %parallel_loop3A_363], %parallel_loop3A_257 {strides = array<i32>} : memref<8x2048xf32, #tpu.memory_space<vmem>>, vector<16xf32>,
        %parallel_loop3A_365 = arith.constant 1 : i32
        %parallel_loop3A_366 = arith.addi %parallel_loop3A_228, %parallel_loop3A_365 : i32
        %parallel_loop3A_367 = arith.constant 16 : i32
        %parallel_loop3A_368 = arith.muli %parallel_loop3A_366, %parallel_loop3A_367 : i32
        %parallel_loop3A_369 = arith.constant 5 : i32
        %parallel_loop3A_370 = arith.index_cast %parallel_loop3A_369 : i32 to index
        %parallel_loop3A_371 = arith.index_cast %parallel_loop3A_368 : i32 to index
        %parallel_loop3A_372 = tpu.vector_load %arg8[%parallel_loop3A_370, %parallel_loop3A_371] {strides = array<i32>} : memref<8x2048xf32, #tpu.memory_space<vmem>>, vector<16xf32>,
        tpu.vector_store %arg8[%parallel_loop3A_370, %parallel_loop3A_371], %parallel_loop3A_258 {strides = array<i32>} : memref<8x2048xf32, #tpu.memory_space<vmem>>, vector<16xf32>,
        %parallel_loop3A_373 = arith.constant 1 : i32
        %parallel_loop3A_374 = arith.addi %parallel_loop3A_228, %parallel_loop3A_373 : i32
        %parallel_loop3A_375 = arith.constant 16 : i32
        %parallel_loop3A_376 = arith.muli %parallel_loop3A_374, %parallel_loop3A_375 : i32
        %parallel_loop3A_377 = arith.constant 6 : i32
        %parallel_loop3A_378 = arith.index_cast %parallel_loop3A_377 : i32 to index
        %parallel_loop3A_379 = arith.index_cast %parallel_loop3A_376 : i32 to index
        %parallel_loop3A_380 = tpu.vector_load %arg8[%parallel_loop3A_378, %parallel_loop3A_379] {strides = array<i32>} : memref<8x2048xf32, #tpu.memory_space<vmem>>, vector<16xf32>,
        tpu.vector_store %arg8[%parallel_loop3A_378, %parallel_loop3A_379], %parallel_loop3A_259 {strides = array<i32>} : memref<8x2048xf32, #tpu.memory_space<vmem>>, vector<16xf32>,
        %parallel_loop3A_381 = arith.constant 1 : i32
        %parallel_loop3A_382 = arith.addi %parallel_loop3A_228, %parallel_loop3A_381 : i32
        %parallel_loop3A_383 = arith.constant 16 : i32
        %parallel_loop3A_384 = arith.muli %parallel_loop3A_382, %parallel_loop3A_383 : i32
        %parallel_loop3A_385 = arith.constant 7 : i32
        %parallel_loop3A_386 = arith.index_cast %parallel_loop3A_385 : i32 to index
        %parallel_loop3A_387 = arith.index_cast %parallel_loop3A_384 : i32 to index
        %parallel_loop3A_388 = tpu.vector_load %arg8[%parallel_loop3A_386, %parallel_loop3A_387] {strides = array<i32>} : memref<8x2048xf32, #tpu.memory_space<vmem>>, vector<16xf32>,
        tpu.vector_store %arg8[%parallel_loop3A_386, %parallel_loop3A_387], %parallel_loop3A_260 {strides = array<i32>} : memref<8x2048xf32, #tpu.memory_space<vmem>>, vector<16xf32>,
      } {sc.loop_unroll_factor = 1 : i64, sc.parallel_access}
      %mul3A_193 = arith.constant 8 : i32
      %mul3A_194 = arith.muli %add3A_173, %mul3A_193 : i32
      %add3A_195 = arith.addi %mul3A_2, %mul3A_194 : i32
      %dma_start3A_196 = arith.constant 0 : i32
      %dma_start3A_197 = tpu.memref_slice %arg4[%add3A_195, %dma_start3A_196] : memref<4096x4096xf32, #tpu.memory_space<hbm>> -> memref<8x2048xf32, #tpu.memory_space<hbm>>
      %dma_start3A_198 = arith.constant 0 : i32
      %dma_start3A_199 = tpu.memref_slice %arg4[%add3A_195, %dma_start3A_198] : memref<4096x4096xf32, #tpu.memory_space<hbm>> -> memref<8x2048xf32, #tpu.memory_space<hbm>>
      tpu.enqueue_dma source(%arg8 : memref<8x2048xf32, #tpu.memory_space<vmem>>) target(%dma_start3A_199 : memref<8x2048xf32, #tpu.memory_space<hbm>>) target_semaphore(%arg12 : memref<!tpu.dma_semaphore, #tpu.memory_space<semaphore_mem>>)
      %sub3A_200 = arith.constant 1 : i32
      %sub3A_201 = arith.subi %add3A_173, %sub3A_200 : i32
      %mul3A_202 = arith.constant 8 : i32
      %mul3A_203 = arith.muli %sub3A_201, %mul3A_202 : i32
      %add3A_204 = arith.addi %mul3A_2, %mul3A_203 : i32
      %dma_wait3A_205 = arith.constant 2048 : i32
      %dma_wait3A_206 = tpu.memref_slice %arg4[%add3A_204, %dma_wait3A_205] : memref<4096x4096xf32, #tpu.memory_space<hbm>> -> memref<8x2048xf32, #tpu.memory_space<hbm>>
      %dma_wait3A_207 = arith.constant 2048 : i32
      %dma_wait3A_208 = tpu.memref_slice %arg4[%add3A_204, %dma_wait3A_207] : memref<4096x4096xf32, #tpu.memory_space<hbm>> -> memref<8x2048xf32, #tpu.memory_space<hbm>>
      tpu.wait_dma2 semaphore(%arg13 : memref<!tpu.dma_semaphore, #tpu.memory_space<semaphore_mem>>) src(%arg9 : memref<8x2048xf32, #tpu.memory_space<vmem>>) dst(%dma_wait3A_208 : memref<8x2048xf32, #tpu.memory_space<hbm>>)
      %parallel_loop3A_209 = arith.constant 0 : i32
      %parallel_loop3A_210 = arith.constant 64 : i32
      %parallel_loop3A_211 = arith.constant 1 : i32
      scf.for %parallel_loop3A_226 = %parallel_loop3A_209 to %parallel_loop3A_210 step %parallel_loop3A_211  : i32 {
        %parallel_loop3A_227 = arith.constant 2 : i32
        %parallel_loop3A_228 = arith.muli %parallel_loop3A_226, %parallel_loop3A_227 : i32
        %parallel_loop3A_229 = arith.constant 128 : i32
        %parallel_loop3A_230 = arith.addi %parallel_loop3A_229, %parallel_loop3A_228 : i32
        %parallel_loop3A_231 = arith.constant 0 : i32
        %parallel_loop3A_232 = arith.addi %parallel_loop3A_230, %parallel_loop3A_231 : i32
        %parallel_loop3A_233 = arith.constant 16 : i32
        %parallel_loop3A_234 = arith.muli %parallel_loop3A_232, %parallel_loop3A_233 : i32
        %parallel_loop3A_235 = arith.index_cast %parallel_loop3A_234 : i32 to index
        %parallel_loop3A_236 = tpu.vector_load %arg5[%parallel_loop3A_235] {strides = array<i32>} : memref<4096xi32, #tpu.memory_space<vmem>>, vector<16xi32>,
        %parallel_loop3A_237 = arith.constant 128 : i32
        %parallel_loop3A_238 = arith.addi %parallel_loop3A_237, %parallel_loop3A_228 : i32
        %parallel_loop3A_239 = arith.constant 1 : i32
        %parallel_loop3A_240 = arith.addi %parallel_loop3A_238, %parallel_loop3A_239 : i32
        %parallel_loop3A_241 = arith.constant 16 : i32
        %parallel_loop3A_242 = arith.muli %parallel_loop3A_240, %parallel_loop3A_241 : i32
        %parallel_loop3A_243 = arith.index_cast %parallel_loop3A_242 : i32 to index
        %parallel_loop3A_244 = tpu.vector_load %arg5[%parallel_loop3A_243] {strides = array<i32>} : memref<4096xi32, #tpu.memory_space<vmem>>, vector<16xi32>,
        %parallel_loop3A_245 = tpu.vector_load_idx %arg6[%broadcast_in_dim3A_3, %parallel_loop3A_236] : memref<8x4096xf32, #tpu.memory_space<vmem>>[vector<16xi32>, vector<16xi32>], vector<16xf32>,
        %parallel_loop3A_246 = tpu.vector_load_idx %arg6[%broadcast_in_dim3A_5, %parallel_loop3A_236] : memref<8x4096xf32, #tpu.memory_space<vmem>>[vector<16xi32>, vector<16xi32>], vector<16xf32>,
        %parallel_loop3A_247 = tpu.vector_load_idx %arg6[%broadcast_in_dim3A_7, %parallel_loop3A_236] : memref<8x4096xf32, #tpu.memory_space<vmem>>[vector<16xi32>, vector<16xi32>], vector<16xf32>,
        %parallel_loop3A_248 = tpu.vector_load_idx %arg6[%broadcast_in_dim3A_9, %parallel_loop3A_236] : memref<8x4096xf32, #tpu.memory_space<vmem>>[vector<16xi32>, vector<16xi32>], vector<16xf32>,
        %parallel_loop3A_249 = tpu.vector_load_idx %arg6[%broadcast_in_dim3A_11, %parallel_loop3A_236] : memref<8x4096xf32, #tpu.memory_space<vmem>>[vector<16xi32>, vector<16xi32>], vector<16xf32>,
        %parallel_loop3A_250 = tpu.vector_load_idx %arg6[%broadcast_in_dim3A_13, %parallel_loop3A_236] : memref<8x4096xf32, #tpu.memory_space<vmem>>[vector<16xi32>, vector<16xi32>], vector<16xf32>,
        %parallel_loop3A_251 = tpu.vector_load_idx %arg6[%broadcast_in_dim3A_15, %parallel_loop3A_236] : memref<8x4096xf32, #tpu.memory_space<vmem>>[vector<16xi32>, vector<16xi32>], vector<16xf32>,
        %parallel_loop3A_252 = tpu.vector_load_idx %arg6[%broadcast_in_dim3A_17, %parallel_loop3A_236] : memref<8x4096xf32, #tpu.memory_space<vmem>>[vector<16xi32>, vector<16xi32>], vector<16xf32>,
        %parallel_loop3A_253 = tpu.vector_load_idx %arg6[%broadcast_in_dim3A_3, %parallel_loop3A_244] : memref<8x4096xf32, #tpu.memory_space<vmem>>[vector<16xi32>, vector<16xi32>], vector<16xf32>,
        %parallel_loop3A_254 = tpu.vector_load_idx %arg6[%broadcast_in_dim3A_5, %parallel_loop3A_244] : memref<8x4096xf32, #tpu.memory_space<vmem>>[vector<16xi32>, vector<16xi32>], vector<16xf32>,
        %parallel_loop3A_255 = tpu.vector_load_idx %arg6[%broadcast_in_dim3A_7, %parallel_loop3A_244] : memref<8x4096xf32, #tpu.memory_space<vmem>>[vector<16xi32>, vector<16xi32>], vector<16xf32>,
        %parallel_loop3A_256 = tpu.vector_load_idx %arg6[%broadcast_in_dim3A_9, %parallel_loop3A_244] : memref<8x4096xf32, #tpu.memory_space<vmem>>[vector<16xi32>, vector<16xi32>], vector<16xf32>,
        %parallel_loop3A_257 = tpu.vector_load_idx %arg6[%broadcast_in_dim3A_11, %parallel_loop3A_244] : memref<8x4096xf32, #tpu.memory_space<vmem>>[vector<16xi32>, vector<16xi32>], vector<16xf32>,
        %parallel_loop3A_258 = tpu.vector_load_idx %arg6[%broadcast_in_dim3A_13, %parallel_loop3A_244] : memref<8x4096xf32, #tpu.memory_space<vmem>>[vector<16xi32>, vector<16xi32>], vector<16xf32>,
        %parallel_loop3A_259 = tpu.vector_load_idx %arg6[%broadcast_in_dim3A_15, %parallel_loop3A_244] : memref<8x4096xf32, #tpu.memory_space<vmem>>[vector<16xi32>, vector<16xi32>], vector<16xf32>,
        %parallel_loop3A_260 = tpu.vector_load_idx %arg6[%broadcast_in_dim3A_17, %parallel_loop3A_244] : memref<8x4096xf32, #tpu.memory_space<vmem>>[vector<16xi32>, vector<16xi32>], vector<16xf32>,
        %parallel_loop3A_261 = arith.constant 0 : i32
        %parallel_loop3A_262 = arith.addi %parallel_loop3A_228, %parallel_loop3A_261 : i32
        %parallel_loop3A_263 = arith.constant 16 : i32
        %parallel_loop3A_264 = arith.muli %parallel_loop3A_262, %parallel_loop3A_263 : i32
        %parallel_loop3A_265 = arith.constant 0 : i32
        %parallel_loop3A_266 = arith.index_cast %parallel_loop3A_265 : i32 to index
        %parallel_loop3A_267 = arith.index_cast %parallel_loop3A_264 : i32 to index
        %parallel_loop3A_268 = tpu.vector_load %arg9[%parallel_loop3A_266, %parallel_loop3A_267] {strides = array<i32>} : memref<8x2048xf32, #tpu.memory_space<vmem>>, vector<16xf32>,
        tpu.vector_store %arg9[%parallel_loop3A_266, %parallel_loop3A_267], %parallel_loop3A_245 {strides = array<i32>} : memref<8x2048xf32, #tpu.memory_space<vmem>>, vector<16xf32>,
        %parallel_loop3A_269 = arith.constant 0 : i32
        %parallel_loop3A_270 = arith.addi %parallel_loop3A_228, %parallel_loop3A_269 : i32
        %parallel_loop3A_271 = arith.constant 16 : i32
        %parallel_loop3A_272 = arith.muli %parallel_loop3A_270, %parallel_loop3A_271 : i32
        %parallel_loop3A_273 = arith.constant 1 : i32
        %parallel_loop3A_274 = arith.index_cast %parallel_loop3A_273 : i32 to index
        %parallel_loop3A_275 = arith.index_cast %parallel_loop3A_272 : i32 to index
        %parallel_loop3A_276 = tpu.vector_load %arg9[%parallel_loop3A_274, %parallel_loop3A_275] {strides = array<i32>} : memref<8x2048xf32, #tpu.memory_space<vmem>>, vector<16xf32>,
        tpu.vector_store %arg9[%parallel_loop3A_274, %parallel_loop3A_275], %parallel_loop3A_246 {strides = array<i32>} : memref<8x2048xf32, #tpu.memory_space<vmem>>, vector<16xf32>,
        %parallel_loop3A_277 = arith.constant 0 : i32
        %parallel_loop3A_278 = arith.addi %parallel_loop3A_228, %parallel_loop3A_277 : i32
        %parallel_loop3A_279 = arith.constant 16 : i32
        %parallel_loop3A_280 = arith.muli %parallel_loop3A_278, %parallel_loop3A_279 : i32
        %parallel_loop3A_281 = arith.constant 2 : i32
        %parallel_loop3A_282 = arith.index_cast %parallel_loop3A_281 : i32 to index
        %parallel_loop3A_283 = arith.index_cast %parallel_loop3A_280 : i32 to index
        %parallel_loop3A_284 = tpu.vector_load %arg9[%parallel_loop3A_282, %parallel_loop3A_283] {strides = array<i32>} : memref<8x2048xf32, #tpu.memory_space<vmem>>, vector<16xf32>,
        tpu.vector_store %arg9[%parallel_loop3A_282, %parallel_loop3A_283], %parallel_loop3A_247 {strides = array<i32>} : memref<8x2048xf32, #tpu.memory_space<vmem>>, vector<16xf32>,
        %parallel_loop3A_285 = arith.constant 0 : i32
        %parallel_loop3A_286 = arith.addi %parallel_loop3A_228, %parallel_loop3A_285 : i32
        %parallel_loop3A_287 = arith.constant 16 : i32
        %parallel_loop3A_288 = arith.muli %parallel_loop3A_286, %parallel_loop3A_287 : i32
        %parallel_loop3A_289 = arith.constant 3 : i32
        %parallel_loop3A_290 = arith.index_cast %parallel_loop3A_289 : i32 to index
        %parallel_loop3A_291 = arith.index_cast %parallel_loop3A_288 : i32 to index
        %parallel_loop3A_292 = tpu.vector_load %arg9[%parallel_loop3A_290, %parallel_loop3A_291] {strides = array<i32>} : memref<8x2048xf32, #tpu.memory_space<vmem>>, vector<16xf32>,
        tpu.vector_store %arg9[%parallel_loop3A_290, %parallel_loop3A_291], %parallel_loop3A_248 {strides = array<i32>} : memref<8x2048xf32, #tpu.memory_space<vmem>>, vector<16xf32>,
        %parallel_loop3A_293 = arith.constant 0 : i32
        %parallel_loop3A_294 = arith.addi %parallel_loop3A_228, %parallel_loop3A_293 : i32
        %parallel_loop3A_295 = arith.constant 16 : i32
        %parallel_loop3A_296 = arith.muli %parallel_loop3A_294, %parallel_loop3A_295 : i32
        %parallel_loop3A_297 = arith.constant 4 : i32
        %parallel_loop3A_298 = arith.index_cast %parallel_loop3A_297 : i32 to index
        %parallel_loop3A_299 = arith.index_cast %parallel_loop3A_296 : i32 to index
        %parallel_loop3A_300 = tpu.vector_load %arg9[%parallel_loop3A_298, %parallel_loop3A_299] {strides = array<i32>} : memref<8x2048xf32, #tpu.memory_space<vmem>>, vector<16xf32>,
        tpu.vector_store %arg9[%parallel_loop3A_298, %parallel_loop3A_299], %parallel_loop3A_249 {strides = array<i32>} : memref<8x2048xf32, #tpu.memory_space<vmem>>, vector<16xf32>,
        %parallel_loop3A_301 = arith.constant 0 : i32
        %parallel_loop3A_302 = arith.addi %parallel_loop3A_228, %parallel_loop3A_301 : i32
        %parallel_loop3A_303 = arith.constant 16 : i32
        %parallel_loop3A_304 = arith.muli %parallel_loop3A_302, %parallel_loop3A_303 : i32
        %parallel_loop3A_305 = arith.constant 5 : i32
        %parallel_loop3A_306 = arith.index_cast %parallel_loop3A_305 : i32 to index
        %parallel_loop3A_307 = arith.index_cast %parallel_loop3A_304 : i32 to index
        %parallel_loop3A_308 = tpu.vector_load %arg9[%parallel_loop3A_306, %parallel_loop3A_307] {strides = array<i32>} : memref<8x2048xf32, #tpu.memory_space<vmem>>, vector<16xf32>,
        tpu.vector_store %arg9[%parallel_loop3A_306, %parallel_loop3A_307], %parallel_loop3A_250 {strides = array<i32>} : memref<8x2048xf32, #tpu.memory_space<vmem>>, vector<16xf32>,
        %parallel_loop3A_309 = arith.constant 0 : i32
        %parallel_loop3A_310 = arith.addi %parallel_loop3A_228, %parallel_loop3A_309 : i32
        %parallel_loop3A_311 = arith.constant 16 : i32
        %parallel_loop3A_312 = arith.muli %parallel_loop3A_310, %parallel_loop3A_311 : i32
        %parallel_loop3A_313 = arith.constant 6 : i32
        %parallel_loop3A_314 = arith.index_cast %parallel_loop3A_313 : i32 to index
        %parallel_loop3A_315 = arith.index_cast %parallel_loop3A_312 : i32 to index
        %parallel_loop3A_316 = tpu.vector_load %arg9[%parallel_loop3A_314, %parallel_loop3A_315] {strides = array<i32>} : memref<8x2048xf32, #tpu.memory_space<vmem>>, vector<16xf32>,
        tpu.vector_store %arg9[%parallel_loop3A_314, %parallel_loop3A_315], %parallel_loop3A_251 {strides = array<i32>} : memref<8x2048xf32, #tpu.memory_space<vmem>>, vector<16xf32>,
        %parallel_loop3A_317 = arith.constant 0 : i32
        %parallel_loop3A_318 = arith.addi %parallel_loop3A_228, %parallel_loop3A_317 : i32
        %parallel_loop3A_319 = arith.constant 16 : i32
        %parallel_loop3A_320 = arith.muli %parallel_loop3A_318, %parallel_loop3A_319 : i32
        %parallel_loop3A_321 = arith.constant 7 : i32
        %parallel_loop3A_322 = arith.index_cast %parallel_loop3A_321 : i32 to index
        %parallel_loop3A_323 = arith.index_cast %parallel_loop3A_320 : i32 to index
        %parallel_loop3A_324 = tpu.vector_load %arg9[%parallel_loop3A_322, %parallel_loop3A_323] {strides = array<i32>} : memref<8x2048xf32, #tpu.memory_space<vmem>>, vector<16xf32>,
        tpu.vector_store %arg9[%parallel_loop3A_322, %parallel_loop3A_323], %parallel_loop3A_252 {strides = array<i32>} : memref<8x2048xf32, #tpu.memory_space<vmem>>, vector<16xf32>,
        %parallel_loop3A_325 = arith.constant 1 : i32
        %parallel_loop3A_326 = arith.addi %parallel_loop3A_228, %parallel_loop3A_325 : i32
        %parallel_loop3A_327 = arith.constant 16 : i32
        %parallel_loop3A_328 = arith.muli %parallel_loop3A_326, %parallel_loop3A_327 : i32
        %parallel_loop3A_329 = arith.constant 0 : i32
        %parallel_loop3A_330 = arith.index_cast %parallel_loop3A_329 : i32 to index
        %parallel_loop3A_331 = arith.index_cast %parallel_loop3A_328 : i32 to index
        %parallel_loop3A_332 = tpu.vector_load %arg9[%parallel_loop3A_330, %parallel_loop3A_331] {strides = array<i32>} : memref<8x2048xf32, #tpu.memory_space<vmem>>, vector<16xf32>,
        tpu.vector_store %arg9[%parallel_loop3A_330, %parallel_loop3A_331], %parallel_loop3A_253 {strides = array<i32>} : memref<8x2048xf32, #tpu.memory_space<vmem>>, vector<16xf32>,
        %parallel_loop3A_333 = arith.constant 1 : i32
        %parallel_loop3A_334 = arith.addi %parallel_loop3A_228, %parallel_loop3A_333 : i32
        %parallel_loop3A_335 = arith.constant 16 : i32
        %parallel_loop3A_336 = arith.muli %parallel_loop3A_334, %parallel_loop3A_335 : i32
        %parallel_loop3A_337 = arith.constant 1 : i32
        %parallel_loop3A_338 = arith.index_cast %parallel_loop3A_337 : i32 to index
        %parallel_loop3A_339 = arith.index_cast %parallel_loop3A_336 : i32 to index
        %parallel_loop3A_340 = tpu.vector_load %arg9[%parallel_loop3A_338, %parallel_loop3A_339] {strides = array<i32>} : memref<8x2048xf32, #tpu.memory_space<vmem>>, vector<16xf32>,
        tpu.vector_store %arg9[%parallel_loop3A_338, %parallel_loop3A_339], %parallel_loop3A_254 {strides = array<i32>} : memref<8x2048xf32, #tpu.memory_space<vmem>>, vector<16xf32>,
        %parallel_loop3A_341 = arith.constant 1 : i32
        %parallel_loop3A_342 = arith.addi %parallel_loop3A_228, %parallel_loop3A_341 : i32
        %parallel_loop3A_343 = arith.constant 16 : i32
        %parallel_loop3A_344 = arith.muli %parallel_loop3A_342, %parallel_loop3A_343 : i32
        %parallel_loop3A_345 = arith.constant 2 : i32
        %parallel_loop3A_346 = arith.index_cast %parallel_loop3A_345 : i32 to index
        %parallel_loop3A_347 = arith.index_cast %parallel_loop3A_344 : i32 to index
        %parallel_loop3A_348 = tpu.vector_load %arg9[%parallel_loop3A_346, %parallel_loop3A_347] {strides = array<i32>} : memref<8x2048xf32, #tpu.memory_space<vmem>>, vector<16xf32>,
        tpu.vector_store %arg9[%parallel_loop3A_346, %parallel_loop3A_347], %parallel_loop3A_255 {strides = array<i32>} : memref<8x2048xf32, #tpu.memory_space<vmem>>, vector<16xf32>,
        %parallel_loop3A_349 = arith.constant 1 : i32
        %parallel_loop3A_350 = arith.addi %parallel_loop3A_228, %parallel_loop3A_349 : i32
        %parallel_loop3A_351 = arith.constant 16 : i32
        %parallel_loop3A_352 = arith.muli %parallel_loop3A_350, %parallel_loop3A_351 : i32
        %parallel_loop3A_353 = arith.constant 3 : i32
        %parallel_loop3A_354 = arith.index_cast %parallel_loop3A_353 : i32 to index
        %parallel_loop3A_355 = arith.index_cast %parallel_loop3A_352 : i32 to index
        %parallel_loop3A_356 = tpu.vector_load %arg9[%parallel_loop3A_354, %parallel_loop3A_355] {strides = array<i32>} : memref<8x2048xf32, #tpu.memory_space<vmem>>, vector<16xf32>,
        tpu.vector_store %arg9[%parallel_loop3A_354, %parallel_loop3A_355], %parallel_loop3A_256 {strides = array<i32>} : memref<8x2048xf32, #tpu.memory_space<vmem>>, vector<16xf32>,
        %parallel_loop3A_357 = arith.constant 1 : i32
        %parallel_loop3A_358 = arith.addi %parallel_loop3A_228, %parallel_loop3A_357 : i32
        %parallel_loop3A_359 = arith.constant 16 : i32
        %parallel_loop3A_360 = arith.muli %parallel_loop3A_358, %parallel_loop3A_359 : i32
        %parallel_loop3A_361 = arith.constant 4 : i32
        %parallel_loop3A_362 = arith.index_cast %parallel_loop3A_361 : i32 to index
        %parallel_loop3A_363 = arith.index_cast %parallel_loop3A_360 : i32 to index
        %parallel_loop3A_364 = tpu.vector_load %arg9[%parallel_loop3A_362, %parallel_loop3A_363] {strides = array<i32>} : memref<8x2048xf32, #tpu.memory_space<vmem>>, vector<16xf32>,
        tpu.vector_store %arg9[%parallel_loop3A_362, %parallel_loop3A_363], %parallel_loop3A_257 {strides = array<i32>} : memref<8x2048xf32, #tpu.memory_space<vmem>>, vector<16xf32>,
        %parallel_loop3A_365 = arith.constant 1 : i32
        %parallel_loop3A_366 = arith.addi %parallel_loop3A_228, %parallel_loop3A_365 : i32
        %parallel_loop3A_367 = arith.constant 16 : i32
        %parallel_loop3A_368 = arith.muli %parallel_loop3A_366, %parallel_loop3A_367 : i32
        %parallel_loop3A_369 = arith.constant 5 : i32
        %parallel_loop3A_370 = arith.index_cast %parallel_loop3A_369 : i32 to index
        %parallel_loop3A_371 = arith.index_cast %parallel_loop3A_368 : i32 to index
        %parallel_loop3A_372 = tpu.vector_load %arg9[%parallel_loop3A_370, %parallel_loop3A_371] {strides = array<i32>} : memref<8x2048xf32, #tpu.memory_space<vmem>>, vector<16xf32>,
        tpu.vector_store %arg9[%parallel_loop3A_370, %parallel_loop3A_371], %parallel_loop3A_258 {strides = array<i32>} : memref<8x2048xf32, #tpu.memory_space<vmem>>, vector<16xf32>,
        %parallel_loop3A_373 = arith.constant 1 : i32
        %parallel_loop3A_374 = arith.addi %parallel_loop3A_228, %parallel_loop3A_373 : i32
        %parallel_loop3A_375 = arith.constant 16 : i32
        %parallel_loop3A_376 = arith.muli %parallel_loop3A_374, %parallel_loop3A_375 : i32
        %parallel_loop3A_377 = arith.constant 6 : i32
        %parallel_loop3A_378 = arith.index_cast %parallel_loop3A_377 : i32 to index
        %parallel_loop3A_379 = arith.index_cast %parallel_loop3A_376 : i32 to index
        %parallel_loop3A_380 = tpu.vector_load %arg9[%parallel_loop3A_378, %parallel_loop3A_379] {strides = array<i32>} : memref<8x2048xf32, #tpu.memory_space<vmem>>, vector<16xf32>,
        tpu.vector_store %arg9[%parallel_loop3A_378, %parallel_loop3A_379], %parallel_loop3A_259 {strides = array<i32>} : memref<8x2048xf32, #tpu.memory_space<vmem>>, vector<16xf32>,
        %parallel_loop3A_381 = arith.constant 1 : i32
        %parallel_loop3A_382 = arith.addi %parallel_loop3A_228, %parallel_loop3A_381 : i32
        %parallel_loop3A_383 = arith.constant 16 : i32
        %parallel_loop3A_384 = arith.muli %parallel_loop3A_382, %parallel_loop3A_383 : i32
        %parallel_loop3A_385 = arith.constant 7 : i32
        %parallel_loop3A_386 = arith.index_cast %parallel_loop3A_385 : i32 to index
        %parallel_loop3A_387 = arith.index_cast %parallel_loop3A_384 : i32 to index
        %parallel_loop3A_388 = tpu.vector_load %arg9[%parallel_loop3A_386, %parallel_loop3A_387] {strides = array<i32>} : memref<8x2048xf32, #tpu.memory_space<vmem>>, vector<16xf32>,
        tpu.vector_store %arg9[%parallel_loop3A_386, %parallel_loop3A_387], %parallel_loop3A_260 {strides = array<i32>} : memref<8x2048xf32, #tpu.memory_space<vmem>>, vector<16xf32>,
      } {sc.loop_unroll_factor = 1 : i64, sc.parallel_access}
      %mul3A_212 = arith.constant 8 : i32
      %mul3A_213 = arith.muli %add3A_173, %mul3A_212 : i32
      %add3A_214 = arith.addi %mul3A_2, %mul3A_213 : i32
      %dma_start3A_215 = arith.constant 2048 : i32
      %dma_start3A_216 = tpu.memref_slice %arg4[%add3A_214, %dma_start3A_215] : memref<4096x4096xf32, #tpu.memory_space<hbm>> -> memref<8x2048xf32, #tpu.memory_space<hbm>>
      %dma_start3A_217 = arith.constant 2048 : i32
      %dma_start3A_218 = tpu.memref_slice %arg4[%add3A_214, %dma_start3A_217] : memref<4096x4096xf32, #tpu.memory_space<hbm>> -> memref<8x2048xf32, #tpu.memory_space<hbm>>
      tpu.enqueue_dma source(%arg9 : memref<8x2048xf32, #tpu.memory_space<vmem>>) target(%dma_start3A_218 : memref<8x2048xf32, #tpu.memory_space<hbm>>) target_semaphore(%arg13 : memref<!tpu.dma_semaphore, #tpu.memory_space<semaphore_mem>>)
      %add3A_219 = arith.constant 2 : i32
      %add3A_220 = arith.addi %add3A_173, %add3A_219 : i32
      %lt3A_221 = arith.constant 16 : i32
      %lt3A_222 = arith.cmpi slt, %add3A_220, %lt3A_221 : i32
      %convert_element_type3A_223 = arith.extui %lt3A_222 : i1 to i32
      %cond3A_224 = arith.constant 0 : i32
      %cond3A_225 = arith.cmpi ne, %convert_element_type3A_223, %cond3A_224 : i32
      scf.if %cond3A_225 {
        %add3A_226 = arith.constant 2 : i32
        %add3A_227 = arith.addi %add3A_173, %add3A_226 : i32
        %mul3A_228 = arith.constant 8 : i32
        %mul3A_229 = arith.muli %add3A_227, %mul3A_228 : i32
        %add3A_230 = arith.addi %mul3A_2, %mul3A_229 : i32
        %dma_start3A_231 = arith.constant 0 : i32
        %dma_start3A_232 = tpu.memref_slice %arg2[%add3A_230, %dma_start3A_231] : memref<4096x4096xf32, #tpu.memory_space<hbm>> -> memref<8x4096xf32, #tpu.memory_space<hbm>>
        %dma_start3A_233 = arith.constant 0 : i32
        %dma_start3A_234 = tpu.memref_slice %arg2[%add3A_230, %dma_start3A_233] : memref<4096x4096xf32, #tpu.memory_space<hbm>> -> memref<8x4096xf32, #tpu.memory_space<hbm>>
        tpu.enqueue_dma source(%dma_start3A_234 : memref<8x4096xf32, #tpu.memory_space<hbm>>) target(%arg6 : memref<8x4096xf32, #tpu.memory_space<vmem>>) target_semaphore(%arg10 : memref<!tpu.dma_semaphore, #tpu.memory_space<semaphore_mem>>)
      } else {
      }
    }
    %scan3A_60 = arith.constant 7 : i32
    %add3A_61 = arith.constant 120 : i32
    %add3A_62 = arith.addi %mul3A_2, %add3A_61 : i32
    %dma_wait3A_63 = arith.constant 0 : i32
    %dma_wait3A_64 = tpu.memref_slice %arg2[%add3A_62, %dma_wait3A_63] : memref<4096x4096xf32, #tpu.memory_space<hbm>> -> memref<8x4096xf32, #tpu.memory_space<hbm>>
    %dma_wait3A_65 = arith.constant 0 : i32
    %dma_wait3A_66 = tpu.memref_slice %arg2[%add3A_62, %dma_wait3A_65] : memref<4096x4096xf32, #tpu.memory_space<hbm>> -> memref<8x4096xf32, #tpu.memory_space<hbm>>
    tpu.wait_dma2 semaphore(%arg11 : memref<!tpu.dma_semaphore, #tpu.memory_space<semaphore_mem>>) src(%dma_wait3A_66 : memref<8x4096xf32, #tpu.memory_space<hbm>>) dst(%arg7 : memref<8x4096xf32, #tpu.memory_space<vmem>>)
    %add3A_67 = arith.constant 112 : i32
    %add3A_68 = arith.addi %mul3A_2, %add3A_67 : i32
    %dma_wait3A_69 = arith.constant 0 : i32
    %dma_wait3A_70 = tpu.memref_slice %arg4[%add3A_68, %dma_wait3A_69] : memref<4096x4096xf32, #tpu.memory_space<hbm>> -> memref<8x2048xf32, #tpu.memory_space<hbm>>
    %dma_wait3A_71 = arith.constant 0 : i32
    %dma_wait3A_72 = tpu.memref_slice %arg4[%add3A_68, %dma_wait3A_71] : memref<4096x4096xf32, #tpu.memory_space<hbm>> -> memref<8x2048xf32, #tpu.memory_space<hbm>>
    tpu.wait_dma2 semaphore(%arg12 : memref<!tpu.dma_semaphore, #tpu.memory_space<semaphore_mem>>) src(%arg8 : memref<8x2048xf32, #tpu.memory_space<vmem>>) dst(%dma_wait3A_72 : memref<8x2048xf32, #tpu.memory_space<hbm>>)
    %parallel_loop3A_73 = arith.constant 0 : i32
    %parallel_loop3A_74 = arith.constant 64 : i32
    %parallel_loop3A_75 = arith.constant 1 : i32
    scf.for %parallel_loop3A_109 = %parallel_loop3A_73 to %parallel_loop3A_74 step %parallel_loop3A_75  : i32 {
      %parallel_loop3A_110 = arith.constant 2 : i32
      %parallel_loop3A_111 = arith.muli %parallel_loop3A_109, %parallel_loop3A_110 : i32
      %parallel_loop3A_112 = arith.constant 0 : i32
      %parallel_loop3A_113 = arith.addi %parallel_loop3A_112, %parallel_loop3A_111 : i32
      %parallel_loop3A_114 = arith.constant 0 : i32
      %parallel_loop3A_115 = arith.addi %parallel_loop3A_113, %parallel_loop3A_114 : i32
      %parallel_loop3A_116 = arith.constant 16 : i32
      %parallel_loop3A_117 = arith.muli %parallel_loop3A_115, %parallel_loop3A_116 : i32
      %parallel_loop3A_118 = arith.index_cast %parallel_loop3A_117 : i32 to index
      %parallel_loop3A_119 = tpu.vector_load %arg5[%parallel_loop3A_118] {strides = array<i32>} : memref<4096xi32, #tpu.memory_space<vmem>>, vector<16xi32>,
      %parallel_loop3A_120 = arith.constant 0 : i32
      %parallel_loop3A_121 = arith.addi %parallel_loop3A_120, %parallel_loop3A_111 : i32
      %parallel_loop3A_122 = arith.constant 1 : i32
      %parallel_loop3A_123 = arith.addi %parallel_loop3A_121, %parallel_loop3A_122 : i32
      %parallel_loop3A_124 = arith.constant 16 : i32
      %parallel_loop3A_125 = arith.muli %parallel_loop3A_123, %parallel_loop3A_124 : i32
      %parallel_loop3A_126 = arith.index_cast %parallel_loop3A_125 : i32 to index
      %parallel_loop3A_127 = tpu.vector_load %arg5[%parallel_loop3A_126] {strides = array<i32>} : memref<4096xi32, #tpu.memory_space<vmem>>, vector<16xi32>,
      %parallel_loop3A_128 = tpu.vector_load_idx %arg7[%broadcast_in_dim3A_3, %parallel_loop3A_119] : memref<8x4096xf32, #tpu.memory_space<vmem>>[vector<16xi32>, vector<16xi32>], vector<16xf32>,
      %parallel_loop3A_129 = tpu.vector_load_idx %arg7[%broadcast_in_dim3A_5, %parallel_loop3A_119] : memref<8x4096xf32, #tpu.memory_space<vmem>>[vector<16xi32>, vector<16xi32>], vector<16xf32>,
      %parallel_loop3A_130 = tpu.vector_load_idx %arg7[%broadcast_in_dim3A_7, %parallel_loop3A_119] : memref<8x4096xf32, #tpu.memory_space<vmem>>[vector<16xi32>, vector<16xi32>], vector<16xf32>,
      %parallel_loop3A_131 = tpu.vector_load_idx %arg7[%broadcast_in_dim3A_9, %parallel_loop3A_119] : memref<8x4096xf32, #tpu.memory_space<vmem>>[vector<16xi32>, vector<16xi32>], vector<16xf32>,
      %parallel_loop3A_132 = tpu.vector_load_idx %arg7[%broadcast_in_dim3A_11, %parallel_loop3A_119] : memref<8x4096xf32, #tpu.memory_space<vmem>>[vector<16xi32>, vector<16xi32>], vector<16xf32>,
      %parallel_loop3A_133 = tpu.vector_load_idx %arg7[%broadcast_in_dim3A_13, %parallel_loop3A_119] : memref<8x4096xf32, #tpu.memory_space<vmem>>[vector<16xi32>, vector<16xi32>], vector<16xf32>,
      %parallel_loop3A_134 = tpu.vector_load_idx %arg7[%broadcast_in_dim3A_15, %parallel_loop3A_119] : memref<8x4096xf32, #tpu.memory_space<vmem>>[vector<16xi32>, vector<16xi32>], vector<16xf32>,
      %parallel_loop3A_135 = tpu.vector_load_idx %arg7[%broadcast_in_dim3A_17, %parallel_loop3A_119] : memref<8x4096xf32, #tpu.memory_space<vmem>>[vector<16xi32>, vector<16xi32>], vector<16xf32>,
      %parallel_loop3A_136 = tpu.vector_load_idx %arg7[%broadcast_in_dim3A_3, %parallel_loop3A_127] : memref<8x4096xf32, #tpu.memory_space<vmem>>[vector<16xi32>, vector<16xi32>], vector<16xf32>,
      %parallel_loop3A_137 = tpu.vector_load_idx %arg7[%broadcast_in_dim3A_5, %parallel_loop3A_127] : memref<8x4096xf32, #tpu.memory_space<vmem>>[vector<16xi32>, vector<16xi32>], vector<16xf32>,
      %parallel_loop3A_138 = tpu.vector_load_idx %arg7[%broadcast_in_dim3A_7, %parallel_loop3A_127] : memref<8x4096xf32, #tpu.memory_space<vmem>>[vector<16xi32>, vector<16xi32>], vector<16xf32>,
      %parallel_loop3A_139 = tpu.vector_load_idx %arg7[%broadcast_in_dim3A_9, %parallel_loop3A_127] : memref<8x4096xf32, #tpu.memory_space<vmem>>[vector<16xi32>, vector<16xi32>], vector<16xf32>,
      %parallel_loop3A_140 = tpu.vector_load_idx %arg7[%broadcast_in_dim3A_11, %parallel_loop3A_127] : memref<8x4096xf32, #tpu.memory_space<vmem>>[vector<16xi32>, vector<16xi32>], vector<16xf32>,
      %parallel_loop3A_141 = tpu.vector_load_idx %arg7[%broadcast_in_dim3A_13, %parallel_loop3A_127] : memref<8x4096xf32, #tpu.memory_space<vmem>>[vector<16xi32>, vector<16xi32>], vector<16xf32>,
      %parallel_loop3A_142 = tpu.vector_load_idx %arg7[%broadcast_in_dim3A_15, %parallel_loop3A_127] : memref<8x4096xf32, #tpu.memory_space<vmem>>[vector<16xi32>, vector<16xi32>], vector<16xf32>,
      %parallel_loop3A_143 = tpu.vector_load_idx %arg7[%broadcast_in_dim3A_17, %parallel_loop3A_127] : memref<8x4096xf32, #tpu.memory_space<vmem>>[vector<16xi32>, vector<16xi32>], vector<16xf32>,
      %parallel_loop3A_144 = arith.constant 0 : i32
      %parallel_loop3A_145 = arith.addi %parallel_loop3A_111, %parallel_loop3A_144 : i32
      %parallel_loop3A_146 = arith.constant 16 : i32
      %parallel_loop3A_147 = arith.muli %parallel_loop3A_145, %parallel_loop3A_146 : i32
      %parallel_loop3A_148 = arith.constant 0 : i32
      %parallel_loop3A_149 = arith.index_cast %parallel_loop3A_148 : i32 to index
      %parallel_loop3A_150 = arith.index_cast %parallel_loop3A_147 : i32 to index
      %parallel_loop3A_151 = tpu.vector_load %arg8[%parallel_loop3A_149, %parallel_loop3A_150] {strides = array<i32>} : memref<8x2048xf32, #tpu.memory_space<vmem>>, vector<16xf32>,
      tpu.vector_store %arg8[%parallel_loop3A_149, %parallel_loop3A_150], %parallel_loop3A_128 {strides = array<i32>} : memref<8x2048xf32, #tpu.memory_space<vmem>>, vector<16xf32>,
      %parallel_loop3A_152 = arith.constant 0 : i32
      %parallel_loop3A_153 = arith.addi %parallel_loop3A_111, %parallel_loop3A_152 : i32
      %parallel_loop3A_154 = arith.constant 16 : i32
      %parallel_loop3A_155 = arith.muli %parallel_loop3A_153, %parallel_loop3A_154 : i32
      %parallel_loop3A_156 = arith.constant 1 : i32
      %parallel_loop3A_157 = arith.index_cast %parallel_loop3A_156 : i32 to index
      %parallel_loop3A_158 = arith.index_cast %parallel_loop3A_155 : i32 to index
      %parallel_loop3A_159 = tpu.vector_load %arg8[%parallel_loop3A_157, %parallel_loop3A_158] {strides = array<i32>} : memref<8x2048xf32, #tpu.memory_space<vmem>>, vector<16xf32>,
      tpu.vector_store %arg8[%parallel_loop3A_157, %parallel_loop3A_158], %parallel_loop3A_129 {strides = array<i32>} : memref<8x2048xf32, #tpu.memory_space<vmem>>, vector<16xf32>,
      %parallel_loop3A_160 = arith.constant 0 : i32
      %parallel_loop3A_161 = arith.addi %parallel_loop3A_111, %parallel_loop3A_160 : i32
      %parallel_loop3A_162 = arith.constant 16 : i32
      %parallel_loop3A_163 = arith.muli %parallel_loop3A_161, %parallel_loop3A_162 : i32
      %parallel_loop3A_164 = arith.constant 2 : i32
      %parallel_loop3A_165 = arith.index_cast %parallel_loop3A_164 : i32 to index
      %parallel_loop3A_166 = arith.index_cast %parallel_loop3A_163 : i32 to index
      %parallel_loop3A_167 = tpu.vector_load %arg8[%parallel_loop3A_165, %parallel_loop3A_166] {strides = array<i32>} : memref<8x2048xf32, #tpu.memory_space<vmem>>, vector<16xf32>,
      tpu.vector_store %arg8[%parallel_loop3A_165, %parallel_loop3A_166], %parallel_loop3A_130 {strides = array<i32>} : memref<8x2048xf32, #tpu.memory_space<vmem>>, vector<16xf32>,
      %parallel_loop3A_168 = arith.constant 0 : i32
      %parallel_loop3A_169 = arith.addi %parallel_loop3A_111, %parallel_loop3A_168 : i32
      %parallel_loop3A_170 = arith.constant 16 : i32
      %parallel_loop3A_171 = arith.muli %parallel_loop3A_169, %parallel_loop3A_170 : i32
      %parallel_loop3A_172 = arith.constant 3 : i32
      %parallel_loop3A_173 = arith.index_cast %parallel_loop3A_172 : i32 to index
      %parallel_loop3A_174 = arith.index_cast %parallel_loop3A_171 : i32 to index
      %parallel_loop3A_175 = tpu.vector_load %arg8[%parallel_loop3A_173, %parallel_loop3A_174] {strides = array<i32>} : memref<8x2048xf32, #tpu.memory_space<vmem>>, vector<16xf32>,
      tpu.vector_store %arg8[%parallel_loop3A_173, %parallel_loop3A_174], %parallel_loop3A_131 {strides = array<i32>} : memref<8x2048xf32, #tpu.memory_space<vmem>>, vector<16xf32>,
      %parallel_loop3A_176 = arith.constant 0 : i32
      %parallel_loop3A_177 = arith.addi %parallel_loop3A_111, %parallel_loop3A_176 : i32
      %parallel_loop3A_178 = arith.constant 16 : i32
      %parallel_loop3A_179 = arith.muli %parallel_loop3A_177, %parallel_loop3A_178 : i32
      %parallel_loop3A_180 = arith.constant 4 : i32
      %parallel_loop3A_181 = arith.index_cast %parallel_loop3A_180 : i32 to index
      %parallel_loop3A_182 = arith.index_cast %parallel_loop3A_179 : i32 to index
      %parallel_loop3A_183 = tpu.vector_load %arg8[%parallel_loop3A_181, %parallel_loop3A_182] {strides = array<i32>} : memref<8x2048xf32, #tpu.memory_space<vmem>>, vector<16xf32>,
      tpu.vector_store %arg8[%parallel_loop3A_181, %parallel_loop3A_182], %parallel_loop3A_132 {strides = array<i32>} : memref<8x2048xf32, #tpu.memory_space<vmem>>, vector<16xf32>,
      %parallel_loop3A_184 = arith.constant 0 : i32
      %parallel_loop3A_185 = arith.addi %parallel_loop3A_111, %parallel_loop3A_184 : i32
      %parallel_loop3A_186 = arith.constant 16 : i32
      %parallel_loop3A_187 = arith.muli %parallel_loop3A_185, %parallel_loop3A_186 : i32
      %parallel_loop3A_188 = arith.constant 5 : i32
      %parallel_loop3A_189 = arith.index_cast %parallel_loop3A_188 : i32 to index
      %parallel_loop3A_190 = arith.index_cast %parallel_loop3A_187 : i32 to index
      %parallel_loop3A_191 = tpu.vector_load %arg8[%parallel_loop3A_189, %parallel_loop3A_190] {strides = array<i32>} : memref<8x2048xf32, #tpu.memory_space<vmem>>, vector<16xf32>,
      tpu.vector_store %arg8[%parallel_loop3A_189, %parallel_loop3A_190], %parallel_loop3A_133 {strides = array<i32>} : memref<8x2048xf32, #tpu.memory_space<vmem>>, vector<16xf32>,
      %parallel_loop3A_192 = arith.constant 0 : i32
      %parallel_loop3A_193 = arith.addi %parallel_loop3A_111, %parallel_loop3A_192 : i32
      %parallel_loop3A_194 = arith.constant 16 : i32
      %parallel_loop3A_195 = arith.muli %parallel_loop3A_193, %parallel_loop3A_194 : i32
      %parallel_loop3A_196 = arith.constant 6 : i32
      %parallel_loop3A_197 = arith.index_cast %parallel_loop3A_196 : i32 to index
      %parallel_loop3A_198 = arith.index_cast %parallel_loop3A_195 : i32 to index
      %parallel_loop3A_199 = tpu.vector_load %arg8[%parallel_loop3A_197, %parallel_loop3A_198] {strides = array<i32>} : memref<8x2048xf32, #tpu.memory_space<vmem>>, vector<16xf32>,
      tpu.vector_store %arg8[%parallel_loop3A_197, %parallel_loop3A_198], %parallel_loop3A_134 {strides = array<i32>} : memref<8x2048xf32, #tpu.memory_space<vmem>>, vector<16xf32>,
      %parallel_loop3A_200 = arith.constant 0 : i32
      %parallel_loop3A_201 = arith.addi %parallel_loop3A_111, %parallel_loop3A_200 : i32
      %parallel_loop3A_202 = arith.constant 16 : i32
      %parallel_loop3A_203 = arith.muli %parallel_loop3A_201, %parallel_loop3A_202 : i32
      %parallel_loop3A_204 = arith.constant 7 : i32
      %parallel_loop3A_205 = arith.index_cast %parallel_loop3A_204 : i32 to index
      %parallel_loop3A_206 = arith.index_cast %parallel_loop3A_203 : i32 to index
      %parallel_loop3A_207 = tpu.vector_load %arg8[%parallel_loop3A_205, %parallel_loop3A_206] {strides = array<i32>} : memref<8x2048xf32, #tpu.memory_space<vmem>>, vector<16xf32>,
      tpu.vector_store %arg8[%parallel_loop3A_205, %parallel_loop3A_206], %parallel_loop3A_135 {strides = array<i32>} : memref<8x2048xf32, #tpu.memory_space<vmem>>, vector<16xf32>,
      %parallel_loop3A_208 = arith.constant 1 : i32
      %parallel_loop3A_209 = arith.addi %parallel_loop3A_111, %parallel_loop3A_208 : i32
      %parallel_loop3A_210 = arith.constant 16 : i32
      %parallel_loop3A_211 = arith.muli %parallel_loop3A_209, %parallel_loop3A_210 : i32
      %parallel_loop3A_212 = arith.constant 0 : i32
      %parallel_loop3A_213 = arith.index_cast %parallel_loop3A_212 : i32 to index
      %parallel_loop3A_214 = arith.index_cast %parallel_loop3A_211 : i32 to index
      %parallel_loop3A_215 = tpu.vector_load %arg8[%parallel_loop3A_213, %parallel_loop3A_214] {strides = array<i32>} : memref<8x2048xf32, #tpu.memory_space<vmem>>, vector<16xf32>,
      tpu.vector_store %arg8[%parallel_loop3A_213, %parallel_loop3A_214], %parallel_loop3A_136 {strides = array<i32>} : memref<8x2048xf32, #tpu.memory_space<vmem>>, vector<16xf32>,
      %parallel_loop3A_216 = arith.constant 1 : i32
      %parallel_loop3A_217 = arith.addi %parallel_loop3A_111, %parallel_loop3A_216 : i32
      %parallel_loop3A_218 = arith.constant 16 : i32
      %parallel_loop3A_219 = arith.muli %parallel_loop3A_217, %parallel_loop3A_218 : i32
      %parallel_loop3A_220 = arith.constant 1 : i32
      %parallel_loop3A_221 = arith.index_cast %parallel_loop3A_220 : i32 to index
      %parallel_loop3A_222 = arith.index_cast %parallel_loop3A_219 : i32 to index
      %parallel_loop3A_223 = tpu.vector_load %arg8[%parallel_loop3A_221, %parallel_loop3A_222] {strides = array<i32>} : memref<8x2048xf32, #tpu.memory_space<vmem>>, vector<16xf32>,
      tpu.vector_store %arg8[%parallel_loop3A_221, %parallel_loop3A_222], %parallel_loop3A_137 {strides = array<i32>} : memref<8x2048xf32, #tpu.memory_space<vmem>>, vector<16xf32>,
      %parallel_loop3A_224 = arith.constant 1 : i32
      %parallel_loop3A_225 = arith.addi %parallel_loop3A_111, %parallel_loop3A_224 : i32
      %parallel_loop3A_226 = arith.constant 16 : i32
      %parallel_loop3A_227 = arith.muli %parallel_loop3A_225, %parallel_loop3A_226 : i32
      %parallel_loop3A_228 = arith.constant 2 : i32
      %parallel_loop3A_229 = arith.index_cast %parallel_loop3A_228 : i32 to index
      %parallel_loop3A_230 = arith.index_cast %parallel_loop3A_227 : i32 to index
      %parallel_loop3A_231 = tpu.vector_load %arg8[%parallel_loop3A_229, %parallel_loop3A_230] {strides = array<i32>} : memref<8x2048xf32, #tpu.memory_space<vmem>>, vector<16xf32>,
      tpu.vector_store %arg8[%parallel_loop3A_229, %parallel_loop3A_230], %parallel_loop3A_138 {strides = array<i32>} : memref<8x2048xf32, #tpu.memory_space<vmem>>, vector<16xf32>,
      %parallel_loop3A_232 = arith.constant 1 : i32
      %parallel_loop3A_233 = arith.addi %parallel_loop3A_111, %parallel_loop3A_232 : i32
      %parallel_loop3A_234 = arith.constant 16 : i32
      %parallel_loop3A_235 = arith.muli %parallel_loop3A_233, %parallel_loop3A_234 : i32
      %parallel_loop3A_236 = arith.constant 3 : i32
      %parallel_loop3A_237 = arith.index_cast %parallel_loop3A_236 : i32 to index
      %parallel_loop3A_238 = arith.index_cast %parallel_loop3A_235 : i32 to index
      %parallel_loop3A_239 = tpu.vector_load %arg8[%parallel_loop3A_237, %parallel_loop3A_238] {strides = array<i32>} : memref<8x2048xf32, #tpu.memory_space<vmem>>, vector<16xf32>,
      tpu.vector_store %arg8[%parallel_loop3A_237, %parallel_loop3A_238], %parallel_loop3A_139 {strides = array<i32>} : memref<8x2048xf32, #tpu.memory_space<vmem>>, vector<16xf32>,
      %parallel_loop3A_240 = arith.constant 1 : i32
      %parallel_loop3A_241 = arith.addi %parallel_loop3A_111, %parallel_loop3A_240 : i32
      %parallel_loop3A_242 = arith.constant 16 : i32
      %parallel_loop3A_243 = arith.muli %parallel_loop3A_241, %parallel_loop3A_242 : i32
      %parallel_loop3A_244 = arith.constant 4 : i32
      %parallel_loop3A_245 = arith.index_cast %parallel_loop3A_244 : i32 to index
      %parallel_loop3A_246 = arith.index_cast %parallel_loop3A_243 : i32 to index
      %parallel_loop3A_247 = tpu.vector_load %arg8[%parallel_loop3A_245, %parallel_loop3A_246] {strides = array<i32>} : memref<8x2048xf32, #tpu.memory_space<vmem>>, vector<16xf32>,
      tpu.vector_store %arg8[%parallel_loop3A_245, %parallel_loop3A_246], %parallel_loop3A_140 {strides = array<i32>} : memref<8x2048xf32, #tpu.memory_space<vmem>>, vector<16xf32>,
      %parallel_loop3A_248 = arith.constant 1 : i32
      %parallel_loop3A_249 = arith.addi %parallel_loop3A_111, %parallel_loop3A_248 : i32
      %parallel_loop3A_250 = arith.constant 16 : i32
      %parallel_loop3A_251 = arith.muli %parallel_loop3A_249, %parallel_loop3A_250 : i32
      %parallel_loop3A_252 = arith.constant 5 : i32
      %parallel_loop3A_253 = arith.index_cast %parallel_loop3A_252 : i32 to index
      %parallel_loop3A_254 = arith.index_cast %parallel_loop3A_251 : i32 to index
      %parallel_loop3A_255 = tpu.vector_load %arg8[%parallel_loop3A_253, %parallel_loop3A_254] {strides = array<i32>} : memref<8x2048xf32, #tpu.memory_space<vmem>>, vector<16xf32>,
      tpu.vector_store %arg8[%parallel_loop3A_253, %parallel_loop3A_254], %parallel_loop3A_141 {strides = array<i32>} : memref<8x2048xf32, #tpu.memory_space<vmem>>, vector<16xf32>,
      %parallel_loop3A_256 = arith.constant 1 : i32
      %parallel_loop3A_257 = arith.addi %parallel_loop3A_111, %parallel_loop3A_256 : i32
      %parallel_loop3A_258 = arith.constant 16 : i32
      %parallel_loop3A_259 = arith.muli %parallel_loop3A_257, %parallel_loop3A_258 : i32
      %parallel_loop3A_260 = arith.constant 6 : i32
      %parallel_loop3A_261 = arith.index_cast %parallel_loop3A_260 : i32 to index
      %parallel_loop3A_262 = arith.index_cast %parallel_loop3A_259 : i32 to index
      %parallel_loop3A_263 = tpu.vector_load %arg8[%parallel_loop3A_261, %parallel_loop3A_262] {strides = array<i32>} : memref<8x2048xf32, #tpu.memory_space<vmem>>, vector<16xf32>,
      tpu.vector_store %arg8[%parallel_loop3A_261, %parallel_loop3A_262], %parallel_loop3A_142 {strides = array<i32>} : memref<8x2048xf32, #tpu.memory_space<vmem>>, vector<16xf32>,
      %parallel_loop3A_264 = arith.constant 1 : i32
      %parallel_loop3A_265 = arith.addi %parallel_loop3A_111, %parallel_loop3A_264 : i32
      %parallel_loop3A_266 = arith.constant 16 : i32
      %parallel_loop3A_267 = arith.muli %parallel_loop3A_265, %parallel_loop3A_266 : i32
      %parallel_loop3A_268 = arith.constant 7 : i32
      %parallel_loop3A_269 = arith.index_cast %parallel_loop3A_268 : i32 to index
      %parallel_loop3A_270 = arith.index_cast %parallel_loop3A_267 : i32 to index
      %parallel_loop3A_271 = tpu.vector_load %arg8[%parallel_loop3A_269, %parallel_loop3A_270] {strides = array<i32>} : memref<8x2048xf32, #tpu.memory_space<vmem>>, vector<16xf32>,
      tpu.vector_store %arg8[%parallel_loop3A_269, %parallel_loop3A_270], %parallel_loop3A_143 {strides = array<i32>} : memref<8x2048xf32, #tpu.memory_space<vmem>>, vector<16xf32>,
    } {sc.loop_unroll_factor = 1 : i64, sc.parallel_access}
    %add3A_76 = arith.constant 120 : i32
    %add3A_77 = arith.addi %mul3A_2, %add3A_76 : i32
    %dma_start3A_78 = arith.constant 0 : i32
    %dma_start3A_79 = tpu.memref_slice %arg4[%add3A_77, %dma_start3A_78] : memref<4096x4096xf32, #tpu.memory_space<hbm>> -> memref<8x2048xf32, #tpu.memory_space<hbm>>
    %dma_start3A_80 = arith.constant 0 : i32
    %dma_start3A_81 = tpu.memref_slice %arg4[%add3A_77, %dma_start3A_80] : memref<4096x4096xf32, #tpu.memory_space<hbm>> -> memref<8x2048xf32, #tpu.memory_space<hbm>>
    tpu.enqueue_dma source(%arg8 : memref<8x2048xf32, #tpu.memory_space<vmem>>) target(%dma_start3A_81 : memref<8x2048xf32, #tpu.memory_space<hbm>>) target_semaphore(%arg12 : memref<!tpu.dma_semaphore, #tpu.memory_space<semaphore_mem>>)
    %add3A_82 = arith.constant 112 : i32
    %add3A_83 = arith.addi %mul3A_2, %add3A_82 : i32
    %dma_wait3A_84 = arith.constant 2048 : i32
    %dma_wait3A_85 = tpu.memref_slice %arg4[%add3A_83, %dma_wait3A_84] : memref<4096x4096xf32, #tpu.memory_space<hbm>> -> memref<8x2048xf32, #tpu.memory_space<hbm>>
    %dma_wait3A_86 = arith.constant 2048 : i32
    %dma_wait3A_87 = tpu.memref_slice %arg4[%add3A_83, %dma_wait3A_86] : memref<4096x4096xf32, #tpu.memory_space<hbm>> -> memref<8x2048xf32, #tpu.memory_space<hbm>>
    tpu.wait_dma2 semaphore(%arg13 : memref<!tpu.dma_semaphore, #tpu.memory_space<semaphore_mem>>) src(%arg9 : memref<8x2048xf32, #tpu.memory_space<vmem>>) dst(%dma_wait3A_87 : memref<8x2048xf32, #tpu.memory_space<hbm>>)
    %parallel_loop3A_88 = arith.constant 0 : i32
    %parallel_loop3A_89 = arith.constant 64 : i32
    %parallel_loop3A_90 = arith.constant 1 : i32
    scf.for %parallel_loop3A_109 = %parallel_loop3A_88 to %parallel_loop3A_89 step %parallel_loop3A_90  : i32 {
      %parallel_loop3A_110 = arith.constant 2 : i32
      %parallel_loop3A_111 = arith.muli %parallel_loop3A_109, %parallel_loop3A_110 : i32
      %parallel_loop3A_112 = arith.constant 128 : i32
      %parallel_loop3A_113 = arith.addi %parallel_loop3A_112, %parallel_loop3A_111 : i32
      %parallel_loop3A_114 = arith.constant 0 : i32
      %parallel_loop3A_115 = arith.addi %parallel_loop3A_113, %parallel_loop3A_114 : i32
      %parallel_loop3A_116 = arith.constant 16 : i32
      %parallel_loop3A_117 = arith.muli %parallel_loop3A_115, %parallel_loop3A_116 : i32
      %parallel_loop3A_118 = arith.index_cast %parallel_loop3A_117 : i32 to index
      %parallel_loop3A_119 = tpu.vector_load %arg5[%parallel_loop3A_118] {strides = array<i32>} : memref<4096xi32, #tpu.memory_space<vmem>>, vector<16xi32>,
      %parallel_loop3A_120 = arith.constant 128 : i32
      %parallel_loop3A_121 = arith.addi %parallel_loop3A_120, %parallel_loop3A_111 : i32
      %parallel_loop3A_122 = arith.constant 1 : i32
      %parallel_loop3A_123 = arith.addi %parallel_loop3A_121, %parallel_loop3A_122 : i32
      %parallel_loop3A_124 = arith.constant 16 : i32
      %parallel_loop3A_125 = arith.muli %parallel_loop3A_123, %parallel_loop3A_124 : i32
      %parallel_loop3A_126 = arith.index_cast %parallel_loop3A_125 : i32 to index
      %parallel_loop3A_127 = tpu.vector_load %arg5[%parallel_loop3A_126] {strides = array<i32>} : memref<4096xi32, #tpu.memory_space<vmem>>, vector<16xi32>,
      %parallel_loop3A_128 = tpu.vector_load_idx %arg7[%broadcast_in_dim3A_3, %parallel_loop3A_119] : memref<8x4096xf32, #tpu.memory_space<vmem>>[vector<16xi32>, vector<16xi32>], vector<16xf32>,
      %parallel_loop3A_129 = tpu.vector_load_idx %arg7[%broadcast_in_dim3A_5, %parallel_loop3A_119] : memref<8x4096xf32, #tpu.memory_space<vmem>>[vector<16xi32>, vector<16xi32>], vector<16xf32>,
      %parallel_loop3A_130 = tpu.vector_load_idx %arg7[%broadcast_in_dim3A_7, %parallel_loop3A_119] : memref<8x4096xf32, #tpu.memory_space<vmem>>[vector<16xi32>, vector<16xi32>], vector<16xf32>,
      %parallel_loop3A_131 = tpu.vector_load_idx %arg7[%broadcast_in_dim3A_9, %parallel_loop3A_119] : memref<8x4096xf32, #tpu.memory_space<vmem>>[vector<16xi32>, vector<16xi32>], vector<16xf32>,
      %parallel_loop3A_132 = tpu.vector_load_idx %arg7[%broadcast_in_dim3A_11, %parallel_loop3A_119] : memref<8x4096xf32, #tpu.memory_space<vmem>>[vector<16xi32>, vector<16xi32>], vector<16xf32>,
      %parallel_loop3A_133 = tpu.vector_load_idx %arg7[%broadcast_in_dim3A_13, %parallel_loop3A_119] : memref<8x4096xf32, #tpu.memory_space<vmem>>[vector<16xi32>, vector<16xi32>], vector<16xf32>,
      %parallel_loop3A_134 = tpu.vector_load_idx %arg7[%broadcast_in_dim3A_15, %parallel_loop3A_119] : memref<8x4096xf32, #tpu.memory_space<vmem>>[vector<16xi32>, vector<16xi32>], vector<16xf32>,
      %parallel_loop3A_135 = tpu.vector_load_idx %arg7[%broadcast_in_dim3A_17, %parallel_loop3A_119] : memref<8x4096xf32, #tpu.memory_space<vmem>>[vector<16xi32>, vector<16xi32>], vector<16xf32>,
      %parallel_loop3A_136 = tpu.vector_load_idx %arg7[%broadcast_in_dim3A_3, %parallel_loop3A_127] : memref<8x4096xf32, #tpu.memory_space<vmem>>[vector<16xi32>, vector<16xi32>], vector<16xf32>,
      %parallel_loop3A_137 = tpu.vector_load_idx %arg7[%broadcast_in_dim3A_5, %parallel_loop3A_127] : memref<8x4096xf32, #tpu.memory_space<vmem>>[vector<16xi32>, vector<16xi32>], vector<16xf32>,
      %parallel_loop3A_138 = tpu.vector_load_idx %arg7[%broadcast_in_dim3A_7, %parallel_loop3A_127] : memref<8x4096xf32, #tpu.memory_space<vmem>>[vector<16xi32>, vector<16xi32>], vector<16xf32>,
      %parallel_loop3A_139 = tpu.vector_load_idx %arg7[%broadcast_in_dim3A_9, %parallel_loop3A_127] : memref<8x4096xf32, #tpu.memory_space<vmem>>[vector<16xi32>, vector<16xi32>], vector<16xf32>,
      %parallel_loop3A_140 = tpu.vector_load_idx %arg7[%broadcast_in_dim3A_11, %parallel_loop3A_127] : memref<8x4096xf32, #tpu.memory_space<vmem>>[vector<16xi32>, vector<16xi32>], vector<16xf32>,
      %parallel_loop3A_141 = tpu.vector_load_idx %arg7[%broadcast_in_dim3A_13, %parallel_loop3A_127] : memref<8x4096xf32, #tpu.memory_space<vmem>>[vector<16xi32>, vector<16xi32>], vector<16xf32>,
      %parallel_loop3A_142 = tpu.vector_load_idx %arg7[%broadcast_in_dim3A_15, %parallel_loop3A_127] : memref<8x4096xf32, #tpu.memory_space<vmem>>[vector<16xi32>, vector<16xi32>], vector<16xf32>,
      %parallel_loop3A_143 = tpu.vector_load_idx %arg7[%broadcast_in_dim3A_17, %parallel_loop3A_127] : memref<8x4096xf32, #tpu.memory_space<vmem>>[vector<16xi32>, vector<16xi32>], vector<16xf32>,
      %parallel_loop3A_144 = arith.constant 0 : i32
      %parallel_loop3A_145 = arith.addi %parallel_loop3A_111, %parallel_loop3A_144 : i32
      %parallel_loop3A_146 = arith.constant 16 : i32
      %parallel_loop3A_147 = arith.muli %parallel_loop3A_145, %parallel_loop3A_146 : i32
      %parallel_loop3A_148 = arith.constant 0 : i32
      %parallel_loop3A_149 = arith.index_cast %parallel_loop3A_148 : i32 to index
      %parallel_loop3A_150 = arith.index_cast %parallel_loop3A_147 : i32 to index
      %parallel_loop3A_151 = tpu.vector_load %arg9[%parallel_loop3A_149, %parallel_loop3A_150] {strides = array<i32>} : memref<8x2048xf32, #tpu.memory_space<vmem>>, vector<16xf32>,
      tpu.vector_store %arg9[%parallel_loop3A_149, %parallel_loop3A_150], %parallel_loop3A_128 {strides = array<i32>} : memref<8x2048xf32, #tpu.memory_space<vmem>>, vector<16xf32>,
      %parallel_loop3A_152 = arith.constant 0 : i32
      %parallel_loop3A_153 = arith.addi %parallel_loop3A_111, %parallel_loop3A_152 : i32
      %parallel_loop3A_154 = arith.constant 16 : i32
      %parallel_loop3A_155 = arith.muli %parallel_loop3A_153, %parallel_loop3A_154 : i32
      %parallel_loop3A_156 = arith.constant 1 : i32
      %parallel_loop3A_157 = arith.index_cast %parallel_loop3A_156 : i32 to index
      %parallel_loop3A_158 = arith.index_cast %parallel_loop3A_155 : i32 to index
      %parallel_loop3A_159 = tpu.vector_load %arg9[%parallel_loop3A_157, %parallel_loop3A_158] {strides = array<i32>} : memref<8x2048xf32, #tpu.memory_space<vmem>>, vector<16xf32>,
      tpu.vector_store %arg9[%parallel_loop3A_157, %parallel_loop3A_158], %parallel_loop3A_129 {strides = array<i32>} : memref<8x2048xf32, #tpu.memory_space<vmem>>, vector<16xf32>,
      %parallel_loop3A_160 = arith.constant 0 : i32
      %parallel_loop3A_161 = arith.addi %parallel_loop3A_111, %parallel_loop3A_160 : i32
      %parallel_loop3A_162 = arith.constant 16 : i32
      %parallel_loop3A_163 = arith.muli %parallel_loop3A_161, %parallel_loop3A_162 : i32
      %parallel_loop3A_164 = arith.constant 2 : i32
      %parallel_loop3A_165 = arith.index_cast %parallel_loop3A_164 : i32 to index
      %parallel_loop3A_166 = arith.index_cast %parallel_loop3A_163 : i32 to index
      %parallel_loop3A_167 = tpu.vector_load %arg9[%parallel_loop3A_165, %parallel_loop3A_166] {strides = array<i32>} : memref<8x2048xf32, #tpu.memory_space<vmem>>, vector<16xf32>,
      tpu.vector_store %arg9[%parallel_loop3A_165, %parallel_loop3A_166], %parallel_loop3A_130 {strides = array<i32>} : memref<8x2048xf32, #tpu.memory_space<vmem>>, vector<16xf32>,
      %parallel_loop3A_168 = arith.constant 0 : i32
      %parallel_loop3A_169 = arith.addi %parallel_loop3A_111, %parallel_loop3A_168 : i32
      %parallel_loop3A_170 = arith.constant 16 : i32
      %parallel_loop3A_171 = arith.muli %parallel_loop3A_169, %parallel_loop3A_170 : i32
      %parallel_loop3A_172 = arith.constant 3 : i32
      %parallel_loop3A_173 = arith.index_cast %parallel_loop3A_172 : i32 to index
      %parallel_loop3A_174 = arith.index_cast %parallel_loop3A_171 : i32 to index
      %parallel_loop3A_175 = tpu.vector_load %arg9[%parallel_loop3A_173, %parallel_loop3A_174] {strides = array<i32>} : memref<8x2048xf32, #tpu.memory_space<vmem>>, vector<16xf32>,
      tpu.vector_store %arg9[%parallel_loop3A_173, %parallel_loop3A_174], %parallel_loop3A_131 {strides = array<i32>} : memref<8x2048xf32, #tpu.memory_space<vmem>>, vector<16xf32>,
      %parallel_loop3A_176 = arith.constant 0 : i32
      %parallel_loop3A_177 = arith.addi %parallel_loop3A_111, %parallel_loop3A_176 : i32
      %parallel_loop3A_178 = arith.constant 16 : i32
      %parallel_loop3A_179 = arith.muli %parallel_loop3A_177, %parallel_loop3A_178 : i32
      %parallel_loop3A_180 = arith.constant 4 : i32
      %parallel_loop3A_181 = arith.index_cast %parallel_loop3A_180 : i32 to index
      %parallel_loop3A_182 = arith.index_cast %parallel_loop3A_179 : i32 to index
      %parallel_loop3A_183 = tpu.vector_load %arg9[%parallel_loop3A_181, %parallel_loop3A_182] {strides = array<i32>} : memref<8x2048xf32, #tpu.memory_space<vmem>>, vector<16xf32>,
      tpu.vector_store %arg9[%parallel_loop3A_181, %parallel_loop3A_182], %parallel_loop3A_132 {strides = array<i32>} : memref<8x2048xf32, #tpu.memory_space<vmem>>, vector<16xf32>,
      %parallel_loop3A_184 = arith.constant 0 : i32
      %parallel_loop3A_185 = arith.addi %parallel_loop3A_111, %parallel_loop3A_184 : i32
      %parallel_loop3A_186 = arith.constant 16 : i32
      %parallel_loop3A_187 = arith.muli %parallel_loop3A_185, %parallel_loop3A_186 : i32
      %parallel_loop3A_188 = arith.constant 5 : i32
      %parallel_loop3A_189 = arith.index_cast %parallel_loop3A_188 : i32 to index
      %parallel_loop3A_190 = arith.index_cast %parallel_loop3A_187 : i32 to index
      %parallel_loop3A_191 = tpu.vector_load %arg9[%parallel_loop3A_189, %parallel_loop3A_190] {strides = array<i32>} : memref<8x2048xf32, #tpu.memory_space<vmem>>, vector<16xf32>,
      tpu.vector_store %arg9[%parallel_loop3A_189, %parallel_loop3A_190], %parallel_loop3A_133 {strides = array<i32>} : memref<8x2048xf32, #tpu.memory_space<vmem>>, vector<16xf32>,
      %parallel_loop3A_192 = arith.constant 0 : i32
      %parallel_loop3A_193 = arith.addi %parallel_loop3A_111, %parallel_loop3A_192 : i32
      %parallel_loop3A_194 = arith.constant 16 : i32
      %parallel_loop3A_195 = arith.muli %parallel_loop3A_193, %parallel_loop3A_194 : i32
      %parallel_loop3A_196 = arith.constant 6 : i32
      %parallel_loop3A_197 = arith.index_cast %parallel_loop3A_196 : i32 to index
      %parallel_loop3A_198 = arith.index_cast %parallel_loop3A_195 : i32 to index
      %parallel_loop3A_199 = tpu.vector_load %arg9[%parallel_loop3A_197, %parallel_loop3A_198] {strides = array<i32>} : memref<8x2048xf32, #tpu.memory_space<vmem>>, vector<16xf32>,
      tpu.vector_store %arg9[%parallel_loop3A_197, %parallel_loop3A_198], %parallel_loop3A_134 {strides = array<i32>} : memref<8x2048xf32, #tpu.memory_space<vmem>>, vector<16xf32>,
      %parallel_loop3A_200 = arith.constant 0 : i32
      %parallel_loop3A_201 = arith.addi %parallel_loop3A_111, %parallel_loop3A_200 : i32
      %parallel_loop3A_202 = arith.constant 16 : i32
      %parallel_loop3A_203 = arith.muli %parallel_loop3A_201, %parallel_loop3A_202 : i32
      %parallel_loop3A_204 = arith.constant 7 : i32
      %parallel_loop3A_205 = arith.index_cast %parallel_loop3A_204 : i32 to index
      %parallel_loop3A_206 = arith.index_cast %parallel_loop3A_203 : i32 to index
      %parallel_loop3A_207 = tpu.vector_load %arg9[%parallel_loop3A_205, %parallel_loop3A_206] {strides = array<i32>} : memref<8x2048xf32, #tpu.memory_space<vmem>>, vector<16xf32>,
      tpu.vector_store %arg9[%parallel_loop3A_205, %parallel_loop3A_206], %parallel_loop3A_135 {strides = array<i32>} : memref<8x2048xf32, #tpu.memory_space<vmem>>, vector<16xf32>,
      %parallel_loop3A_208 = arith.constant 1 : i32
      %parallel_loop3A_209 = arith.addi %parallel_loop3A_111, %parallel_loop3A_208 : i32
      %parallel_loop3A_210 = arith.constant 16 : i32
      %parallel_loop3A_211 = arith.muli %parallel_loop3A_209, %parallel_loop3A_210 : i32
      %parallel_loop3A_212 = arith.constant 0 : i32
      %parallel_loop3A_213 = arith.index_cast %parallel_loop3A_212 : i32 to index
      %parallel_loop3A_214 = arith.index_cast %parallel_loop3A_211 : i32 to index
      %parallel_loop3A_215 = tpu.vector_load %arg9[%parallel_loop3A_213, %parallel_loop3A_214] {strides = array<i32>} : memref<8x2048xf32, #tpu.memory_space<vmem>>, vector<16xf32>,
      tpu.vector_store %arg9[%parallel_loop3A_213, %parallel_loop3A_214], %parallel_loop3A_136 {strides = array<i32>} : memref<8x2048xf32, #tpu.memory_space<vmem>>, vector<16xf32>,
      %parallel_loop3A_216 = arith.constant 1 : i32
      %parallel_loop3A_217 = arith.addi %parallel_loop3A_111, %parallel_loop3A_216 : i32
      %parallel_loop3A_218 = arith.constant 16 : i32
      %parallel_loop3A_219 = arith.muli %parallel_loop3A_217, %parallel_loop3A_218 : i32
      %parallel_loop3A_220 = arith.constant 1 : i32
      %parallel_loop3A_221 = arith.index_cast %parallel_loop3A_220 : i32 to index
      %parallel_loop3A_222 = arith.index_cast %parallel_loop3A_219 : i32 to index
      %parallel_loop3A_223 = tpu.vector_load %arg9[%parallel_loop3A_221, %parallel_loop3A_222] {strides = array<i32>} : memref<8x2048xf32, #tpu.memory_space<vmem>>, vector<16xf32>,
      tpu.vector_store %arg9[%parallel_loop3A_221, %parallel_loop3A_222], %parallel_loop3A_137 {strides = array<i32>} : memref<8x2048xf32, #tpu.memory_space<vmem>>, vector<16xf32>,
      %parallel_loop3A_224 = arith.constant 1 : i32
      %parallel_loop3A_225 = arith.addi %parallel_loop3A_111, %parallel_loop3A_224 : i32
      %parallel_loop3A_226 = arith.constant 16 : i32
      %parallel_loop3A_227 = arith.muli %parallel_loop3A_225, %parallel_loop3A_226 : i32
      %parallel_loop3A_228 = arith.constant 2 : i32
      %parallel_loop3A_229 = arith.index_cast %parallel_loop3A_228 : i32 to index
      %parallel_loop3A_230 = arith.index_cast %parallel_loop3A_227 : i32 to index
      %parallel_loop3A_231 = tpu.vector_load %arg9[%parallel_loop3A_229, %parallel_loop3A_230] {strides = array<i32>} : memref<8x2048xf32, #tpu.memory_space<vmem>>, vector<16xf32>,
      tpu.vector_store %arg9[%parallel_loop3A_229, %parallel_loop3A_230], %parallel_loop3A_138 {strides = array<i32>} : memref<8x2048xf32, #tpu.memory_space<vmem>>, vector<16xf32>,
      %parallel_loop3A_232 = arith.constant 1 : i32
      %parallel_loop3A_233 = arith.addi %parallel_loop3A_111, %parallel_loop3A_232 : i32
      %parallel_loop3A_234 = arith.constant 16 : i32
      %parallel_loop3A_235 = arith.muli %parallel_loop3A_233, %parallel_loop3A_234 : i32
      %parallel_loop3A_236 = arith.constant 3 : i32
      %parallel_loop3A_237 = arith.index_cast %parallel_loop3A_236 : i32 to index
      %parallel_loop3A_238 = arith.index_cast %parallel_loop3A_235 : i32 to index
      %parallel_loop3A_239 = tpu.vector_load %arg9[%parallel_loop3A_237, %parallel_loop3A_238] {strides = array<i32>} : memref<8x2048xf32, #tpu.memory_space<vmem>>, vector<16xf32>,
      tpu.vector_store %arg9[%parallel_loop3A_237, %parallel_loop3A_238], %parallel_loop3A_139 {strides = array<i32>} : memref<8x2048xf32, #tpu.memory_space<vmem>>, vector<16xf32>,
      %parallel_loop3A_240 = arith.constant 1 : i32
      %parallel_loop3A_241 = arith.addi %parallel_loop3A_111, %parallel_loop3A_240 : i32
      %parallel_loop3A_242 = arith.constant 16 : i32
      %parallel_loop3A_243 = arith.muli %parallel_loop3A_241, %parallel_loop3A_242 : i32
      %parallel_loop3A_244 = arith.constant 4 : i32
      %parallel_loop3A_245 = arith.index_cast %parallel_loop3A_244 : i32 to index
      %parallel_loop3A_246 = arith.index_cast %parallel_loop3A_243 : i32 to index
      %parallel_loop3A_247 = tpu.vector_load %arg9[%parallel_loop3A_245, %parallel_loop3A_246] {strides = array<i32>} : memref<8x2048xf32, #tpu.memory_space<vmem>>, vector<16xf32>,
      tpu.vector_store %arg9[%parallel_loop3A_245, %parallel_loop3A_246], %parallel_loop3A_140 {strides = array<i32>} : memref<8x2048xf32, #tpu.memory_space<vmem>>, vector<16xf32>,
      %parallel_loop3A_248 = arith.constant 1 : i32
      %parallel_loop3A_249 = arith.addi %parallel_loop3A_111, %parallel_loop3A_248 : i32
      %parallel_loop3A_250 = arith.constant 16 : i32
      %parallel_loop3A_251 = arith.muli %parallel_loop3A_249, %parallel_loop3A_250 : i32
      %parallel_loop3A_252 = arith.constant 5 : i32
      %parallel_loop3A_253 = arith.index_cast %parallel_loop3A_252 : i32 to index
      %parallel_loop3A_254 = arith.index_cast %parallel_loop3A_251 : i32 to index
      %parallel_loop3A_255 = tpu.vector_load %arg9[%parallel_loop3A_253, %parallel_loop3A_254] {strides = array<i32>} : memref<8x2048xf32, #tpu.memory_space<vmem>>, vector<16xf32>,
      tpu.vector_store %arg9[%parallel_loop3A_253, %parallel_loop3A_254], %parallel_loop3A_141 {strides = array<i32>} : memref<8x2048xf32, #tpu.memory_space<vmem>>, vector<16xf32>,
      %parallel_loop3A_256 = arith.constant 1 : i32
      %parallel_loop3A_257 = arith.addi %parallel_loop3A_111, %parallel_loop3A_256 : i32
      %parallel_loop3A_258 = arith.constant 16 : i32
      %parallel_loop3A_259 = arith.muli %parallel_loop3A_257, %parallel_loop3A_258 : i32
      %parallel_loop3A_260 = arith.constant 6 : i32
      %parallel_loop3A_261 = arith.index_cast %parallel_loop3A_260 : i32 to index
      %parallel_loop3A_262 = arith.index_cast %parallel_loop3A_259 : i32 to index
      %parallel_loop3A_263 = tpu.vector_load %arg9[%parallel_loop3A_261, %parallel_loop3A_262] {strides = array<i32>} : memref<8x2048xf32, #tpu.memory_space<vmem>>, vector<16xf32>,
      tpu.vector_store %arg9[%parallel_loop3A_261, %parallel_loop3A_262], %parallel_loop3A_142 {strides = array<i32>} : memref<8x2048xf32, #tpu.memory_space<vmem>>, vector<16xf32>,
      %parallel_loop3A_264 = arith.constant 1 : i32
      %parallel_loop3A_265 = arith.addi %parallel_loop3A_111, %parallel_loop3A_264 : i32
      %parallel_loop3A_266 = arith.constant 16 : i32
      %parallel_loop3A_267 = arith.muli %parallel_loop3A_265, %parallel_loop3A_266 : i32
      %parallel_loop3A_268 = arith.constant 7 : i32
      %parallel_loop3A_269 = arith.index_cast %parallel_loop3A_268 : i32 to index
      %parallel_loop3A_270 = arith.index_cast %parallel_loop3A_267 : i32 to index
      %parallel_loop3A_271 = tpu.vector_load %arg9[%parallel_loop3A_269, %parallel_loop3A_270] {strides = array<i32>} : memref<8x2048xf32, #tpu.memory_space<vmem>>, vector<16xf32>,
      tpu.vector_store %arg9[%parallel_loop3A_269, %parallel_loop3A_270], %parallel_loop3A_143 {strides = array<i32>} : memref<8x2048xf32, #tpu.memory_space<vmem>>, vector<16xf32>,
    } {sc.loop_unroll_factor = 1 : i64, sc.parallel_access}
    %add3A_91 = arith.constant 120 : i32
    %add3A_92 = arith.addi %mul3A_2, %add3A_91 : i32
    %dma_start3A_93 = arith.constant 2048 : i32
    %dma_start3A_94 = tpu.memref_slice %arg4[%add3A_92, %dma_start3A_93] : memref<4096x4096xf32, #tpu.memory_space<hbm>> -> memref<8x2048xf32, #tpu.memory_space<hbm>>
    %dma_start3A_95 = arith.constant 2048 : i32
    %dma_start3A_96 = tpu.memref_slice %arg4[%add3A_92, %dma_start3A_95] : memref<4096x4096xf32, #tpu.memory_space<hbm>> -> memref<8x2048xf32, #tpu.memory_space<hbm>>
    tpu.enqueue_dma source(%arg9 : memref<8x2048xf32, #tpu.memory_space<vmem>>) target(%dma_start3A_96 : memref<8x2048xf32, #tpu.memory_space<hbm>>) target_semaphore(%arg13 : memref<!tpu.dma_semaphore, #tpu.memory_space<semaphore_mem>>)
    %add3A_97 = arith.constant 120 : i32
    %add3A_98 = arith.addi %mul3A_2, %add3A_97 : i32
    %dma_wait3A_99 = arith.constant 0 : i32
    %dma_wait3A_100 = tpu.memref_slice %arg4[%add3A_98, %dma_wait3A_99] : memref<4096x4096xf32, #tpu.memory_space<hbm>> -> memref<8x2048xf32, #tpu.memory_space<hbm>>
    %dma_wait3A_101 = arith.constant 0 : i32
    %dma_wait3A_102 = tpu.memref_slice %arg4[%add3A_98, %dma_wait3A_101] : memref<4096x4096xf32, #tpu.memory_space<hbm>> -> memref<8x2048xf32, #tpu.memory_space<hbm>>
    tpu.wait_dma2 semaphore(%arg12 : memref<!tpu.dma_semaphore, #tpu.memory_space<semaphore_mem>>) src(%arg8 : memref<8x2048xf32, #tpu.memory_space<vmem>>) dst(%dma_wait3A_102 : memref<8x2048xf32, #tpu.memory_space<hbm>>)
    %add3A_103 = arith.constant 120 : i32
    %add3A_104 = arith.addi %mul3A_2, %add3A_103 : i32
    %dma_wait3A_105 = arith.constant 2048 : i32
    %dma_wait3A_106 = tpu.memref_slice %arg4[%add3A_104, %dma_wait3A_105] : memref<4096x4096xf32, #tpu.memory_space<hbm>> -> memref<8x2048xf32, #tpu.memory_space<hbm>>
    %dma_wait3A_107 = arith.constant 2048 : i32
    %dma_wait3A_108 = tpu.memref_slice %arg4[%add3A_104, %dma_wait3A_107] : memref<4096x4096xf32, #tpu.memory_space<hbm>> -> memref<8x2048xf32, #tpu.memory_space<hbm>>
    tpu.wait_dma2 semaphore(%arg13 : memref<!tpu.dma_semaphore, #tpu.memory_space<semaphore_mem>>) src(%arg9 : memref<8x2048xf32, #tpu.memory_space<vmem>>) dst(%dma_wait3A_108 : memref<8x2048xf32, #tpu.memory_space<hbm>>)
    return
  }
}

</mosaic_0001>

<sc_bundles>
// kernel: kernel.3.cloned.1.call-start
scs
__scs_entry_jumppad:
0x0: {  	(pc) =	sbr.rel $0x88, $3  }
0x1: {  	(tag) =	ssettag $0x0;
	lr =	simm.s32 $0x1  }
0x2: {  	[smem:$0x3F9F] =	sst lr;
	_ =	strace $0xD0000000  }
0x3: {  	_ = 	snop  }
0x4: {  	_ = 	snop  }
0x5: {  	_ = 	snop  }
0x6: {  	_ = 	snop  }
0x7: {  	_ = 	snop  }
__scs_overlays_trampoline_lowered:
0x8: {  	[smem:$0x3FAE] =	sst s0  }
0x9: {  	[smem:$0x3FAF] =	sst s1  }
0xa: {  	[smem:$0x3FB0] =	sst s2  }
0xb: {  	[smem:$0x3FB1] =	sst s3  }
0xc: {  	[smem:$0x3FB2] =	sst s4  }
0xd: {  	[smem:$0x3FB3] =	sst s5  }
0xe: {  	[smem:$0x3FB4] =	sst s6  }
0xf: {  	[smem:$0x3FB5] =	sst s7  }
0x10: {  	[smem:$0x3FB6] =	sst s8  }
0x11: {  	[smem:$0x3FB7] =	sst s9;
	s0 =	simm.s32 @!p0 $0x0  }
0x12: {  	s1 =	sld [smem:$0x3F9D];
	s0 =	simm.s32 @p0 $0x1  }
0x13: {  	[smem:$0x3FB8] =	sst s0;
	s0 =	simm.s32 @!p1 $0x0  }
0x14: {  	s2 =	sld [smem:$0x3F9C];
	s0 =	simm.s32 @p1 $0x1  }
0x15: {  	[smem:$0x3FB9] =	sst s0;
	s0 =	simm.s32 @!p2 $0x0  }
0x16: {  	s3 =	sld [smem:$0x3FDB];
	s0 =	simm.s32 @p2 $0x1  }
0x17: {  	s4 =	simm.s32 $0x1BF5;
	[smem:$0x3FBB] =	sst s0  }
0x18: {  	s0 =	sld [smem:$0x3F9E];
	_ =	swait.ge [sflag:s4], $0x0  }
0x19: {  	s7 =	sld [smem:$0x3F9F]  }
0x1a: {  	s8 =	sadd.s32 $0xFFFFE003, lr  }
0x1b: {  	s9 =	sadd.s32 $0xFFFFFEF7, lr;
	s5 =	simm.s32 $0xFFFFFFFF;
	p2 =	slt.u32 s8, $0xFFFFF086  }
0x1c: {  	p1 =	slt.u32 s9, $0xF7A;
	s5 =	simm.s32 @!p2 $0x0  }
0x1d: {  	s5 =	simm.s32 @p1 $0x1;
	p0 =	seq.s32 s7, s2  }
0x1e: {  	s7 =	smul.u32 @!p0 $0xF7A, s2;
	p2 =	seq.s32 @!p0 s5, $0x0  }
0x1f: {  	s9 =	smul.u32 $0xF7A, s1;
	s8 =	simm.s32 @!p0 $0x1BF5;
	p2 =	por !p2, p0  }
0x20: {  	[sflag:s8] =	ssyncset.s32 @!p0 $0xFFFFF086;
	s6 =	sadd.s32 @!p0 s3, s7;
	s7 =	simm.s32 @!p0 $0x108  }
0x21: {  	s3 =	sadd.s32 s3, s9;
	s6 =	sadd.s32 @!p0 $0x88, s6;
	s7 =	simm.s32 @p2 $0x1082  }
0x22: {  	[simem:s7], [sflag:s8] =	dma.local @!p0 [hbm:s6], $0xF7A  }
0x23: {  	s9 =	sor.u32 $0xD0000000, s2;
	s6 =	simm.s32 $0x108;
	_ =	swait.ge @!p0 [sflag:s8], $0x0  }
0x24: {  	s3 =	sadd.s32 $0x88, s3;
	s6 =	simm.s32 @!p1 $0x1082;
	[sflag:s4] =	ssyncset.s32 $0xFFFFF086  }
0x25: {  	[simem:s6], [sflag:s4] =	dma.local [hbm:s3], $0xF7A  }
0x26: {  	[smem:$0x3F9F] =	sst s1;
	(tag) =	ssettag s2;
	_ =	strace s9  }
0x27: {  	s1 =	sld [smem:$0x3FAF]  }
0x28: {  	s2 =	sld [smem:$0x3FB0]  }
0x29: {  	s4 =	sld [smem:$0x3FB2]  }
0x2a: {  	p0 =	seq.s32 s5, $0x0;
	s5 =	sld [smem:$0x3FB3]  }
0x2b: {  	s6 =	sld [smem:$0x3FB4]  }
0x2c: {  	s7 =	sld [smem:$0x3FB5]  }
0x2d: {  	s3 =	simm.s32 $0x108;
	s8 =	sld [smem:$0x3FB6]  }
0x2e: {  	s3 =	simm.s32 @!p0 $0x1082;
	s9 =	sld [smem:$0x3FB7]  }
0x2f: {  	lr =	sadd.s32 s0, s3;
	s0 =	sld [smem:$0x3FAE]  }
0x30: {  	s3 =	sld [smem:$0x3FB1]  }
0x31: {  	[smem:$0x3FBA] =	sst s10  }
0x32: {  	s10 =	sld [smem:$0x3FB8];
	_ =	sdelay $0x3  }
0x33: {  	p0 =	seq.s32 s10, $0x1;
	s10 =	sld [smem:$0x3FBA];
	_ =	sdelay $0x3  }
0x34: {  	[smem:$0x3FBA] =	sst s10  }
0x35: {  	s10 =	sld [smem:$0x3FB9];
	_ =	sdelay $0x3  }
0x36: {  	p1 =	seq.s32 s10, $0x1;
	s10 =	sld [smem:$0x3FBA];
	_ =	sdelay $0x3  }
0x37: {  	[smem:$0x3FBA] =	sst s10  }
0x38: {  	s10 =	sld [smem:$0x3FBB]  }
0x39: {  	_ = 	snop;
	(pc) =	sbr.ind lr, $3  }
0x3a: {  	_ = 	snop  }
0x3b: {  	_ = 	snop  }
0x3c: {  	p2 =	seq.s32 s10, $0x1;
	s10 =	sld [smem:$0x3FBA]  }
0x3d: {  	_ =	shalt  }
0x3e: {  	_ =	shalt  }
0x3f: {  	_ =	shalt  }
0x40: {  	_ =	shalt  }
0x41: {  	_ =	shalt  }
0x42: {  	_ =	shalt  }
0x43: {  	_ =	shalt  }
0x44: {  	_ =	shalt  }
0x45: {  	_ =	shalt  }
0x46: {  	_ =	shalt  }
0x47: {  	_ =	shalt  }
0x48: {  	_ =	shalt  }
0x49: {  	_ =	shalt  }
0x4a: {  	_ =	shalt  }
0x4b: {  	_ =	shalt  }
0x4c: {  	_ =	shalt  }
0x4d: {  	_ =	shalt  }
0x4e: {  	_ =	shalt  }
0x4f: {  	_ =	shalt  }
0x50: {  	_ =	shalt  }
0x51: {  	_ =	shalt  }
0x52: {  	_ =	shalt  }
0x53: {  	_ =	shalt  }
0x54: {  	_ =	shalt  }
0x55: {  	_ =	shalt  }
0x56: {  	_ =	shalt  }
0x57: {  	_ =	shalt  }
0x58: {  	_ =	shalt  }
0x59: {  	_ =	shalt  }
0x5a: {  	_ =	shalt  }
0x5b: {  	_ =	shalt  }
0x5c: {  	_ =	shalt  }
0x5d: {  	_ =	shalt  }
0x5e: {  	_ =	shalt  }
0x5f: {  	_ =	shalt  }
0x60: {  	_ =	shalt  }
0x61: {  	_ =	shalt  }
0x62: {  	_ =	shalt  }
0x63: {  	_ =	shalt  }
0x64: {  	_ =	shalt  }
0x65: {  	_ =	shalt  }
0x66: {  	_ =	shalt  }
0x67: {  	_ =	shalt  }
0x68: {  	_ =	shalt  }
0x69: {  	_ =	shalt  }
0x6a: {  	_ =	shalt  }
0x6b: {  	_ =	shalt  }
0x6c: {  	_ =	shalt  }
0x6d: {  	_ =	shalt  }
0x6e: {  	_ =	shalt  }
0x6f: {  	_ =	shalt  }
0x70: {  	_ =	shalt  }
0x71: {  	_ =	shalt  }
0x72: {  	_ =	shalt  }
0x73: {  	_ =	shalt  }
0x74: {  	_ =	shalt  }
0x75: {  	_ =	shalt  }
0x76: {  	_ =	shalt  }
0x77: {  	_ =	shalt  }
0x78: {  	_ =	shalt  }
0x79: {  	_ =	shalt  }
0x7a: {  	_ =	shalt  }
0x7b: {  	_ =	shalt  }
0x7c: {  	_ =	shalt  }
0x7d: {  	_ =	shalt  }
0x7e: {  	_ =	shalt  }
0x7f: {  	_ =	shalt  }
0x80: {  	_ =	shalt  }
0x81: {  	_ =	shalt  }
0x82: {  	_ =	shalt  }
0x83: {  	_ =	shalt  }
0x84: {  	_ =	shalt  }
0x85: {  	_ =	shalt  }
0x86: {  	_ =	shalt  }
0x87: {  	_ =	shalt  }
.Lfunc_end0:
.L_simem_size_0:
called_computation_lowered:
.L_overlay_start_0:
0x88: {  	s2 =	sld [smem:$0x3FD9]  }
0x89: {  	s3 =	sld [smem:$0x3FFE];
	_ =	sdelay $0x1  }
0x8a: {  	s1 =	srdreg.scid  }
0x8b: {  	s0 =	sand.u32 $0x1, s1  }
0x8c: {  	s18 =	sshll.u32 s0, $0xA;
	s2 =	sadd.s32 s3, s2  }
0x8d: {  	s2 =	sadd.s32 s2, s18  }
0x8e: {  	[smem:$0x3FC6] =	sst s2  }
0x8f: {  	_ = 	snop  }
0x90: {  	s2 =	sld [smem:$0x3FC9]  }
0x91: {  	s19 =	sld [smem:$0x3FC8]  }
0x92: {  	s4 =	sld [smem:$0x3FD0];
	(tm) =	ssettm $0x1  }
0x93: {  	s5 =	sld [smem:$0x3FFB];
	_ =	sdelay $0x3  }
0x94: {  	_ =	strace s5  }
0x95: {  	s5 =	sld [smem:$0x3FFC];
	_ =	sdelay $0x3  }
0x96: {  	_ =	strace s5  }
0x97: {  	s5 =	sld [smem:$0x3FFD];
	_ =	sdelay $0x3  }
0x98: {  	_ =	strace s5  }
0x99: {  	_ =	strace $0x8FFFFFFF  }
0x9a: {  	s20 =	sld [smem:$0x3FDB];
	_ =	sdelay $0x1  }
0x9b: {  	s6 =	simm.s32 $_scs_section_size  }
0x9c: {  	s7 =	simm.s32 $_size__tile_overlayer_lowered;
	s8 =	simm.s32 $_tile_overlayer_lowered  }
0x9d: {  	s23 =	simm.s32 $0x1BFF;
	s22 =	sshll.u32 s8, $0x1;
	s5 =	sadd.s32 s6, s20  }
0x9e: {  	s9 =	simm.s32 $0x0;
	s21 =	sshll.u32 s7, $0x1;
	s7 =	sadd.s32 s22, s5  }
0x9f: {  	[timem:s9], [sflag:s23] =	dma.local [hbm:s7], s21  }
0xa0: {  	_ =	swait.ge [sflag:s23], s21  }
0xa1: {  	s6 =	ssub.s32 $0x0, s21;
	[sflag:s23] =	ssyncset.done $0x0  }
0xa2: {  	[sflag:s23] =	ssyncadd.s32 s6;
	_ =	sdelay $0x1  }
0xa3: {  	s24 =	simm.s32 $0x1B8B  }
0xa4: {  	_ =	swait.ge [sflag:s24], $0x1  }
0xa5: {  	[sflag:s24] =	ssyncset.done $0x0  }
0xa6: {  	s25 =	simm.s32 $0x1B8E;
	[sflag:s24] =	ssyncadd.s32 $0xFFFFFFFF  }
0xa7: {  	s26 =	simm.s32 $execute0_lowered;
	[smem:$0x3FD2] =	sst s25  }
0xa8: {  	s6 =	sshll.u32 s26, $0x1;
	_ =	strace $0x80000046;
	[dreg:$0x1] =	wrdreg $0xFFFFFFFF  }
0xa9: {  	s28 =	simm.s32 $_size_execute0_lowered;
	s5 =	sadd.s32 s5, s6;
	[dreg:$0x0] =	wrdreg $0x0  }
0xaa: {  	s6 =	sshll.u32 s28, $0x1;
	[dreg:$0x2] =	wrdreg s5  }
0xab: {  	[dreg:$0x3] =	wrdreg s6  }
0xac: {  	[dreg:$0x4] =	wrdreg $0xC0  }
0xad: {  	_ =	task [dreg:s9], $0x5FFFF  }
0xae: {  	[dreg:$0x1] =	wrdreg $0xFFFFFFFF  }
0xaf: {  	[dreg:$0x0] =	wrdreg $0x60  }
0xb0: {  	[dreg:$0x2] =	wrdreg s2  }
0xb1: {  	[dreg:$0x3] =	wrdreg s19  }
0xb2: {  	[dreg:$0x4] =	wrdreg s4  }
0xb3: {  	[dreg:$0x5] =	wrdreg $0x9  }
0xb4: {  	_ =	task.clear_ibuf [dreg:s9], $0x6FFFF;
	_ =	strace $0x90000046  }
0xb5: {  	s29 =	simm.s32 $0x9;
	_ =	strace $0x80000048  }
0xb6: {  	_ =	swait.ge [sflag:s29], $0x1  }
0xb7: {  	[sflag:s29] =	ssyncadd.s32 $0xFFFFFFFF  }
0xb8: {  	_ =	strace $0x90000048  }
0xb9: {  	_ =	sfence  }
0xba: {  	s30 =	sld [smem:$0x0];
	_ =	sdelay $0x2  }
0xbb: {  	s31 =	sshll.u32 s1, $0xD;
	s1 =	sshrl.u32 s1, $0x2  }
0xbc: {  	s3 =	sand.u32 $0x4000, s31;
	s1 =	sadd.s32 s1, s30  }
0xbd: {  	s0 =	sor.u32 s3, s0;
	s1 =	sshll.u32 s1, $0x11  }
0xbe: {  	s0 =	sor.u32 s1, s0  }
0xbf: {  	s0 =	sadd.s32 $0x8F2B, s0  }
0xc0: {  	[sflag:s0] =	ssyncadd.remote.s32 $0x1  }
0xc1: {  	_ =	sfence.sel $0xFFFF  }
0xc2: {  	[dreg:$0x0] =	wrdreg $0xFFFFFFFF;
	(pc) =	sbr.abs _section_cstart, $3  }
0xc3: {  	[dreg:$0x1] =	wrdreg $0xFFFFFFFF  }
0xc4: {  	_ =	task.clear_ibuf [dreg:s9], $0x2FFFF;
	_ =	strace $0x9FFFFFFF  }
0xc5: {  	(tm) =	ssettm $0x7FFFFFFF  }
tec
execute0_lowered:
.L_overlay_start_1:
0x0: {  	(tag) =	ssettag $0x1  }
0x1: {  	s3 =	rddreg [dreg:$0x0];
	s0 =	srdreg.scid  }
0x2: {  	s1 =	stileid.u32;
	s29 =	rddreg [dreg:$0x2];
	s0 =	sand.u32 $0x1, s0  }
0x3: {  	s6 =	simm.s32 $0x0;
	s1 =	sshll.u32 s1, $0x8;
	s2 =	sshll.u32 s0, $0x7  }
0x4: {  	[smem:$0x7FF] =	sst s6;
	s4 =	sor.u32 s2, s1  }
0x5: {  	s10 =	sadd.s32 $0x800, s29;
	_ =	strace $0x80000047;
	s1 =	sshll.u32 s4, $0x9  }
0x6: {  	[dreg:$0x4] =	wrdreg s4;
	s24 =	sor.u32 $0x10, s4;
	s3 =	sadd.s32 s3, s1  }
0x7: {  	s5 =	sadd.s32 s29, s1;
	s1 =	sadd.s32 s1, s10;
	[dreg:$0xb] =	wrdreg s24  }
0x8: {  	s21 =	sshrl.u32 s4, $0x3;
	[dreg:$0x8] =	wrdreg s1  }
0x9: {  	s0 =	ssub.s32 $0x2, s0;
	s23 =	sor.u32 $0x3, s21;
	[dreg:$0x5] =	wrdreg s3  }
0xa: {  	s19 =	sshrl.u32 s0, $0x1;
	s25 =	sor.u32 $0x4, s21;
	[dreg:$0xa] =	wrdreg s23  }
0xb: {  	s0 =	ssub.s32 s0, s19;
	[dreg:$0xc] =	wrdreg s25  }
0xc: {  	s14 =	simm.s32 $0x11000;
	s0 =	smax.u32 s0, $0x1;
	[dreg:$0x7] =	wrdreg s5  }
0xd: {  	s28 =	simm.s32 $0x4;
	s20 =	sadd.s32 $0x1000, s3;
	[dreg:$0xf] =	wrdreg s0  }
0xe: {  	s30 =	simm.s32 $0x0;
	s22 =	sadd.s32 $0x2000, s3;
	[dreg:$0x6] =	wrdreg s20  }
0xf: {  	s19 =	simm.s32 $0x1000;
	s26 =	sadd.s32 $0xF000, s5;
	[dreg:$0x9] =	wrdreg s22  }
0x10: {  	s24 =	simm.s32 $0x15000;
	s31 =	sadd.s32 $0xF800, s5;
	[dreg:$0xd] =	wrdreg s26  }
0x11: {  	s25 =	simm.s32 $0x2;
	s1 =	simm.s32 $0x0;
	[dreg:$0xe] =	wrdreg s31  }
0x12: {  	s20 =	simm.s32 $0x9000;
	s22 =	simm.s32 $0x1;
	s26 =	simm.s32 $0x3  }
.LBB2_1:
0x13: {  	[dreg:$0x10] =	wrdreg s1  }
0x14: {  	s0 =	rddreg [dreg:$0x5]  }
0x15: {  	[tilespmem:s19], [sflag:$0x1] =	stream.linear.gather [hbm4b:s0+s6], $0x8000, $0x38;
	[tilespmem:$0x19000] =	vst v63  }
0x16: {  	s11 =	rddreg [dreg:$0x6]  }
0x17: {  	[tilespmem:s20], [sflag:$0x2] =	stream.linear.gather [hbm4b:s11+s6], $0x8000, $0x38;
	[tilespmem:$0x19000] =	vst v63  }
0x18: {  	s12 =	rddreg [dreg:$0x1];
	s13 =	simm.s32 $0x5  }
0x19: {  	[tilespmem:s6], [sflag:$0x5] =	stream.linear.gather [hbm4b:s12+s6], $0x1000, $0x38;
	[tilespmem:$0x19000] =	vst v63  }
0x1a: {  	_ =	swait.ge [sflag:s13], $0x1000  }
0x1b: {  	[sflag:s13] =	ssyncset.done $0x0  }
0x1c: {  	[sflag:s13] =	ssyncadd.s32 $0xFFFFF000  }
0x1d: {  	_ =	swait.ge [sflag:s22], $0x8000  }
0x1e: {  	[sflag:s22] =	ssyncset.done $0x0  }
0x1f: {  	[sflag:s22] =	ssyncadd.s32 $0xFFFF8000  }
0x20: {  	v0 =	vld [tilespmem:s6+$0x0];
	_ =	sdelay $0x4  }
0x21: {  	s15 =	sand.u32 $0x60, s6;
	v1 =	vshll.u32 v0, $0x3  }
0x22: {  	s16 =	sand.u32 $0x780, s6;
	s3 =	sor.u32 $0x10, s15;
	v0 =	vand.u32 $0x7F, v0;
	v1 =	vand.u32 $0xFFFFFC00, v1  }
0x23: {  	s0 =	sor.u32 s3, s16;
	v0 =	vor.u32 v0, v1  }
0x24: {  	v1 =	vld [tilespmem:s0+$0x0];
	v2 =	vor.u32 $0x380, v0;
	_ =	sdelay $0x1  }
0x25: {  	s17 =	simm.s32 $0x20;
	v3 =	vor.u32 $0x300, v0  }
0x26: {  	s11 =	simm.s32 $0x40;
	v6 =	vld [tilespmem:s17+$0x0];
	v4 =	vor.u32 $0x280, v0  }
0x27: {  	v23 =	vld [tilespmem:s11+$0x0];
	v5 =	vor.u32 $0x80, v0  }
0x28: {  	v7 =	vor.u32 $0x200, v0;
	v8 =	vor.u32 $0x100, v0;
	v12 =	vld.idx.msk [tilespmem:v2+s19+$0x0], $0xffff;
	v2 =	vshll.u32 v1, $0x3  }
0x29: {  	v9 =	vld.idx.msk [tilespmem:v0+s19+$0x0], $0xffff;
	v0 =	vor.u32 $0x180, v0;
	v1 =	vand.u32 $0x7F, v1;
	v2 =	vand.u32 $0xFFFFFC00, v2  }
0x2a: {  	v13 =	vld.idx.msk [tilespmem:v3+s19+$0x0], $0xffff;
	v1 =	vor.u32 v1, v2  }
0x2b: {  	v4 =	vld.idx.msk [tilespmem:v4+s19+$0x0], $0xffff;
	v2 =	vor.u32 $0x100, v1  }
0x2c: {  	v5 =	vld.idx.msk [tilespmem:v5+s19+$0x0], $0xffff;
	v3 =	vor.u32 $0x80, v1  }
0x2d: {  	v10 =	vld.idx.msk [tilespmem:v7+s19+$0x0], $0xffff;
	v7 =	vor.u32 $0x380, v1  }
0x2e: {  	v14 =	vor.u32 $0x280, v1;
	v0 =	vld.idx.msk [tilespmem:v0+s19+$0x0], $0xffff  }
0x2f: {  	v11 =	vor.u32 $0x200, v1;
	v15 =	vld.idx.msk [tilespmem:v1+s19+$0x0], $0xffff  }
0x30: {  	v21 =	vld.idx.msk [tilespmem:v2+s19+$0x0], $0xffff  }
0x31: {  	v16 =	vld.idx.msk [tilespmem:v3+s19+$0x0], $0xffff  }
0x32: {  	s2 =	sand.u32 $0x60, s17;
	v17 =	vor.u32 $0x300, v1;
	v2 =	vshll.u32 v6, $0x3;
	v3 =	vld.idx.msk [tilespmem:v7+s19+$0x0], $0xffff  }
0x33: {  	s4 =	sand.u32 $0x780, s17;
	s0 =	sor.u32 $0x10, s2;
	v1 =	vor.u32 $0x180, v1;
	v6 =	vand.u32 $0x7F, v6;
	v18 =	vld.idx.msk [tilespmem:v14+s19+$0x0], $0xffff;
	v7 =	vand.u32 $0xFFFFFC00, v2  }
0x34: {  	s4 =	sor.u32 s0, s4;
	v2 =	vld.idx.msk [tilespmem:v11+s19+$0x0], $0xffff;
	v6 =	vor.u32 v6, v7  }
0x35: {  	s18 =	sand.u32 $0x3C00, s6;
	v11 =	vld [tilespmem:s4+$0x0];
	v14 =	vor.u32 $0x380, v6  }
0x36: {  	v8 =	vld.idx.msk [tilespmem:v8+s19+$0x0], $0xffff;
	s4 =	sadd.s32 $0x11000, s18;
	v19 =	vor.u32 $0x300, v6  }
0x37: {  	v7 =	vld.idx.msk [tilespmem:v17+s19+$0x0], $0xffff;
	s1 =	sor.u32 s15, s4;
	v17 =	vor.u32 $0x280, v6  }
0x38: {  	v22 =	vor.u32 $0x80, v6;
	v20 =	vld.idx.msk [tilespmem:v1+s19+$0x0], $0xffff;
	[tilespmem:s1+$0x280] =	vst v4  }
0x39: {  	v25 =	vor.u32 $0x100, v6;
	[tilespmem:s1+$0x180] =	vst v0;
	v1 =	vld.idx.msk [tilespmem:v6+s19+$0x0], $0xffff  }
0x3a: {  	s5 =	sand.u32 $0x3, s6;
	v24 =	vor.u32 $0x200, v6;
	[tilespmem:s1+$0x200] =	vst v10;
	v0 =	vld.idx.msk [tilespmem:v14+s19+$0x0], $0xffff;
	v14 =	vshll.u32 v11, $0x3  }
0x3b: {  	s5 =	sshll.u32 s5, $0x5;
	[tilespmem:s1+$0x80] =	vst v5;
	v6 =	vor.u32 $0x180, v6;
	v4 =	vld.idx.msk [tilespmem:v19+s19+$0x0], $0xffff;
	v11 =	vand.u32 $0x7F, v11;
	v14 =	vand.u32 $0xFFFFFC00, v14  }
0x3c: {  	s5 =	sadd.s32 $0x0, s5;
	[tilespmem:s1+$0x100] =	vst v8;
	v10 =	vld.idx.msk [tilespmem:v17+s19+$0x0], $0xffff;
	v17 =	vor.u32 v11, v14  }
0x3d: {  	s21 =	sor.u32 $0x300, s5;
	[tilespmem:s1+$0x0] =	vst v9;
	v8 =	vld.idx.msk [tilespmem:v22+s19+$0x0], $0xffff;
	v19 =	vor.u32 $0x100, v17  }
0x3e: {  	s23 =	sor.u32 $0x380, s5;
	[tilespmem:s21+$0x11000] =	vst v13;
	v9 =	vld.idx.msk [tilespmem:v25+s19+$0x0], $0xffff;
	v22 =	vor.u32 $0x80, v17  }
0x3f: {  	s1 =	sor.u32 s3, s4;
	[tilespmem:s23+$0x11000] =	vst v12;
	v11 =	vld.idx.msk [tilespmem:v24+s19+$0x0], $0xffff;
	v13 =	vor.u32 $0x380, v17  }
0x40: {  	[tilespmem:s1+$0x280] =	vst v18;
	v14 =	vld.idx.msk [tilespmem:v6+s19+$0x0], $0xffff  }
0x41: {  	s31 =	simm.s32 $0x1;
	s8 =	simm.s32 $0x200;
	[tilespmem:s1+$0x0] =	vst v15;
	v18 =	vor.u32 $0x200, v17;
	v5 =	vld.idx.msk [tilespmem:v17+s19+$0x0], $0xffff  }
0x42: {  	s16 =	sand.u32 $0x3, s31;
	s5 =	sadd.s32 $0x10, s5;
	s7 =	sand.u32 $0x780, s11;
	[tilespmem:s1+$0x80] =	vst v16;
	v16 =	vor.u32 $0x280, v17;
	v12 =	vld.idx.msk [tilespmem:v19+s19+$0x0], $0xffff  }
0x43: {  	s12 =	simm.s32 $0x100;
	s17 =	sand.u32 $0x60, s11;
	s4 =	simm.s32 $0x60;
	[tilespmem:s1+$0x180] =	vst v20;
	v20 =	vshll.u32 v23, $0x3;
	v6 =	vld.idx.msk [tilespmem:v22+s19+$0x0], $0xffff  }
0x44: {  	s3 =	simm.s32 $0x2;
	s21 =	sor.u32 $0x380, s5;
	s5 =	sor.u32 $0x300, s5;
	[tilespmem:s1+$0x100] =	vst v21;
	v15 =	vor.u32 $0x180, v17;
	v17 =	vor.u32 $0x300, v17;
	v19 =	vand.u32 $0x7F, v23;
	v13 =	vld.idx.msk [tilespmem:v13+s19+$0x0], $0xffff  }
.LBB2_2:
0x45: {  	s13 =	sand.u32 $0x780, s4  }
0x46: {  	s15 =	sor.u32 $0x10, s17;
	v20 =	vand.u32 $0xFFFFFC00, v20;
	[tilespmem:s1+$0x200] =	vst v2;
	v2 =	vld.idx.msk [tilespmem:v18+s19+$0x0], $0xffff;
	s18 =	smov.u32 s4;
	s9 =	sadd.s32 $0x20, s4  }
0x47: {  	p0 =	sne.s32 s4, $0x7E0;
	s1 =	sand.u32 $0x3, s3;
	s4 =	sor.u32 s15, s7;
	v18 =	vor.u32 v19, v20;
	v19 =	vld.idx.msk [tilespmem:v16+s19+$0x0], $0xffff;
	[tilespmem:s5+$0x11000] =	vst v7  }
0x48: {  	s7 =	smov.u32 s13;
	v16 =	vld [tilespmem:s4+$0x0];
	v20 =	vor.u32 $0x80, v18;
	v21 =	vor.u32 $0x100, v18;
	v22 =	vor.u32 $0x380, v18;
	s4 =	sand.u32 $0x3C00, s12;
	[tilespmem:s21+$0x11000] =	vst v3  }
0x49: {  	v23 =	vor.u32 $0x180, v18;
	v24 =	vor.u32 $0x200, v18;
	v25 =	vor.u32 $0x300, v18;
	v26 =	vmovc v12;
	v7 =	vld.idx.msk [tilespmem:v17+s19+$0x0], $0xffff;
	s4 =	sadd.s32 $0x11000, s4  }
0x4a: {  	s11 =	sadd.s32 $0x20, s11;
	v12 =	vor.u32 $0x280, v18;
	v27 =	vld.idx.msk [tilespmem:v15+s19+$0x0], $0xffff;
	s5 =	sor.u32 s2, s4;
	s2 =	smov.u32 s17  }
0x4b: {  	v3 =	vmov v13;
	v28 =	vld [tilespmem:s11+$0x0];
	[tilespmem:s5+$0x280] =	vst v10  }
0x4c: {  	v13 =	vld.idx.msk [tilespmem:v18+s19+$0x0], $0xffff;
	[tilespmem:s5+$0x180] =	vst v14  }
0x4d: {  	v17 =	vld.idx.msk [tilespmem:v22+s19+$0x0], $0xffff;
	v10 =	vshll.u32 v16, $0x3;
	[tilespmem:s5+$0x200] =	vst v11  }
0x4e: {  	s13 =	sshll.u32 s16, $0x5;
	s16 =	smov.u32 s1;
	v11 =	vand.u32 $0x7F, v16;
	v22 =	vld.idx.msk [tilespmem:v25+s19+$0x0], $0xffff;
	v14 =	vand.u32 $0xFFFFFC00, v10;
	[tilespmem:s5+$0x80] =	vst v8  }
0x4f: {  	s1 =	sadd.s32 s13, s12;
	s12 =	smov.u32 s8;
	v10 =	vld.idx.msk [tilespmem:v12+s19+$0x0], $0xffff;
	v25 =	vor.u32 v11, v14;
	[tilespmem:s5+$0x100] =	vst v9  }
0x50: {  	s13 =	sadd.s32 $0x10, s1;
	v8 =	vld.idx.msk [tilespmem:v20+s19+$0x0], $0xffff;
	v20 =	vor.u32 $0x80, v25;
	v12 =	vor.u32 $0x100, v25;
	v29 =	vor.u32 $0x380, v25;
	[tilespmem:s5+$0x0] =	vst v1;
	s5 =	sor.u32 $0x300, s1  }
0x51: {  	s21 =	sor.u32 $0x380, s13;
	v15 =	vor.u32 $0x180, v25;
	v18 =	vor.u32 $0x200, v25;
	v16 =	vor.u32 $0x280, v25;
	s1 =	sor.u32 $0x380, s1;
	v11 =	vld.idx.msk [tilespmem:v24+s19+$0x0], $0xffff;
	[tilespmem:s5+$0x11000] =	vst v4  }
0x52: {  	v1 =	vmov v13;
	v9 =	vld.idx.msk [tilespmem:v21+s19+$0x0], $0xffff;
	[tilespmem:s1+$0x11000] =	vst v0;
	s1 =	sor.u32 s0, s4;
	s0 =	smov.u32 s15  }
.Ltmp0:
0x53: {  	v0 =	vmov v17;
	v14 =	vld.idx.msk [tilespmem:v23+s19+$0x0], $0xffff;
	[tilespmem:s1+$0x280] =	vst v19;
	(pc) =	sbr.rel @p0 .LBB2_2-.Ltmp0, $4  }
0x54: {  	v4 =	vmov v22;
	[tilespmem:s1+$0x0] =	vst v5;
	v5 =	vld.idx.msk [tilespmem:v25+s19+$0x0], $0xffff  }
0x55: {  	v12 =	vld.idx.msk [tilespmem:v12+s19+$0x0], $0xffff;
	[tilespmem:s1+$0x80] =	vst v6  }
0x56: {  	s3 =	sadd.s32 $0x1, s3;
	s8 =	sadd.s32 $0x100, s8;
	v17 =	vor.u32 $0x300, v25;
	v6 =	vld.idx.msk [tilespmem:v20+s19+$0x0], $0xffff;
	[tilespmem:s1+$0x180] =	vst v27  }
0x57: {  	s17 =	sand.u32 $0x60, s18;
	s5 =	sor.u32 $0x300, s13;
	s4 =	smov.u32 s9;
	v19 =	vand.u32 $0x7F, v28;
	v20 =	vshll.u32 v28, $0x3;
	v13 =	vld.idx.msk [tilespmem:v29+s19+$0x0], $0xffff;
	[tilespmem:s1+$0x100] =	vst v26  }
0x58: {  	_ =	sdelay $0x2  }
0x59: {  	s9 =	sor.u32 $0x10, s17;
	v20 =	vand.u32 $0xFFFFFC00, v20  }
0x5a: {  	v18 =	vld.idx.msk [tilespmem:v18+s19+$0x0], $0xffff;
	s4 =	sor.u32 s9, s7;
	v19 =	vor.u32 v19, v20  }
0x5b: {  	[tilespmem:s1+$0x200] =	vst v2;
	s18 =	sand.u32 $0x3C00, s12;
	v20 =	vld [tilespmem:s4+$0x0];
	v21 =	vor.u32 $0x380, v19  }
0x5c: {  	v2 =	vld.idx.msk [tilespmem:v16+s19+$0x0], $0xffff;
	[tilespmem:s5+$0x11000] =	vst v7;
	s1 =	sadd.s32 $0x11000, s18;
	v16 =	vor.u32 $0x300, v19  }
0x5d: {  	v7 =	vld.idx.msk [tilespmem:v17+s19+$0x0], $0xffff;
	v17 =	vor.u32 $0x280, v19;
	[tilespmem:s21+$0x11000] =	vst v3;
	s2 =	sor.u32 s2, s1  }
0x5e: {  	v22 =	vor.u32 $0x80, v19;
	v3 =	vld.idx.msk [tilespmem:v15+s19+$0x0], $0xffff;
	[tilespmem:s2+$0x280] =	vst v10  }
0x5f: {  	v15 =	vor.u32 $0x200, v19;
	[tilespmem:s2+$0x180] =	vst v14;
	v10 =	vld.idx.msk [tilespmem:v19+s19+$0x0], $0xffff  }
0x60: {  	v23 =	vor.u32 $0x100, v19;
	[tilespmem:s2+$0x200] =	vst v11;
	v14 =	vld.idx.msk [tilespmem:v21+s19+$0x0], $0xffff;
	v21 =	vshll.u32 v20, $0x3  }
0x61: {  	s21 =	sshll.u32 s16, $0x5;
	[tilespmem:s2+$0x80] =	vst v8;
	v19 =	vor.u32 $0x180, v19;
	v11 =	vld.idx.msk [tilespmem:v16+s19+$0x0], $0xffff;
	v16 =	vand.u32 $0x7F, v20;
	v20 =	vand.u32 $0xFFFFFC00, v21  }
0x62: {  	s4 =	sadd.s32 s21, s12;
	[tilespmem:s2+$0x100] =	vst v9;
	v8 =	vld.idx.msk [tilespmem:v17+s19+$0x0], $0xffff;
	v16 =	vor.u32 v16, v20  }
0x63: {  	[tilespmem:s2+$0x0] =	vst v1;
	s23 =	sor.u32 $0x300, s4;
	v9 =	vld.idx.msk [tilespmem:v22+s19+$0x0], $0xffff;
	v17 =	vor.u32 $0x100, v16  }
0x64: {  	s31 =	sor.u32 $0x380, s4;
	[tilespmem:s23+$0x11000] =	vst v4;
	v1 =	vld.idx.msk [tilespmem:v15+s19+$0x0], $0xffff;
	v20 =	vor.u32 $0x80, v16  }
0x65: {  	s0 =	sor.u32 s0, s1;
	[tilespmem:s31+$0x11000] =	vst v0;
	v4 =	vld.idx.msk [tilespmem:v23+s19+$0x0], $0xffff;
	v15 =	vor.u32 $0x380, v16  }
0x66: {  	[tilespmem:s0+$0x280] =	vst v2;
	v21 =	vor.u32 $0x200, v16;
	v0 =	vld.idx.msk [tilespmem:v19+s19+$0x0], $0xffff  }
0x67: {  	[tilespmem:s0+$0x0] =	vst v5;
	v19 =	vor.u32 $0x280, v16;
	v2 =	vld.idx.msk [tilespmem:v16+s19+$0x0], $0xffff  }
0x68: {  	[tilespmem:s0+$0x80] =	vst v6;
	v5 =	vld.idx.msk [tilespmem:v17+s19+$0x0], $0xffff;
	v17 =	vor.u32 $0x300, v16  }
0x69: {  	[tilespmem:s0+$0x180] =	vst v3;
	v16 =	vor.u32 $0x180, v16;
	v6 =	vld.idx.msk [tilespmem:v20+s19+$0x0], $0xffff  }
0x6a: {  	s2 =	sadd.s32 $0x10, s4;
	[tilespmem:s0+$0x100] =	vst v12;
	v3 =	vld.idx.msk [tilespmem:v15+s19+$0x0], $0xffff  }
0x6b: {  	s5 =	sand.u32 $0x3C00, s8;
	s4 =	sor.u32 $0x300, s2;
	[tilespmem:s0+$0x200] =	vst v18;
	v12 =	vld.idx.msk [tilespmem:v21+s19+$0x0], $0xffff  }
0x6c: {  	s1 =	sor.u32 $0x380, s2;
	s0 =	sadd.s32 $0x11000, s5;
	[tilespmem:s4+$0x11000] =	vst v7;
	v15 =	vld.idx.msk [tilespmem:v19+s19+$0x0], $0xffff  }
0x6d: {  	s7 =	sor.u32 s17, s0;
	[tilespmem:s1+$0x11000] =	vst v13;
	v7 =	vld.idx.msk [tilespmem:v17+s19+$0x0], $0xffff  }
0x6e: {  	v13 =	vld.idx.msk [tilespmem:v16+s19+$0x0], $0xffff;
	[tilespmem:s7+$0x280] =	vst v8  }
0x6f: {  	[tilespmem:s7+$0x180] =	vst v0  }
0x70: {  	s11 =	sand.u32 $0x3, s3;
	[tilespmem:s7+$0x200] =	vst v1  }
0x71: {  	s2 =	sshll.u32 s11, $0x5;
	[tilespmem:s7+$0x80] =	vst v9  }
0x72: {  	s2 =	sadd.s32 s2, s8;
	[tilespmem:s7+$0x100] =	vst v4  }
0x73: {  	s12 =	sor.u32 $0x300, s2;
	[tilespmem:s7+$0x0] =	vst v10  }
0x74: {  	s13 =	sor.u32 $0x380, s2;
	[tilespmem:s12+$0x11000] =	vst v11  }
0x75: {  	s0 =	sor.u32 s9, s0;
	[tilespmem:s13+$0x11000] =	vst v14  }
0x76: {  	[tilespmem:s0+$0x280] =	vst v15  }
0x77: {  	[tilespmem:s0+$0x0] =	vst v2  }
0x78: {  	[tilespmem:s0+$0x80] =	vst v6  }
0x79: {  	[tilespmem:s0+$0x100] =	vst v5  }
0x7a: {  	s15 =	sadd.s32 $0x10, s2;
	[tilespmem:s0+$0x200] =	vst v12  }
0x7b: {  	s2 =	sor.u32 $0x300, s15;
	[tilespmem:s0+$0x180] =	vst v13  }
0x7c: {  	s16 =	sor.u32 $0x380, s15;
	[tilespmem:s2+$0x11000] =	vst v7  }
0x7d: {  	s2 =	simm.s32 $0x0;
	[tilespmem:s16+$0x11000] =	vst v3  }
0x7e: {  	s17 =	sand.u32 $0x7E0, s2;
	s0 =	rddreg [dreg:$0x7]  }
0x7f: {  	[hbm4b:s0+s2] =	stream.linear.scatter [tilespmem:s14], [sflag:$0x3], $0x4000, $0x38;
	[tilespmem:$0x19000] =	vst v63  }
0x80: {  	v0 =	vld [tilespmem:s17+$0x800];
	_ =	sdelay $0x4  }
0x81: {  	v1 =	vshll.u32 v0, $0x3  }
0x82: {  	v0 =	vand.u32 $0x7F, v0;
	v1 =	vand.u32 $0xFFFFFC00, v1  }
0x83: {  	v1 =	vor.u32 v0, v1  }
0x84: {  	s18 =	simm.s32 $0x810;
	v0 =	vor.u32 $0x80, v1  }
0x85: {  	v2 =	vld [tilespmem:s18+$0x0];
	v3 =	vor.u32 $0x100, v1  }
0x86: {  	s11 =	simm.s32 $0x830;
	v4 =	vor.u32 $0x180, v1  }
0x87: {  	v19 =	vld [tilespmem:s11+$0x0];
	v5 =	vor.u32 $0x200, v1  }
0x88: {  	v18 =	vld.idx.msk [tilespmem:v1+s19+$0x0], $0xffff  }
0x89: {  	v6 =	vor.u32 $0x280, v1;
	v16 =	vld.idx.msk [tilespmem:v0+s19+$0x0], $0xffff  }
0x8a: {  	v17 =	vor.u32 $0x300, v1;
	v22 =	vld.idx.msk [tilespmem:v3+s19+$0x0], $0xffff;
	v0 =	vshll.u32 v2, $0x3  }
0x8b: {  	s0 =	simm.s32 $0x20;
	v12 =	vld.idx.msk [tilespmem:v4+s19+$0x0], $0xffff;
	v3 =	vor.u32 $0x380, v1;
	v2 =	vand.u32 $0x7F, v2;
	v0 =	vand.u32 $0xFFFFFC00, v0  }
0x8c: {  	s21 =	sand.u32 $0x7E0, s0;
	v10 =	vld.idx.msk [tilespmem:v5+s19+$0x0], $0xffff;
	v0 =	vor.u32 v2, v0  }
0x8d: {  	v4 =	vld [tilespmem:s21+$0x800];
	v2 =	vor.u32 $0x280, v0  }
0x8e: {  	v11 =	vld.idx.msk [tilespmem:v6+s19+$0x0], $0xffff;
	v8 =	vor.u32 $0x380, v0  }
0x8f: {  	v17 =	vld.idx.msk [tilespmem:v17+s19+$0x0], $0xffff;
	v9 =	vor.u32 $0x80, v0  }
0x90: {  	v13 =	vor.u32 $0x100, v0;
	v6 =	vld.idx.msk [tilespmem:v3+s19+$0x0], $0xffff  }
0x91: {  	v15 =	vor.u32 $0x300, v0;
	v5 =	vld.idx.msk [tilespmem:v0+s19+$0x0], $0xffff  }
0x92: {  	v3 =	vor.u32 $0x200, v0;
	v7 =	vld.idx.msk [tilespmem:v2+s19+$0x0], $0xffff;
	v2 =	vshll.u32 v4, $0x3  }
0x93: {  	v14 =	vor.u32 $0x180, v0;
	v0 =	vld.idx.msk [tilespmem:v8+s19+$0x0], $0xffff;
	v4 =	vand.u32 $0x7F, v4;
	v2 =	vand.u32 $0xFFFFFC00, v2  }
0x94: {  	v1 =	vld.idx.msk [tilespmem:v9+s19+$0x0], $0xffff;
	v4 =	vor.u32 v4, v2  }
0x95: {  	v8 =	vld.idx.msk [tilespmem:v13+s19+$0x0], $0xffff;
	v21 =	vor.u32 $0x100, v4  }
0x96: {  	v9 =	vld.idx.msk [tilespmem:v15+s19+$0x0], $0xffff;
	v20 =	vor.u32 $0x80, v4  }
0x97: {  	v2 =	vld.idx.msk [tilespmem:v3+s19+$0x0], $0xffff;
	v23 =	vor.u32 $0x180, v4  }
0x98: {  	s23 =	sand.u32 $0x60, s2;
	s31 =	sand.u32 $0x3C00, s2;
	v3 =	vld.idx.msk [tilespmem:v14+s19+$0x0], $0xffff;
	v24 =	vor.u32 $0x200, v4  }
0x99: {  	s1 =	sor.u32 s23, s31;
	v13 =	vld.idx.msk [tilespmem:v4+s19+$0x0], $0xffff  }
0x9a: {  	s12 =	sadd.s32 $0x15000, s1;
	v15 =	vld.idx.msk [tilespmem:v21+s19+$0x0], $0xffff;
	v21 =	vor.u32 $0x280, v4  }
0x9b: {  	[tilespmem:s12+$0x80] =	vst v16;
	v14 =	vld.idx.msk [tilespmem:v20+s19+$0x0], $0xffff;
	v20 =	vshll.u32 v19, $0x3  }
0x9c: {  	s3 =	simm.s32 $0x100;
	[tilespmem:s1+$0x15000] =	vst v18;
	v16 =	vld.idx.msk [tilespmem:v23+s19+$0x0], $0xffff;
	v19 =	vand.u32 $0x7F, v19;
	v23 =	vand.u32 $0xFFFFFC00, v20  }
0x9d: {  	s8 =	simm.s32 $0x1;
	s4 =	simm.s32 $0x40;
	s7 =	simm.s32 $0x0;
	[tilespmem:s12+$0x100] =	vst v22;
	v18 =	vld.idx.msk [tilespmem:v24+s19+$0x0], $0xffff;
	v20 =	vor.u32 $0x380, v4;
	v19 =	vor.u32 v19, v23  }
.LBB2_4:
0x9e: {  	s5 =	sand.u32 $0x7E0, s4  }
0x9f: {  	v21 =	vld.idx.msk [tilespmem:v21+s19+$0x0], $0xffff;
	v22 =	vor.u32 $0x100, v19;
	v23 =	vor.u32 $0x180, v19;
	v24 =	vor.u32 $0x280, v19;
	s11 =	sadd.s32 $0x20, s11;
	[tilespmem:s12+$0x180] =	vst v12;
	s1 =	smov.u32 s4;
	s9 =	sadd.s32 $0x20, s4  }
0xa0: {  	p0 =	sne.s32 s4, $0x7E0;
	v26 =	vor.u32 $0x80, v19;
	v27 =	vor.u32 $0x380, v19;
	s4 =	sand.u32 $0x3, s2;
	v28 =	vmov v13;
	s2 =	smov.u32 s8;
	v25 =	vld [tilespmem:s5+$0x800];
	[tilespmem:s12+$0x200] =	vst v10  }
0xa1: {  	s4 =	sshll.u32 s4, $0x5;
	v30 =	vmov v14;
	v29 =	vld [tilespmem:s11+$0x0];
	[tilespmem:s12+$0x280] =	vst v11  }
0xa2: {  	v14 =	vor.u32 $0x200, v19;
	s4 =	sadd.s32 s4, s7;
	v31 =	vmov v15;
	s7 =	smov.u32 s3;
	v13 =	vld.idx.msk [tilespmem:v20+s19+$0x0], $0xffff  }
0xa3: {  	s5 =	sor.u32 $0x300, s4;
	v12 =	vmov v16;
	v15 =	vld.idx.msk [tilespmem:v19+s19+$0x0], $0xffff  }
0xa4: {  	v10 =	vmov v18;
	v16 =	vld.idx.msk [tilespmem:v24+s19+$0x0], $0xffff;
	[tilespmem:s5+$0x15000] =	vst v17;
	s5 =	sor.u32 $0x380, s4  }
0xa5: {  	v19 =	vor.u32 $0x300, v19;
	v11 =	vmovc v21;
	v17 =	vand.u32 $0x7F, v25;
	v18 =	vshll.u32 v25, $0x3;
	v20 =	vld.idx.msk [tilespmem:v27+s19+$0x0], $0xffff;
	[tilespmem:s5+$0x15000] =	vst v6  }
0xa6: {  	v21 =	vand.u32 $0xFFFFFC00, v18;
	v18 =	vor.u32 $0x300, v4;
	v24 =	vld.idx.msk [tilespmem:v26+s19+$0x0], $0xffff;
	[tilespmem:s12+$0x10] =	vst v5  }
0xa7: {  	v4 =	vor.u32 v17, v21;
	v22 =	vld.idx.msk [tilespmem:v22+s19+$0x0], $0xffff;
	[tilespmem:s12+$0x290] =	vst v7  }
0xa8: {  	v6 =	vmov v13;
	v25 =	vor.u32 $0x80, v4;
	[tilespmem:s12+$0x210] =	vst v2;
	v2 =	vld.idx.msk [tilespmem:v14+s19+$0x0], $0xffff  }
0xa9: {  	s4 =	sadd.s32 $0x10, s4;
	v26 =	vor.u32 $0x100, v4;
	v5 =	vmov v15;
	[tilespmem:s12+$0x190] =	vst v3;
	v3 =	vld.idx.msk [tilespmem:v23+s19+$0x0], $0xffff  }
0xaa: {  	s5 =	sor.u32 $0x300, s4;
	v23 =	vor.u32 $0x180, v4;
	v7 =	vmov v16;
	v27 =	vld.idx.msk [tilespmem:v19+s19+$0x0], $0xffff;
	[tilespmem:s12+$0x110] =	vst v8  }
0xab: {  	s0 =	sand.u32 $0x60, s0;
	s13 =	sand.u32 $0x3C00, s3;
	s4 =	sor.u32 $0x380, s4;
	v19 =	vor.u32 $0x200, v4;
	v17 =	vld.idx.msk [tilespmem:v18+s19+$0x0], $0xffff;
	[tilespmem:s12+$0x90] =	vst v1  }
.Ltmp1:
0xac: {  	s13 =	sor.u32 s0, s13;
	s0 =	smov.u32 s1;
	v21 =	vor.u32 $0x280, v4;
	v1 =	vmov v24;
	v13 =	vld.idx.msk [tilespmem:v4+s19+$0x0], $0xffff;
	[tilespmem:s5+$0x15000] =	vst v9;
	(pc) =	sbr.rel @p0 .LBB2_4-.Ltmp1, $4  }
0xad: {  	s12 =	sadd.s32 $0x15000, s13;
	v8 =	vmov v22;
	v14 =	vld.idx.msk [tilespmem:v25+s19+$0x0], $0xffff;
	[tilespmem:s4+$0x15000] =	vst v0;
	v0 =	vmov v20  }
0xae: {  	v24 =	vshll.u32 v29, $0x3;
	v15 =	vld.idx.msk [tilespmem:v26+s19+$0x0], $0xffff;
	[tilespmem:s12+$0x80] =	vst v30  }
0xaf: {  	v22 =	vand.u32 $0x7F, v29;
	v20 =	vor.u32 $0x380, v4;
	v16 =	vld.idx.msk [tilespmem:v23+s19+$0x0], $0xffff;
	v23 =	vand.u32 $0xFFFFFC00, v24;
	[tilespmem:s13+$0x15000] =	vst v28  }
0xb0: {  	s8 =	sadd.s32 $0x1, s8;
	s3 =	sadd.s32 $0x100, s3;
	s4 =	smov.u32 s9;
	v9 =	vmov v27;
	v18 =	vld.idx.msk [tilespmem:v19+s19+$0x0], $0xffff;
	v19 =	vor.u32 v22, v23;
	[tilespmem:s12+$0x100] =	vst v31  }
0xb1: {  	_ =	sdelay $0x1  }
0xb2: {  	v22 =	vor.u32 $0x280, v19  }
0xb3: {  	v53 =	vor.u32 $0x380, v19  }
0xb4: {  	v54 =	vld.idx.msk [tilespmem:v21+s19+$0x0], $0xffff;
	v55 =	vor.u32 $0x80, v19  }
0xb5: {  	v56 =	vor.u32 $0x100, v19;
	v20 =	vld.idx.msk [tilespmem:v20+s19+$0x0], $0xffff  }
0xb6: {  	v57 =	vor.u32 $0x200, v19;
	v23 =	vld.idx.msk [tilespmem:v19+s19+$0x0], $0xffff  }
0xb7: {  	s1 =	sand.u32 $0x3, s2;
	v58 =	vor.u32 $0x180, v19;
	v22 =	vld.idx.msk [tilespmem:v22+s19+$0x0], $0xffff  }
0xb8: {  	[tilespmem:s12+$0x180] =	vst v12;
	v59 =	vor.u32 $0x300, v19;
	s1 =	sshll.u32 s1, $0x5;
	v12 =	vld.idx.msk [tilespmem:v53+s19+$0x0], $0xffff  }
0xb9: {  	[tilespmem:s12+$0x200] =	vst v10;
	v4 =	vor.u32 $0x300, v4;
	s1 =	sadd.s32 s1, s7;
	v60 =	vld.idx.msk [tilespmem:v55+s19+$0x0], $0xffff  }
0xba: {  	[tilespmem:s12+$0x280] =	vst v11;
	s9 =	sor.u32 $0x300, s1;
	v61 =	vld.idx.msk [tilespmem:v56+s19+$0x0], $0xffff  }
0xbb: {  	s0 =	sand.u32 $0x60, s0;
	s4 =	sand.u32 $0x3C00, s3;
	s11 =	sor.u32 $0x380, s1;
	[tilespmem:s9+$0x15000] =	vst v17;
	v62 =	vld.idx.msk [tilespmem:v57+s19+$0x0], $0xffff  }
0xbc: {  	s0 =	sor.u32 s0, s4;
	[tilespmem:s11+$0x15000] =	vst v6;
	v6 =	vld.idx.msk [tilespmem:v58+s19+$0x0], $0xffff  }
0xbd: {  	s15 =	sadd.s32 $0x15000, s0;
	v63 =	vld.idx.msk [tilespmem:v59+s19+$0x0], $0xffff  }
0xbe: {  	v4 =	vld.idx.msk [tilespmem:v4+s19+$0x0], $0xffff;
	[tilespmem:s15+$0x80] =	vst v14  }
0xbf: {  	[tilespmem:s12+$0x10] =	vst v5  }
0xc0: {  	[tilespmem:s12+$0x290] =	vst v7  }
0xc1: {  	[tilespmem:s12+$0x210] =	vst v2  }
0xc2: {  	[tilespmem:s12+$0x190] =	vst v3  }
0xc3: {  	[tilespmem:s12+$0x110] =	vst v8  }
0xc4: {  	s1 =	sadd.s32 $0x10, s1;
	[tilespmem:s12+$0x90] =	vst v1  }
0xc5: {  	s13 =	sor.u32 $0x300, s1;
	[tilespmem:s0+$0x15000] =	vst v13  }
0xc6: {  	[tilespmem:s13+$0x15000] =	vst v9  }
0xc7: {  	[tilespmem:s15+$0x100] =	vst v15  }
0xc8: {  	s16 =	sand.u32 $0x3, s8;
	[tilespmem:s15+$0x180] =	vst v16  }
0xc9: {  	s0 =	sshll.u32 s16, $0x5;
	[tilespmem:s15+$0x200] =	vst v18  }
0xca: {  	s1 =	sor.u32 $0x380, s1;
	s0 =	sadd.s32 s0, s3;
	[tilespmem:s15+$0x280] =	vst v54  }
0xcb: {  	[tilespmem:s1+$0x15000] =	vst v0;
	s17 =	sor.u32 $0x300, s0  }
0xcc: {  	s18 =	sor.u32 $0x380, s0;
	[tilespmem:s17+$0x15000] =	vst v4  }
0xcd: {  	[tilespmem:s18+$0x15000] =	vst v20  }
0xce: {  	[tilespmem:s15+$0x10] =	vst v23  }
0xcf: {  	[tilespmem:s15+$0x290] =	vst v22  }
0xd0: {  	[tilespmem:s15+$0x210] =	vst v62  }
0xd1: {  	[tilespmem:s15+$0x190] =	vst v6  }
0xd2: {  	s0 =	sadd.s32 $0x10, s0;
	[tilespmem:s15+$0x110] =	vst v61  }
0xd3: {  	s21 =	sor.u32 $0x300, s0;
	[tilespmem:s15+$0x90] =	vst v60  }
0xd4: {  	s0 =	sor.u32 $0x380, s0;
	[tilespmem:s21+$0x15000] =	vst v63  }
0xd5: {  	[tilespmem:s0+$0x15000] =	vst v12  }
0xd6: {  	s0 =	rddreg [dreg:$0x8]  }
0xd7: {  	[hbm4b:s0+s30] =	stream.linear.scatter [tilespmem:s24], [sflag:$0x4], $0x4000, $0x38;
	[tilespmem:$0x19000] =	vst v63  }
0xd8: {  	s31 =	simm.s32 $0x0;
	s23 =	rddreg [dreg:$0x9]  }
0xd9: {  	[tilespmem:s19], [sflag:$0x1] =	stream.linear.gather [hbm4b:s23+s30], $0x8000, $0x38;
	[tilespmem:$0x19000] =	vst v63  }
.LBB2_6:
0xda: {  	_ =	swait.ge [sflag:s25], $0x8000  }
0xdb: {  	[sflag:s25] =	ssyncset.done $0x0  }
0xdc: {  	[sflag:s25] =	ssyncadd.s32 $0xFFFF8000  }
0xdd: {  	_ =	swait.ge [sflag:s26], $0x4000  }
0xde: {  	[sflag:s26] =	ssyncset.done $0x0  }
0xdf: {  	[sflag:s26] =	ssyncadd.s32 $0xFFFFC000  }
0xe0: {  	v0 =	vld [tilespmem:s30+$0x0];
	_ =	sdelay $0x4  }
0xe1: {  	s1 =	sand.u32 $0x60, s30;
	v1 =	vshll.u32 v0, $0x3  }
0xe2: {  	s0 =	sand.u32 $0x780, s30;
	s3 =	sor.u32 $0x10, s1;
	v0 =	vand.u32 $0x7F, v0;
	v1 =	vand.u32 $0xFFFFFC00, v1  }
0xe3: {  	s0 =	sor.u32 s3, s0;
	v0 =	vor.u32 v0, v1  }
0xe4: {  	v1 =	vld [tilespmem:s0+$0x0];
	v2 =	vor.u32 $0x380, v0;
	_ =	sdelay $0x1  }
0xe5: {  	s16 =	simm.s32 $0x20;
	v3 =	vor.u32 $0x300, v0  }
0xe6: {  	s11 =	simm.s32 $0x40;
	v6 =	vld [tilespmem:s16+$0x0];
	v4 =	vor.u32 $0x280, v0  }
0xe7: {  	v23 =	vld [tilespmem:s11+$0x0];
	v5 =	vor.u32 $0x80, v0  }
0xe8: {  	v7 =	vor.u32 $0x200, v0;
	v8 =	vor.u32 $0x100, v0;
	v12 =	vld.idx.msk [tilespmem:v2+s20+$0x0], $0xffff;
	v2 =	vshll.u32 v1, $0x3  }
0xe9: {  	v9 =	vld.idx.msk [tilespmem:v0+s20+$0x0], $0xffff;
	v0 =	vor.u32 $0x180, v0;
	v1 =	vand.u32 $0x7F, v1;
	v2 =	vand.u32 $0xFFFFFC00, v2  }
0xea: {  	v13 =	vld.idx.msk [tilespmem:v3+s20+$0x0], $0xffff;
	v1 =	vor.u32 v1, v2  }
0xeb: {  	v4 =	vld.idx.msk [tilespmem:v4+s20+$0x0], $0xffff;
	v2 =	vor.u32 $0x100, v1  }
0xec: {  	v5 =	vld.idx.msk [tilespmem:v5+s20+$0x0], $0xffff;
	v3 =	vor.u32 $0x80, v1  }
0xed: {  	v10 =	vld.idx.msk [tilespmem:v7+s20+$0x0], $0xffff;
	v7 =	vor.u32 $0x380, v1  }
0xee: {  	v14 =	vor.u32 $0x280, v1;
	v0 =	vld.idx.msk [tilespmem:v0+s20+$0x0], $0xffff  }
0xef: {  	v11 =	vor.u32 $0x200, v1;
	v15 =	vld.idx.msk [tilespmem:v1+s20+$0x0], $0xffff  }
0xf0: {  	v21 =	vld.idx.msk [tilespmem:v2+s20+$0x0], $0xffff  }
0xf1: {  	v16 =	vld.idx.msk [tilespmem:v3+s20+$0x0], $0xffff  }
0xf2: {  	s2 =	sand.u32 $0x60, s16;
	v17 =	vor.u32 $0x300, v1;
	v2 =	vshll.u32 v6, $0x3;
	v3 =	vld.idx.msk [tilespmem:v7+s20+$0x0], $0xffff  }
0xf3: {  	s4 =	sand.u32 $0x780, s16;
	s0 =	sor.u32 $0x10, s2;
	v1 =	vor.u32 $0x180, v1;
	v6 =	vand.u32 $0x7F, v6;
	v18 =	vld.idx.msk [tilespmem:v14+s20+$0x0], $0xffff;
	v7 =	vand.u32 $0xFFFFFC00, v2  }
0xf4: {  	s4 =	sor.u32 s0, s4;
	v2 =	vld.idx.msk [tilespmem:v11+s20+$0x0], $0xffff;
	v6 =	vor.u32 v6, v7  }
0xf5: {  	s17 =	sand.u32 $0x3C00, s30;
	v11 =	vld [tilespmem:s4+$0x0];
	v14 =	vor.u32 $0x380, v6  }
0xf6: {  	v8 =	vld.idx.msk [tilespmem:v8+s20+$0x0], $0xffff;
	s4 =	sadd.s32 $0x11000, s17;
	v19 =	vor.u32 $0x300, v6  }
0xf7: {  	v7 =	vld.idx.msk [tilespmem:v17+s20+$0x0], $0xffff;
	s1 =	sor.u32 s1, s4;
	v17 =	vor.u32 $0x280, v6  }
0xf8: {  	v22 =	vor.u32 $0x80, v6;
	v20 =	vld.idx.msk [tilespmem:v1+s20+$0x0], $0xffff;
	[tilespmem:s1+$0x280] =	vst v4  }
0xf9: {  	v25 =	vor.u32 $0x100, v6;
	[tilespmem:s1+$0x180] =	vst v0;
	v1 =	vld.idx.msk [tilespmem:v6+s20+$0x0], $0xffff  }
0xfa: {  	s5 =	sand.u32 $0x3, s30;
	v24 =	vor.u32 $0x200, v6;
	[tilespmem:s1+$0x200] =	vst v10;
	v0 =	vld.idx.msk [tilespmem:v14+s20+$0x0], $0xffff;
	v14 =	vshll.u32 v11, $0x3  }
0xfb: {  	s5 =	sshll.u32 s5, $0x5;
	[tilespmem:s1+$0x80] =	vst v5;
	v6 =	vor.u32 $0x180, v6;
	v4 =	vld.idx.msk [tilespmem:v19+s20+$0x0], $0xffff;
	v11 =	vand.u32 $0x7F, v11;
	v14 =	vand.u32 $0xFFFFFC00, v14  }
0xfc: {  	s5 =	sadd.s32 $0x0, s5;
	[tilespmem:s1+$0x100] =	vst v8;
	v10 =	vld.idx.msk [tilespmem:v17+s20+$0x0], $0xffff;
	v17 =	vor.u32 v11, v14  }
0xfd: {  	s18 =	sor.u32 $0x300, s5;
	[tilespmem:s1+$0x0] =	vst v9;
	v8 =	vld.idx.msk [tilespmem:v22+s20+$0x0], $0xffff;
	v19 =	vor.u32 $0x100, v17  }
0xfe: {  	s21 =	sor.u32 $0x380, s5;
	[tilespmem:s18+$0x11000] =	vst v13;
	v9 =	vld.idx.msk [tilespmem:v25+s20+$0x0], $0xffff;
	v22 =	vor.u32 $0x80, v17  }
0xff: {  	s1 =	sor.u32 s3, s4;
	[tilespmem:s21+$0x11000] =	vst v12;
	v11 =	vld.idx.msk [tilespmem:v24+s20+$0x0], $0xffff;
	v13 =	vor.u32 $0x380, v17  }
0x100: {  	[tilespmem:s1+$0x280] =	vst v18;
	v14 =	vld.idx.msk [tilespmem:v6+s20+$0x0], $0xffff  }
0x101: {  	s23 =	simm.s32 $0x1;
	s12 =	simm.s32 $0x100;
	[tilespmem:s1+$0x0] =	vst v15;
	v18 =	vor.u32 $0x200, v17;
	v5 =	vld.idx.msk [tilespmem:v17+s20+$0x0], $0xffff  }
0x102: {  	s8 =	simm.s32 $0x200;
	s7 =	sand.u32 $0x780, s11;
	s5 =	sadd.s32 $0x10, s5;
	[tilespmem:s1+$0x80] =	vst v16;
	v16 =	vor.u32 $0x280, v17;
	v12 =	vld.idx.msk [tilespmem:v19+s20+$0x0], $0xffff  }
0x103: {  	s16 =	sand.u32 $0x3, s23;
	s17 =	sand.u32 $0x60, s11;
	s4 =	simm.s32 $0x60;
	[tilespmem:s1+$0x180] =	vst v20;
	v20 =	vshll.u32 v23, $0x3;
	v6 =	vld.idx.msk [tilespmem:v22+s20+$0x0], $0xffff  }
0x104: {  	s3 =	simm.s32 $0x2;
	s21 =	sor.u32 $0x380, s5;
	s5 =	sor.u32 $0x300, s5;
	[tilespmem:s1+$0x100] =	vst v21;
	v15 =	vor.u32 $0x180, v17;
	v17 =	vor.u32 $0x300, v17;
	v19 =	vand.u32 $0x7F, v23;
	v13 =	vld.idx.msk [tilespmem:v13+s20+$0x0], $0xffff  }
.LBB2_7:
0x105: {  	s13 =	sand.u32 $0x780, s4  }
0x106: {  	s15 =	sor.u32 $0x10, s17;
	v20 =	vand.u32 $0xFFFFFC00, v20;
	[tilespmem:s1+$0x200] =	vst v2;
	v2 =	vld.idx.msk [tilespmem:v18+s20+$0x0], $0xffff;
	s18 =	smov.u32 s4;
	s9 =	sadd.s32 $0x20, s4  }
0x107: {  	p0 =	sne.s32 s4, $0x7E0;
	s1 =	sand.u32 $0x3, s3;
	s4 =	sor.u32 s15, s7;
	v18 =	vor.u32 v19, v20;
	v19 =	vld.idx.msk [tilespmem:v16+s20+$0x0], $0xffff;
	[tilespmem:s5+$0x11000] =	vst v7  }
0x108: {  	s7 =	smov.u32 s13;
	v16 =	vld [tilespmem:s4+$0x0];
	v20 =	vor.u32 $0x80, v18;
	v21 =	vor.u32 $0x100, v18;
	v22 =	vor.u32 $0x380, v18;
	s4 =	sand.u32 $0x3C00, s12;
	[tilespmem:s21+$0x11000] =	vst v3  }
0x109: {  	v23 =	vor.u32 $0x180, v18;
	v24 =	vor.u32 $0x200, v18;
	v25 =	vor.u32 $0x300, v18;
	v26 =	vmovc v12;
	v7 =	vld.idx.msk [tilespmem:v17+s20+$0x0], $0xffff;
	s4 =	sadd.s32 $0x11000, s4  }
0x10a: {  	s11 =	sadd.s32 $0x20, s11;
	v12 =	vor.u32 $0x280, v18;
	v27 =	vld.idx.msk [tilespmem:v15+s20+$0x0], $0xffff;
	s5 =	sor.u32 s2, s4;
	s2 =	smov.u32 s17  }
0x10b: {  	v3 =	vmov v13;
	v28 =	vld [tilespmem:s11+$0x0];
	[tilespmem:s5+$0x280] =	vst v10  }
0x10c: {  	v13 =	vld.idx.msk [tilespmem:v18+s20+$0x0], $0xffff;
	[tilespmem:s5+$0x180] =	vst v14  }
0x10d: {  	v17 =	vld.idx.msk [tilespmem:v22+s20+$0x0], $0xffff;
	v10 =	vshll.u32 v16, $0x3;
	[tilespmem:s5+$0x200] =	vst v11  }
0x10e: {  	s13 =	sshll.u32 s16, $0x5;
	s16 =	smov.u32 s1;
	v11 =	vand.u32 $0x7F, v16;
	v22 =	vld.idx.msk [tilespmem:v25+s20+$0x0], $0xffff;
	v14 =	vand.u32 $0xFFFFFC00, v10;
	[tilespmem:s5+$0x80] =	vst v8  }
0x10f: {  	s1 =	sadd.s32 s13, s12;
	s12 =	smov.u32 s8;
	v10 =	vld.idx.msk [tilespmem:v12+s20+$0x0], $0xffff;
	v25 =	vor.u32 v11, v14;
	[tilespmem:s5+$0x100] =	vst v9  }
0x110: {  	s13 =	sadd.s32 $0x10, s1;
	v8 =	vld.idx.msk [tilespmem:v20+s20+$0x0], $0xffff;
	v20 =	vor.u32 $0x80, v25;
	v12 =	vor.u32 $0x100, v25;
	v29 =	vor.u32 $0x380, v25;
	[tilespmem:s5+$0x0] =	vst v1;
	s5 =	sor.u32 $0x300, s1  }
0x111: {  	s21 =	sor.u32 $0x380, s13;
	v15 =	vor.u32 $0x180, v25;
	v18 =	vor.u32 $0x200, v25;
	v16 =	vor.u32 $0x280, v25;
	s1 =	sor.u32 $0x380, s1;
	v11 =	vld.idx.msk [tilespmem:v24+s20+$0x0], $0xffff;
	[tilespmem:s5+$0x11000] =	vst v4  }
0x112: {  	v1 =	vmov v13;
	v9 =	vld.idx.msk [tilespmem:v21+s20+$0x0], $0xffff;
	[tilespmem:s1+$0x11000] =	vst v0;
	s1 =	sor.u32 s0, s4;
	s0 =	smov.u32 s15  }
.Ltmp2:
0x113: {  	v0 =	vmov v17;
	v14 =	vld.idx.msk [tilespmem:v23+s20+$0x0], $0xffff;
	[tilespmem:s1+$0x280] =	vst v19;
	(pc) =	sbr.rel @p0 .LBB2_7-.Ltmp2, $4  }
0x114: {  	v4 =	vmov v22;
	[tilespmem:s1+$0x0] =	vst v5;
	v5 =	vld.idx.msk [tilespmem:v25+s20+$0x0], $0xffff  }
0x115: {  	v12 =	vld.idx.msk [tilespmem:v12+s20+$0x0], $0xffff;
	[tilespmem:s1+$0x80] =	vst v6  }
0x116: {  	s3 =	sadd.s32 $0x1, s3;
	s8 =	sadd.s32 $0x100, s8;
	v17 =	vor.u32 $0x300, v25;
	v6 =	vld.idx.msk [tilespmem:v20+s20+$0x0], $0xffff;
	[tilespmem:s1+$0x180] =	vst v27  }
0x117: {  	s17 =	sand.u32 $0x60, s18;
	s5 =	sor.u32 $0x300, s13;
	s4 =	smov.u32 s9;
	v19 =	vand.u32 $0x7F, v28;
	v20 =	vshll.u32 v28, $0x3;
	v13 =	vld.idx.msk [tilespmem:v29+s20+$0x0], $0xffff;
	[tilespmem:s1+$0x100] =	vst v26  }
0x118: {  	_ =	sdelay $0x2  }
0x119: {  	s9 =	sor.u32 $0x10, s17;
	v20 =	vand.u32 $0xFFFFFC00, v20  }
0x11a: {  	v18 =	vld.idx.msk [tilespmem:v18+s20+$0x0], $0xffff;
	s4 =	sor.u32 s9, s7;
	v19 =	vor.u32 v19, v20  }
0x11b: {  	[tilespmem:s1+$0x200] =	vst v2;
	s7 =	sand.u32 $0x3C00, s12;
	v20 =	vld [tilespmem:s4+$0x0];
	v21 =	vor.u32 $0x380, v19  }
0x11c: {  	v2 =	vld.idx.msk [tilespmem:v16+s20+$0x0], $0xffff;
	[tilespmem:s5+$0x11000] =	vst v7;
	v16 =	vor.u32 $0x300, v19;
	s1 =	sadd.s32 $0x11000, s7  }
0x11d: {  	v7 =	vld.idx.msk [tilespmem:v17+s20+$0x0], $0xffff;
	v17 =	vor.u32 $0x280, v19;
	[tilespmem:s21+$0x11000] =	vst v3;
	s2 =	sor.u32 s2, s1  }
0x11e: {  	v22 =	vor.u32 $0x80, v19;
	v3 =	vld.idx.msk [tilespmem:v15+s20+$0x0], $0xffff;
	[tilespmem:s2+$0x280] =	vst v10  }
0x11f: {  	v15 =	vor.u32 $0x200, v19;
	[tilespmem:s2+$0x180] =	vst v14;
	v10 =	vld.idx.msk [tilespmem:v19+s20+$0x0], $0xffff  }
0x120: {  	v23 =	vor.u32 $0x100, v19;
	[tilespmem:s2+$0x200] =	vst v11;
	v14 =	vld.idx.msk [tilespmem:v21+s20+$0x0], $0xffff;
	v21 =	vshll.u32 v20, $0x3  }
0x121: {  	s11 =	sshll.u32 s16, $0x5;
	[tilespmem:s2+$0x80] =	vst v8;
	v19 =	vor.u32 $0x180, v19;
	v11 =	vld.idx.msk [tilespmem:v16+s20+$0x0], $0xffff;
	v16 =	vand.u32 $0x7F, v20;
	v20 =	vand.u32 $0xFFFFFC00, v21  }
0x122: {  	s4 =	sadd.s32 s11, s12;
	[tilespmem:s2+$0x100] =	vst v9;
	v8 =	vld.idx.msk [tilespmem:v17+s20+$0x0], $0xffff;
	v16 =	vor.u32 v16, v20  }
0x123: {  	s13 =	sor.u32 $0x300, s4;
	[tilespmem:s2+$0x0] =	vst v1;
	v9 =	vld.idx.msk [tilespmem:v22+s20+$0x0], $0xffff;
	v17 =	vor.u32 $0x100, v16  }
0x124: {  	s15 =	sor.u32 $0x380, s4;
	[tilespmem:s13+$0x11000] =	vst v4;
	v1 =	vld.idx.msk [tilespmem:v15+s20+$0x0], $0xffff;
	v20 =	vor.u32 $0x80, v16  }
0x125: {  	s0 =	sor.u32 s0, s1;
	[tilespmem:s15+$0x11000] =	vst v0;
	v4 =	vld.idx.msk [tilespmem:v23+s20+$0x0], $0xffff;
	v15 =	vor.u32 $0x380, v16  }
0x126: {  	[tilespmem:s0+$0x280] =	vst v2;
	v21 =	vor.u32 $0x200, v16;
	v0 =	vld.idx.msk [tilespmem:v19+s20+$0x0], $0xffff  }
0x127: {  	[tilespmem:s0+$0x0] =	vst v5;
	v19 =	vor.u32 $0x280, v16;
	v2 =	vld.idx.msk [tilespmem:v16+s20+$0x0], $0xffff  }
0x128: {  	[tilespmem:s0+$0x80] =	vst v6;
	v5 =	vld.idx.msk [tilespmem:v17+s20+$0x0], $0xffff;
	v17 =	vor.u32 $0x300, v16  }
0x129: {  	[tilespmem:s0+$0x180] =	vst v3;
	v16 =	vor.u32 $0x180, v16;
	v6 =	vld.idx.msk [tilespmem:v20+s20+$0x0], $0xffff  }
0x12a: {  	s16 =	sadd.s32 $0x10, s4;
	[tilespmem:s0+$0x100] =	vst v12;
	v3 =	vld.idx.msk [tilespmem:v15+s20+$0x0], $0xffff  }
0x12b: {  	s21 =	sand.u32 $0x3C00, s8;
	s18 =	sor.u32 $0x300, s16;
	[tilespmem:s0+$0x200] =	vst v18;
	v12 =	vld.idx.msk [tilespmem:v21+s20+$0x0], $0xffff  }
0x12c: {  	s1 =	sor.u32 $0x380, s16;
	s0 =	sadd.s32 $0x11000, s21;
	[tilespmem:s18+$0x11000] =	vst v7;
	v15 =	vld.idx.msk [tilespmem:v19+s20+$0x0], $0xffff  }
0x12d: {  	s23 =	sor.u32 s17, s0;
	[tilespmem:s1+$0x11000] =	vst v13;
	v7 =	vld.idx.msk [tilespmem:v17+s20+$0x0], $0xffff  }
0x12e: {  	v13 =	vld.idx.msk [tilespmem:v16+s20+$0x0], $0xffff;
	[tilespmem:s23+$0x280] =	vst v8  }
0x12f: {  	[tilespmem:s23+$0x180] =	vst v0  }
0x130: {  	s4 =	sand.u32 $0x3, s3;
	[tilespmem:s23+$0x200] =	vst v1  }
0x131: {  	s2 =	sshll.u32 s4, $0x5;
	[tilespmem:s23+$0x80] =	vst v9  }
0x132: {  	s5 =	sadd.s32 s2, s8;
	[tilespmem:s23+$0x100] =	vst v4  }
0x133: {  	s7 =	sor.u32 $0x300, s5;
	[tilespmem:s23+$0x0] =	vst v10  }
0x134: {  	s8 =	sor.u32 $0x380, s5;
	[tilespmem:s7+$0x11000] =	vst v11  }
0x135: {  	s0 =	sor.u32 s9, s0;
	[tilespmem:s8+$0x11000] =	vst v14  }
0x136: {  	[tilespmem:s0+$0x280] =	vst v15  }
0x137: {  	[tilespmem:s0+$0x0] =	vst v2  }
0x138: {  	[tilespmem:s0+$0x80] =	vst v6  }
0x139: {  	[tilespmem:s0+$0x100] =	vst v5  }
0x13a: {  	[tilespmem:s0+$0x180] =	vst v13  }
0x13b: {  	s2 =	sshll.u32 s31, $0x4;
	s11 =	rddreg [dreg:$0x4]  }
0x13c: {  	s9 =	sadd.s32 $0x10, s5;
	s3 =	sor.u32 s2, s11  }
0x13d: {  	s12 =	sor.u32 $0x300, s9;
	[tilespmem:s0+$0x200] =	vst v12;
	s13 =	sshll.u32 s3, $0x9  }
0x13e: {  	s1 =	sor.u32 $0x380, s9;
	[tilespmem:s12+$0x11000] =	vst v7;
	s3 =	sor.u32 $0x1000, s13  }
0x13f: {  	s0 =	simm.s32 $0x0;
	[tilespmem:s1+$0x11000] =	vst v3;
	s15 =	sadd.s32 s29, s3  }
0x140: {  	[hbm4b:s15+s0] =	stream.linear.scatter [tilespmem:s14], [sflag:$0x3], $0x4000, $0x38;
	[tilespmem:$0x19000] =	vst v63  }
0x141: {  	_ =	swait.ge [sflag:s28], $0x4000  }
0x142: {  	[sflag:s28] =	ssyncset.done $0x0  }
0x143: {  	s16 =	sand.u32 $0x7E0, s0;
	[sflag:s28] =	ssyncadd.s32 $0xFFFFC000  }
0x144: {  	v0 =	vld [tilespmem:s16+$0x800];
	_ =	sdelay $0x4  }
0x145: {  	v1 =	vshll.u32 v0, $0x3  }
0x146: {  	v0 =	vand.u32 $0x7F, v0;
	v1 =	vand.u32 $0xFFFFFC00, v1  }
0x147: {  	v1 =	vor.u32 v0, v1  }
0x148: {  	s17 =	simm.s32 $0x810;
	v0 =	vor.u32 $0x80, v1  }
0x149: {  	v2 =	vld [tilespmem:s17+$0x0];
	v3 =	vor.u32 $0x100, v1  }
0x14a: {  	s16 =	simm.s32 $0x830;
	v4 =	vor.u32 $0x180, v1  }
0x14b: {  	v19 =	vld [tilespmem:s16+$0x0];
	v5 =	vor.u32 $0x200, v1  }
0x14c: {  	v18 =	vld.idx.msk [tilespmem:v1+s20+$0x0], $0xffff  }
0x14d: {  	v6 =	vor.u32 $0x280, v1;
	v16 =	vld.idx.msk [tilespmem:v0+s20+$0x0], $0xffff  }
0x14e: {  	v17 =	vor.u32 $0x300, v1;
	v22 =	vld.idx.msk [tilespmem:v3+s20+$0x0], $0xffff;
	v0 =	vshll.u32 v2, $0x3  }
0x14f: {  	s8 =	simm.s32 $0x20;
	v12 =	vld.idx.msk [tilespmem:v4+s20+$0x0], $0xffff;
	v3 =	vor.u32 $0x380, v1;
	v2 =	vand.u32 $0x7F, v2;
	v0 =	vand.u32 $0xFFFFFC00, v0  }
0x150: {  	s18 =	sand.u32 $0x7E0, s8;
	v10 =	vld.idx.msk [tilespmem:v5+s20+$0x0], $0xffff;
	v0 =	vor.u32 v2, v0  }
0x151: {  	v4 =	vld [tilespmem:s18+$0x800];
	v2 =	vor.u32 $0x280, v0  }
0x152: {  	v11 =	vld.idx.msk [tilespmem:v6+s20+$0x0], $0xffff;
	v8 =	vor.u32 $0x380, v0  }
0x153: {  	v17 =	vld.idx.msk [tilespmem:v17+s20+$0x0], $0xffff;
	v9 =	vor.u32 $0x80, v0  }
0x154: {  	v13 =	vor.u32 $0x100, v0;
	v6 =	vld.idx.msk [tilespmem:v3+s20+$0x0], $0xffff  }
0x155: {  	v15 =	vor.u32 $0x300, v0;
	v5 =	vld.idx.msk [tilespmem:v0+s20+$0x0], $0xffff  }
0x156: {  	v3 =	vor.u32 $0x200, v0;
	v7 =	vld.idx.msk [tilespmem:v2+s20+$0x0], $0xffff;
	v2 =	vshll.u32 v4, $0x3  }
0x157: {  	v14 =	vor.u32 $0x180, v0;
	v0 =	vld.idx.msk [tilespmem:v8+s20+$0x0], $0xffff;
	v4 =	vand.u32 $0x7F, v4;
	v2 =	vand.u32 $0xFFFFFC00, v2  }
0x158: {  	v1 =	vld.idx.msk [tilespmem:v9+s20+$0x0], $0xffff;
	v4 =	vor.u32 v4, v2  }
0x159: {  	v8 =	vld.idx.msk [tilespmem:v13+s20+$0x0], $0xffff;
	v21 =	vor.u32 $0x100, v4  }
0x15a: {  	v9 =	vld.idx.msk [tilespmem:v15+s20+$0x0], $0xffff;
	v20 =	vor.u32 $0x80, v4  }
0x15b: {  	v2 =	vld.idx.msk [tilespmem:v3+s20+$0x0], $0xffff;
	v23 =	vor.u32 $0x180, v4  }
0x15c: {  	s23 =	smov.u32 s29;
	s21 =	sand.u32 $0x60, s0;
	s29 =	sand.u32 $0x3C00, s0;
	v3 =	vld.idx.msk [tilespmem:v14+s20+$0x0], $0xffff;
	v24 =	vor.u32 $0x200, v4  }
0x15d: {  	s1 =	sor.u32 s21, s29;
	v13 =	vld.idx.msk [tilespmem:v4+s20+$0x0], $0xffff  }
0x15e: {  	s17 =	sadd.s32 $0x15000, s1;
	v15 =	vld.idx.msk [tilespmem:v21+s20+$0x0], $0xffff;
	v21 =	vor.u32 $0x280, v4  }
0x15f: {  	[tilespmem:s17+$0x80] =	vst v16;
	v14 =	vld.idx.msk [tilespmem:v20+s20+$0x0], $0xffff;
	v20 =	vshll.u32 v19, $0x3  }
0x160: {  	s4 =	simm.s32 $0x40;
	[tilespmem:s1+$0x15000] =	vst v18;
	v16 =	vld.idx.msk [tilespmem:v23+s20+$0x0], $0xffff;
	v19 =	vand.u32 $0x7F, v19;
	v23 =	vand.u32 $0xFFFFFC00, v20  }
0x161: {  	s7 =	simm.s32 $0x0;
	s11 =	simm.s32 $0x100;
	s12 =	simm.s32 $0x1;
	[tilespmem:s17+$0x100] =	vst v22;
	v18 =	vld.idx.msk [tilespmem:v24+s20+$0x0], $0xffff;
	v20 =	vor.u32 $0x380, v4;
	v19 =	vor.u32 v19, v23  }
.LBB2_9:
0x162: {  	s5 =	sand.u32 $0x7E0, s4  }
0x163: {  	v21 =	vld.idx.msk [tilespmem:v21+s20+$0x0], $0xffff;
	v22 =	vor.u32 $0x100, v19;
	v23 =	vor.u32 $0x180, v19;
	v24 =	vor.u32 $0x280, v19;
	s16 =	sadd.s32 $0x20, s16;
	[tilespmem:s17+$0x180] =	vst v12;
	s1 =	smov.u32 s4;
	s9 =	sadd.s32 $0x20, s4  }
0x164: {  	p0 =	sne.s32 s4, $0x7E0;
	v26 =	vor.u32 $0x80, v19;
	v27 =	vor.u32 $0x380, v19;
	s4 =	sand.u32 $0x3, s0;
	v28 =	vmov v13;
	s0 =	smov.u32 s12;
	v25 =	vld [tilespmem:s5+$0x800];
	[tilespmem:s17+$0x200] =	vst v10  }
0x165: {  	s4 =	sshll.u32 s4, $0x5;
	v30 =	vmov v14;
	v29 =	vld [tilespmem:s16+$0x0];
	[tilespmem:s17+$0x280] =	vst v11  }
0x166: {  	v14 =	vor.u32 $0x200, v19;
	s4 =	sadd.s32 s4, s7;
	v31 =	vmov v15;
	s7 =	smov.u32 s11;
	v13 =	vld.idx.msk [tilespmem:v20+s20+$0x0], $0xffff  }
0x167: {  	s5 =	sor.u32 $0x300, s4;
	v12 =	vmov v16;
	v15 =	vld.idx.msk [tilespmem:v19+s20+$0x0], $0xffff  }
0x168: {  	v10 =	vmov v18;
	v16 =	vld.idx.msk [tilespmem:v24+s20+$0x0], $0xffff;
	[tilespmem:s5+$0x15000] =	vst v17;
	s5 =	sor.u32 $0x380, s4  }
0x169: {  	v19 =	vor.u32 $0x300, v19;
	v11 =	vmovc v21;
	v17 =	vand.u32 $0x7F, v25;
	v18 =	vshll.u32 v25, $0x3;
	v20 =	vld.idx.msk [tilespmem:v27+s20+$0x0], $0xffff;
	[tilespmem:s5+$0x15000] =	vst v6  }
0x16a: {  	v21 =	vand.u32 $0xFFFFFC00, v18;
	v18 =	vor.u32 $0x300, v4;
	v24 =	vld.idx.msk [tilespmem:v26+s20+$0x0], $0xffff;
	[tilespmem:s17+$0x10] =	vst v5  }
0x16b: {  	v4 =	vor.u32 v17, v21;
	v22 =	vld.idx.msk [tilespmem:v22+s20+$0x0], $0xffff;
	[tilespmem:s17+$0x290] =	vst v7  }
0x16c: {  	v6 =	vmov v13;
	v25 =	vor.u32 $0x80, v4;
	[tilespmem:s17+$0x210] =	vst v2;
	v2 =	vld.idx.msk [tilespmem:v14+s20+$0x0], $0xffff  }
0x16d: {  	s4 =	sadd.s32 $0x10, s4;
	v26 =	vor.u32 $0x100, v4;
	v5 =	vmov v15;
	[tilespmem:s17+$0x190] =	vst v3;
	v3 =	vld.idx.msk [tilespmem:v23+s20+$0x0], $0xffff  }
0x16e: {  	s5 =	sor.u32 $0x300, s4;
	v23 =	vor.u32 $0x180, v4;
	v7 =	vmov v16;
	v27 =	vld.idx.msk [tilespmem:v19+s20+$0x0], $0xffff;
	[tilespmem:s17+$0x110] =	vst v8  }
0x16f: {  	s8 =	sand.u32 $0x60, s8;
	s13 =	sand.u32 $0x3C00, s11;
	s4 =	sor.u32 $0x380, s4;
	v19 =	vor.u32 $0x200, v4;
	v17 =	vld.idx.msk [tilespmem:v18+s20+$0x0], $0xffff;
	[tilespmem:s17+$0x90] =	vst v1  }
.Ltmp3:
0x170: {  	s13 =	sor.u32 s8, s13;
	s8 =	smov.u32 s1;
	v21 =	vor.u32 $0x280, v4;
	v1 =	vmov v24;
	v13 =	vld.idx.msk [tilespmem:v4+s20+$0x0], $0xffff;
	[tilespmem:s5+$0x15000] =	vst v9;
	(pc) =	sbr.rel @p0 .LBB2_9-.Ltmp3, $4  }
0x171: {  	s17 =	sadd.s32 $0x15000, s13;
	v8 =	vmov v22;
	v14 =	vld.idx.msk [tilespmem:v25+s20+$0x0], $0xffff;
	[tilespmem:s4+$0x15000] =	vst v0;
	v0 =	vmov v20  }
0x172: {  	v24 =	vshll.u32 v29, $0x3;
	v15 =	vld.idx.msk [tilespmem:v26+s20+$0x0], $0xffff;
	[tilespmem:s17+$0x80] =	vst v30  }
0x173: {  	v22 =	vand.u32 $0x7F, v29;
	v20 =	vor.u32 $0x380, v4;
	v16 =	vld.idx.msk [tilespmem:v23+s20+$0x0], $0xffff;
	v23 =	vand.u32 $0xFFFFFC00, v24;
	[tilespmem:s13+$0x15000] =	vst v28  }
0x174: {  	s12 =	sadd.s32 $0x1, s12;
	s11 =	sadd.s32 $0x100, s11;
	s4 =	smov.u32 s9;
	v9 =	vmov v27;
	v18 =	vld.idx.msk [tilespmem:v19+s20+$0x0], $0xffff;
	v19 =	vor.u32 v22, v23;
	[tilespmem:s17+$0x100] =	vst v31  }
0x175: {  	s0 =	sand.u32 $0x3, s0  }
0x176: {  	[tilespmem:s17+$0x180] =	vst v12;
	s0 =	sshll.u32 s0, $0x5  }
0x177: {  	v22 =	vor.u32 $0x280, v19;
	[tilespmem:s17+$0x200] =	vst v10;
	s0 =	sadd.s32 s0, s7  }
0x178: {  	v12 =	vor.u32 $0x380, v19;
	[tilespmem:s17+$0x280] =	vst v11;
	s1 =	sor.u32 $0x300, s0  }
0x179: {  	v10 =	vld.idx.msk [tilespmem:v21+s20+$0x0], $0xffff;
	v4 =	vor.u32 $0x300, v4;
	s14 =	sor.u32 $0x380, s0;
	[tilespmem:s1+$0x15000] =	vst v17  }
0x17a: {  	v21 =	vor.u32 $0x80, v19;
	v20 =	vld.idx.msk [tilespmem:v20+s20+$0x0], $0xffff;
	[tilespmem:s14+$0x15000] =	vst v6  }
0x17b: {  	v11 =	vor.u32 $0x100, v19;
	v23 =	vld.idx.msk [tilespmem:v19+s20+$0x0], $0xffff;
	[tilespmem:s17+$0x10] =	vst v5  }
0x17c: {  	v17 =	vor.u32 $0x200, v19;
	v22 =	vld.idx.msk [tilespmem:v22+s20+$0x0], $0xffff;
	[tilespmem:s17+$0x290] =	vst v7  }
0x17d: {  	v6 =	vor.u32 $0x180, v19;
	v12 =	vld.idx.msk [tilespmem:v12+s20+$0x0], $0xffff;
	[tilespmem:s17+$0x210] =	vst v2  }
0x17e: {  	v4 =	vld.idx.msk [tilespmem:v4+s20+$0x0], $0xffff;
	v5 =	vor.u32 $0x300, v19;
	[tilespmem:s17+$0x190] =	vst v3  }
0x17f: {  	s0 =	sadd.s32 $0x10, s0;
	v7 =	vld.idx.msk [tilespmem:v21+s20+$0x0], $0xffff;
	[tilespmem:s17+$0x110] =	vst v8  }
0x180: {  	s4 =	sand.u32 $0x60, s8;
	s5 =	sand.u32 $0x3C00, s11;
	s15 =	sor.u32 $0x300, s0;
	v2 =	vld.idx.msk [tilespmem:v11+s20+$0x0], $0xffff;
	[tilespmem:s17+$0x90] =	vst v1  }
0x181: {  	s4 =	sor.u32 s4, s5;
	s0 =	sor.u32 $0x380, s0;
	[tilespmem:s15+$0x15000] =	vst v9;
	v3 =	vld.idx.msk [tilespmem:v17+s20+$0x0], $0xffff  }
0x182: {  	s16 =	sadd.s32 $0x15000, s4;
	[tilespmem:s0+$0x15000] =	vst v0;
	v6 =	vld.idx.msk [tilespmem:v6+s20+$0x0], $0xffff  }
0x183: {  	v1 =	vld.idx.msk [tilespmem:v5+s20+$0x0], $0xffff;
	[tilespmem:s16+$0x80] =	vst v14  }
0x184: {  	[tilespmem:s4+$0x15000] =	vst v13  }
0x185: {  	s17 =	sand.u32 $0x3, s12;
	[tilespmem:s16+$0x100] =	vst v15  }
0x186: {  	s0 =	sshll.u32 s17, $0x5;
	[tilespmem:s16+$0x180] =	vst v16  }
0x187: {  	s0 =	sadd.s32 s0, s11;
	[tilespmem:s16+$0x200] =	vst v18  }
0x188: {  	s18 =	sor.u32 $0x300, s0;
	[tilespmem:s16+$0x280] =	vst v10  }
0x189: {  	s21 =	sor.u32 $0x380, s0;
	[tilespmem:s18+$0x15000] =	vst v4  }
0x18a: {  	[tilespmem:s21+$0x15000] =	vst v20  }
0x18b: {  	[tilespmem:s16+$0x10] =	vst v23  }
0x18c: {  	[tilespmem:s16+$0x290] =	vst v22  }
0x18d: {  	[tilespmem:s16+$0x210] =	vst v3  }
0x18e: {  	[tilespmem:s16+$0x190] =	vst v6  }
0x18f: {  	s0 =	sadd.s32 $0x10, s0;
	[tilespmem:s16+$0x110] =	vst v2  }
0x190: {  	s29 =	sor.u32 $0x300, s0;
	[tilespmem:s16+$0x90] =	vst v7  }
0x191: {  	s0 =	sor.u32 $0x380, s0;
	[tilespmem:s29+$0x15000] =	vst v1  }
0x192: {  	s9 =	simm.s32 $0x0;
	s5 =	sadd.s32 s3, s10;
	[tilespmem:s0+$0x15000] =	vst v12  }
0x193: {  	[hbm4b:s5+s9] =	stream.linear.scatter [tilespmem:s24], [sflag:$0x4], $0x4000, $0x38;
	[tilespmem:$0x19000] =	vst v63  }
0x194: {  	s0 =	sshll.u32 s31, $0x1;
	s7 =	rddreg [dreg:$0xa]  }
0x195: {  	s1 =	sadd.s32 s0, s7  }
0x196: {  	s8 =	rddreg [dreg:$0x0];
	s1 =	sshll.u32 s1, $0xC  }
0x197: {  	s1 =	sadd.s32 s8, s1  }
0x198: {  	[tilespmem:s20], [sflag:$0x2] =	stream.linear.gather [hbm4b:s1+s9], $0x8000, $0x38;
	[tilespmem:$0x19000] =	vst v63  }
0x199: {  	_ =	swait.ge [sflag:s22], $0x8000  }
0x19a: {  	[sflag:s22] =	ssyncset.done $0x0  }
0x19b: {  	[sflag:s22] =	ssyncadd.s32 $0xFFFF8000  }
0x19c: {  	_ =	swait.ge [sflag:s26], $0x4000  }
0x19d: {  	[sflag:s26] =	ssyncset.done $0x0  }
0x19e: {  	[sflag:s26] =	ssyncadd.s32 $0xFFFFC000  }
0x19f: {  	v0 =	vld [tilespmem:s9+$0x0];
	_ =	sdelay $0x4  }
0x1a0: {  	s11 =	sand.u32 $0x60, s9;
	v1 =	vshll.u32 v0, $0x3  }
0x1a1: {  	s12 =	sand.u32 $0x780, s9;
	s13 =	sor.u32 $0x10, s11;
	v0 =	vand.u32 $0x7F, v0;
	v1 =	vand.u32 $0xFFFFFC00, v1  }
0x1a2: {  	s3 =	sor.u32 s13, s12;
	v0 =	vor.u32 v0, v1  }
0x1a3: {  	v1 =	vld [tilespmem:s3+$0x0];
	v2 =	vor.u32 $0x380, v0  }
0x1a4: {  	v3 =	vor.u32 $0x300, v0  }
0x1a5: {  	s14 =	simm.s32 $0x20;
	v4 =	vor.u32 $0x280, v0  }
0x1a6: {  	v6 =	vld [tilespmem:s14+$0x0];
	v5 =	vor.u32 $0x80, v0  }
0x1a7: {  	v7 =	vor.u32 $0x200, v0;
	v9 =	vld.idx.msk [tilespmem:v0+s19+$0x0], $0xffff  }
0x1a8: {  	v8 =	vor.u32 $0x100, v0;
	v12 =	vld.idx.msk [tilespmem:v2+s19+$0x0], $0xffff;
	v2 =	vshll.u32 v1, $0x3  }
0x1a9: {  	v0 =	vor.u32 $0x180, v0;
	v13 =	vld.idx.msk [tilespmem:v3+s19+$0x0], $0xffff;
	v1 =	vand.u32 $0x7F, v1;
	v2 =	vand.u32 $0xFFFFFC00, v2  }
0x1aa: {  	v4 =	vld.idx.msk [tilespmem:v4+s19+$0x0], $0xffff;
	v1 =	vor.u32 v1, v2  }
0x1ab: {  	v5 =	vld.idx.msk [tilespmem:v5+s19+$0x0], $0xffff;
	v2 =	vor.u32 $0x100, v1  }
0x1ac: {  	v10 =	vld.idx.msk [tilespmem:v7+s19+$0x0], $0xffff;
	v3 =	vor.u32 $0x80, v1  }
0x1ad: {  	v8 =	vld.idx.msk [tilespmem:v8+s19+$0x0], $0xffff;
	v7 =	vor.u32 $0x380, v1  }
0x1ae: {  	v14 =	vor.u32 $0x280, v1;
	v0 =	vld.idx.msk [tilespmem:v0+s19+$0x0], $0xffff  }
0x1af: {  	v11 =	vor.u32 $0x200, v1;
	v15 =	vld.idx.msk [tilespmem:v1+s19+$0x0], $0xffff  }
0x1b0: {  	v21 =	vld.idx.msk [tilespmem:v2+s19+$0x0], $0xffff  }
0x1b1: {  	v17 =	vor.u32 $0x300, v1;
	v16 =	vld.idx.msk [tilespmem:v3+s19+$0x0], $0xffff  }
0x1b2: {  	s8 =	sand.u32 $0x60, s14;
	v2 =	vshll.u32 v6, $0x3;
	v3 =	vld.idx.msk [tilespmem:v7+s19+$0x0], $0xffff  }
0x1b3: {  	s15 =	sand.u32 $0x780, s14;
	s3 =	sor.u32 $0x10, s8;
	v1 =	vor.u32 $0x180, v1;
	v6 =	vand.u32 $0x7F, v6;
	v18 =	vld.idx.msk [tilespmem:v14+s19+$0x0], $0xffff;
	v7 =	vand.u32 $0xFFFFFC00, v2  }
0x1b4: {  	s4 =	sor.u32 s3, s15;
	v2 =	vld.idx.msk [tilespmem:v11+s19+$0x0], $0xffff;
	v6 =	vor.u32 v6, v7  }
0x1b5: {  	s16 =	sand.u32 $0x3C00, s9;
	v11 =	vld [tilespmem:s4+$0x0];
	v14 =	vor.u32 $0x380, v6  }
0x1b6: {  	s4 =	sadd.s32 $0x11000, s16;
	s16 =	simm.s32 $0x40;
	v7 =	vld.idx.msk [tilespmem:v17+s19+$0x0], $0xffff;
	v19 =	vor.u32 $0x300, v6  }
0x1b7: {  	s1 =	sor.u32 s11, s4;
	v23 =	vld [tilespmem:s16+$0x0];
	v17 =	vor.u32 $0x280, v6  }
0x1b8: {  	v22 =	vor.u32 $0x80, v6;
	v20 =	vld.idx.msk [tilespmem:v1+s19+$0x0], $0xffff;
	[tilespmem:s1+$0x280] =	vst v4  }
0x1b9: {  	v25 =	vor.u32 $0x100, v6;
	[tilespmem:s1+$0x180] =	vst v0;
	v1 =	vld.idx.msk [tilespmem:v6+s19+$0x0], $0xffff  }
0x1ba: {  	s17 =	sand.u32 $0x3, s9;
	v24 =	vor.u32 $0x200, v6;
	[tilespmem:s1+$0x200] =	vst v10;
	v0 =	vld.idx.msk [tilespmem:v14+s19+$0x0], $0xffff;
	v14 =	vshll.u32 v11, $0x3  }
0x1bb: {  	s5 =	sshll.u32 s17, $0x5;
	[tilespmem:s1+$0x80] =	vst v5;
	v6 =	vor.u32 $0x180, v6;
	v4 =	vld.idx.msk [tilespmem:v19+s19+$0x0], $0xffff;
	v11 =	vand.u32 $0x7F, v11;
	v14 =	vand.u32 $0xFFFFFC00, v14  }
0x1bc: {  	s5 =	sadd.s32 $0x0, s5;
	[tilespmem:s1+$0x100] =	vst v8;
	v10 =	vld.idx.msk [tilespmem:v17+s19+$0x0], $0xffff;
	v17 =	vor.u32 v11, v14  }
0x1bd: {  	s18 =	sor.u32 $0x300, s5;
	[tilespmem:s1+$0x0] =	vst v9;
	v8 =	vld.idx.msk [tilespmem:v22+s19+$0x0], $0xffff;
	v19 =	vor.u32 $0x100, v17  }
0x1be: {  	s21 =	sor.u32 $0x380, s5;
	[tilespmem:s18+$0x11000] =	vst v13;
	v9 =	vld.idx.msk [tilespmem:v25+s19+$0x0], $0xffff;
	v22 =	vor.u32 $0x80, v17  }
0x1bf: {  	s4 =	sor.u32 s13, s4;
	[tilespmem:s21+$0x11000] =	vst v12;
	v11 =	vld.idx.msk [tilespmem:v24+s19+$0x0], $0xffff;
	v13 =	vor.u32 $0x380, v17  }
0x1c0: {  	[tilespmem:s4+$0x280] =	vst v18;
	v14 =	vld.idx.msk [tilespmem:v6+s19+$0x0], $0xffff  }
0x1c1: {  	s12 =	simm.s32 $0x200;
	s5 =	sadd.s32 $0x10, s5;
	[tilespmem:s4+$0x0] =	vst v15;
	v18 =	vor.u32 $0x200, v17;
	v5 =	vld.idx.msk [tilespmem:v17+s19+$0x0], $0xffff  }
0x1c2: {  	s29 =	simm.s32 $0x1;
	s17 =	simm.s32 $0x100;
	s15 =	sor.u32 $0x380, s5;
	[tilespmem:s4+$0x80] =	vst v16;
	v16 =	vor.u32 $0x280, v17;
	v12 =	vld.idx.msk [tilespmem:v19+s19+$0x0], $0xffff  }
0x1c3: {  	s9 =	sand.u32 $0x780, s16;
	s11 =	simm.s32 $0x2;
	s7 =	sand.u32 $0x60, s16;
	[tilespmem:s4+$0x180] =	vst v20;
	v20 =	vshll.u32 v23, $0x3;
	v6 =	vld.idx.msk [tilespmem:v22+s19+$0x0], $0xffff  }
0x1c4: {  	s13 =	sor.u32 $0x300, s5;
	s18 =	sand.u32 $0x3, s29;
	s21 =	simm.s32 $0x60;
	[tilespmem:s4+$0x100] =	vst v21;
	v15 =	vor.u32 $0x180, v17;
	v17 =	vor.u32 $0x300, v17;
	v19 =	vand.u32 $0x7F, v23;
	v13 =	vld.idx.msk [tilespmem:v13+s19+$0x0], $0xffff  }
.LBB2_11:
0x1c5: {  	s14 =	sand.u32 $0x780, s21  }
0x1c6: {  	s1 =	sor.u32 $0x10, s7;
	v20 =	vand.u32 $0xFFFFFC00, v20;
	[tilespmem:s4+$0x200] =	vst v2;
	v2 =	vld.idx.msk [tilespmem:v18+s19+$0x0], $0xffff;
	s29 =	smov.u32 s21;
	s5 =	sadd.s32 $0x20, s21  }
0x1c7: {  	p0 =	sne.s32 s21, $0x7E0;
	s4 =	sand.u32 $0x3, s11;
	s9 =	sor.u32 s1, s9;
	v18 =	vor.u32 v19, v20;
	v19 =	vld.idx.msk [tilespmem:v16+s19+$0x0], $0xffff;
	[tilespmem:s13+$0x11000] =	vst v7  }
0x1c8: {  	s13 =	sand.u32 $0x3C00, s17;
	v16 =	vld [tilespmem:s9+$0x0];
	v20 =	vor.u32 $0x80, v18;
	v21 =	vor.u32 $0x100, v18;
	v22 =	vor.u32 $0x380, v18;
	[tilespmem:s15+$0x11000] =	vst v3;
	s9 =	smov.u32 s14  }
0x1c9: {  	v23 =	vor.u32 $0x180, v18;
	v24 =	vor.u32 $0x200, v18;
	v25 =	vor.u32 $0x300, v18;
	s13 =	sadd.s32 $0x11000, s13;
	v26 =	vmovc v12;
	v7 =	vld.idx.msk [tilespmem:v17+s19+$0x0], $0xffff  }
0x1ca: {  	s16 =	sadd.s32 $0x20, s16;
	v12 =	vor.u32 $0x280, v18;
	s14 =	sor.u32 s8, s13;
	s8 =	smov.u32 s7;
	v27 =	vld.idx.msk [tilespmem:v15+s19+$0x0], $0xffff  }
0x1cb: {  	v3 =	vmov v13;
	v28 =	vld [tilespmem:s16+$0x0];
	[tilespmem:s14+$0x280] =	vst v10  }
0x1cc: {  	v13 =	vld.idx.msk [tilespmem:v18+s19+$0x0], $0xffff;
	[tilespmem:s14+$0x180] =	vst v14  }
0x1cd: {  	v17 =	vld.idx.msk [tilespmem:v22+s19+$0x0], $0xffff;
	v10 =	vshll.u32 v16, $0x3;
	[tilespmem:s14+$0x200] =	vst v11  }
0x1ce: {  	s7 =	sshll.u32 s18, $0x5;
	s18 =	smov.u32 s4;
	v11 =	vand.u32 $0x7F, v16;
	v22 =	vld.idx.msk [tilespmem:v25+s19+$0x0], $0xffff;
	v14 =	vand.u32 $0xFFFFFC00, v10;
	[tilespmem:s14+$0x80] =	vst v8  }
0x1cf: {  	s4 =	sadd.s32 s7, s17;
	s17 =	smov.u32 s12;
	v10 =	vld.idx.msk [tilespmem:v12+s19+$0x0], $0xffff;
	v25 =	vor.u32 v11, v14;
	[tilespmem:s14+$0x100] =	vst v9  }
0x1d0: {  	s7 =	sor.u32 $0x300, s4;
	v8 =	vld.idx.msk [tilespmem:v20+s19+$0x0], $0xffff;
	v20 =	vor.u32 $0x80, v25;
	v12 =	vor.u32 $0x100, v25;
	v29 =	vor.u32 $0x380, v25;
	[tilespmem:s14+$0x0] =	vst v1;
	s14 =	sadd.s32 $0x10, s4  }
0x1d1: {  	v15 =	vor.u32 $0x180, v25;
	v18 =	vor.u32 $0x200, v25;
	v16 =	vor.u32 $0x280, v25;
	s4 =	sor.u32 $0x380, s4;
	v11 =	vld.idx.msk [tilespmem:v24+s19+$0x0], $0xffff;
	[tilespmem:s7+$0x11000] =	vst v4;
	s15 =	sor.u32 $0x380, s14  }
0x1d2: {  	v1 =	vmov v13;
	v9 =	vld.idx.msk [tilespmem:v21+s19+$0x0], $0xffff;
	[tilespmem:s4+$0x11000] =	vst v0;
	s4 =	sor.u32 s3, s13;
	s3 =	smov.u32 s1  }
.Ltmp4:
0x1d3: {  	v0 =	vmov v17;
	v14 =	vld.idx.msk [tilespmem:v23+s19+$0x0], $0xffff;
	[tilespmem:s4+$0x280] =	vst v19;
	(pc) =	sbr.rel @p0 .LBB2_11-.Ltmp4, $4  }
0x1d4: {  	v4 =	vmov v22;
	[tilespmem:s4+$0x0] =	vst v5;
	v5 =	vld.idx.msk [tilespmem:v25+s19+$0x0], $0xffff  }
0x1d5: {  	v12 =	vld.idx.msk [tilespmem:v12+s19+$0x0], $0xffff;
	[tilespmem:s4+$0x80] =	vst v6  }
0x1d6: {  	s11 =	sadd.s32 $0x1, s11;
	s21 =	smov.u32 s5;
	v17 =	vor.u32 $0x300, v25;
	v6 =	vld.idx.msk [tilespmem:v20+s19+$0x0], $0xffff;
	[tilespmem:s4+$0x180] =	vst v27  }
0x1d7: {  	s12 =	sadd.s32 $0x100, s12;
	s7 =	sand.u32 $0x60, s29;
	s13 =	sor.u32 $0x300, s14;
	v19 =	vand.u32 $0x7F, v28;
	v20 =	vshll.u32 v28, $0x3;
	v13 =	vld.idx.msk [tilespmem:v29+s19+$0x0], $0xffff;
	[tilespmem:s4+$0x100] =	vst v26  }
0x1d8: {  	_ =	sdelay $0x2  }
0x1d9: {  	s16 =	sor.u32 $0x10, s7;
	v20 =	vand.u32 $0xFFFFFC00, v20  }
0x1da: {  	v18 =	vld.idx.msk [tilespmem:v18+s19+$0x0], $0xffff;
	s1 =	sor.u32 s16, s9;
	v19 =	vor.u32 v19, v20  }
0x1db: {  	[tilespmem:s4+$0x200] =	vst v2;
	s14 =	sand.u32 $0x3C00, s17;
	v20 =	vld [tilespmem:s1+$0x0];
	v21 =	vor.u32 $0x380, v19  }
0x1dc: {  	v2 =	vld.idx.msk [tilespmem:v16+s19+$0x0], $0xffff;
	[tilespmem:s13+$0x11000] =	vst v7;
	v16 =	vor.u32 $0x300, v19;
	s1 =	sadd.s32 $0x11000, s14  }
0x1dd: {  	v7 =	vld.idx.msk [tilespmem:v17+s19+$0x0], $0xffff;
	v17 =	vor.u32 $0x280, v19;
	[tilespmem:s15+$0x11000] =	vst v3;
	s15 =	sor.u32 s8, s1  }
0x1de: {  	v22 =	vor.u32 $0x80, v19;
	v3 =	vld.idx.msk [tilespmem:v15+s19+$0x0], $0xffff;
	[tilespmem:s15+$0x280] =	vst v10  }
0x1df: {  	v15 =	vor.u32 $0x200, v19;
	[tilespmem:s15+$0x180] =	vst v14;
	v10 =	vld.idx.msk [tilespmem:v19+s19+$0x0], $0xffff  }
0x1e0: {  	v23 =	vor.u32 $0x100, v19;
	[tilespmem:s15+$0x200] =	vst v11;
	v14 =	vld.idx.msk [tilespmem:v21+s19+$0x0], $0xffff;
	v21 =	vshll.u32 v20, $0x3  }
0x1e1: {  	s5 =	sshll.u32 s18, $0x5;
	[tilespmem:s15+$0x80] =	vst v8;
	v19 =	vor.u32 $0x180, v19;
	v11 =	vld.idx.msk [tilespmem:v16+s19+$0x0], $0xffff;
	v16 =	vand.u32 $0x7F, v20;
	v20 =	vand.u32 $0xFFFFFC00, v21  }
0x1e2: {  	s5 =	sadd.s32 s5, s17;
	[tilespmem:s15+$0x100] =	vst v9;
	v8 =	vld.idx.msk [tilespmem:v17+s19+$0x0], $0xffff;
	v16 =	vor.u32 v16, v20  }
0x1e3: {  	s18 =	sor.u32 $0x300, s5;
	[tilespmem:s15+$0x0] =	vst v1;
	v9 =	vld.idx.msk [tilespmem:v22+s19+$0x0], $0xffff;
	v17 =	vor.u32 $0x100, v16  }
0x1e4: {  	s21 =	sor.u32 $0x380, s5;
	[tilespmem:s18+$0x11000] =	vst v4;
	v1 =	vld.idx.msk [tilespmem:v15+s19+$0x0], $0xffff;
	v20 =	vor.u32 $0x80, v16  }
0x1e5: {  	s1 =	sor.u32 s3, s1;
	[tilespmem:s21+$0x11000] =	vst v0;
	v4 =	vld.idx.msk [tilespmem:v23+s19+$0x0], $0xffff;
	v15 =	vor.u32 $0x380, v16  }
0x1e6: {  	[tilespmem:s1+$0x280] =	vst v2;
	v21 =	vor.u32 $0x200, v16;
	v0 =	vld.idx.msk [tilespmem:v19+s19+$0x0], $0xffff  }
0x1e7: {  	[tilespmem:s1+$0x0] =	vst v5;
	v19 =	vor.u32 $0x280, v16;
	v2 =	vld.idx.msk [tilespmem:v16+s19+$0x0], $0xffff  }
0x1e8: {  	[tilespmem:s1+$0x80] =	vst v6;
	v5 =	vld.idx.msk [tilespmem:v17+s19+$0x0], $0xffff;
	v17 =	vor.u32 $0x300, v16  }
0x1e9: {  	[tilespmem:s1+$0x180] =	vst v3;
	v16 =	vor.u32 $0x180, v16;
	v6 =	vld.idx.msk [tilespmem:v20+s19+$0x0], $0xffff  }
0x1ea: {  	s4 =	sadd.s32 $0x10, s5;
	[tilespmem:s1+$0x100] =	vst v12;
	v3 =	vld.idx.msk [tilespmem:v15+s19+$0x0], $0xffff  }
0x1eb: {  	s5 =	sor.u32 $0x300, s4;
	s8 =	sand.u32 $0x3C00, s12;
	[tilespmem:s1+$0x200] =	vst v18;
	v12 =	vld.idx.msk [tilespmem:v21+s19+$0x0], $0xffff  }
0x1ec: {  	s3 =	sor.u32 $0x380, s4;
	s1 =	sadd.s32 $0x11000, s8;
	[tilespmem:s5+$0x11000] =	vst v7;
	v15 =	vld.idx.msk [tilespmem:v19+s19+$0x0], $0xffff  }
0x1ed: {  	s9 =	sor.u32 s7, s1;
	[tilespmem:s3+$0x11000] =	vst v13;
	v7 =	vld.idx.msk [tilespmem:v17+s19+$0x0], $0xffff  }
0x1ee: {  	v13 =	vld.idx.msk [tilespmem:v16+s19+$0x0], $0xffff;
	[tilespmem:s9+$0x280] =	vst v8  }
0x1ef: {  	[tilespmem:s9+$0x180] =	vst v0  }
0x1f0: {  	s11 =	sand.u32 $0x3, s11;
	[tilespmem:s9+$0x200] =	vst v1  }
0x1f1: {  	s4 =	sshll.u32 s11, $0x5;
	[tilespmem:s9+$0x80] =	vst v9  }
0x1f2: {  	s4 =	sadd.s32 s4, s12;
	[tilespmem:s9+$0x100] =	vst v4  }
0x1f3: {  	s13 =	sor.u32 $0x300, s4;
	[tilespmem:s9+$0x0] =	vst v10  }
0x1f4: {  	s14 =	sor.u32 $0x380, s4;
	[tilespmem:s13+$0x11000] =	vst v11  }
0x1f5: {  	s1 =	sor.u32 s16, s1;
	[tilespmem:s14+$0x11000] =	vst v14  }
0x1f6: {  	[tilespmem:s1+$0x280] =	vst v15  }
0x1f7: {  	[tilespmem:s1+$0x0] =	vst v2  }
0x1f8: {  	[tilespmem:s1+$0x80] =	vst v6  }
0x1f9: {  	[tilespmem:s1+$0x100] =	vst v5  }
0x1fa: {  	[tilespmem:s1+$0x200] =	vst v12  }
0x1fb: {  	[tilespmem:s1+$0x180] =	vst v13  }
0x1fc: {  	s15 =	sadd.s32 $0x10, s4;
	s1 =	rddreg [dreg:$0xb]  }
0x1fd: {  	s4 =	sor.u32 $0x300, s15;
	s1 =	sadd.s32 s2, s1  }
0x1fe: {  	s3 =	sor.u32 $0x380, s15;
	[tilespmem:s4+$0x11000] =	vst v7;
	s2 =	sshll.u32 s1, $0x9  }
0x1ff: {  	s14 =	simm.s32 $0x11000;
	[tilespmem:s3+$0x11000] =	vst v3;
	s3 =	simm.s32 $0x0;
	s1 =	sadd.s32 s23, s2  }
0x200: {  	[hbm4b:s1+s3] =	stream.linear.scatter [tilespmem:s14], [sflag:$0x3], $0x4000, $0x38;
	[tilespmem:$0x19000] =	vst v63  }
0x201: {  	_ =	swait.ge [sflag:s28], $0x4000  }
0x202: {  	[sflag:s28] =	ssyncset.done $0x0  }
0x203: {  	s16 =	sand.u32 $0x7E0, s3;
	[sflag:s28] =	ssyncadd.s32 $0xFFFFC000  }
0x204: {  	v0 =	vld [tilespmem:s16+$0x800];
	_ =	sdelay $0x4  }
0x205: {  	v1 =	vshll.u32 v0, $0x3  }
0x206: {  	v0 =	vand.u32 $0x7F, v0;
	v1 =	vand.u32 $0xFFFFFC00, v1  }
0x207: {  	v1 =	vor.u32 v0, v1  }
0x208: {  	s17 =	simm.s32 $0x810;
	v0 =	vor.u32 $0x80, v1  }
0x209: {  	v2 =	vld [tilespmem:s17+$0x0];
	v3 =	vor.u32 $0x100, v1  }
0x20a: {  	s16 =	simm.s32 $0x830;
	v4 =	vor.u32 $0x180, v1  }
0x20b: {  	v19 =	vld [tilespmem:s16+$0x0];
	v5 =	vor.u32 $0x200, v1  }
0x20c: {  	v18 =	vld.idx.msk [tilespmem:v1+s19+$0x0], $0xffff  }
0x20d: {  	v6 =	vor.u32 $0x280, v1;
	v16 =	vld.idx.msk [tilespmem:v0+s19+$0x0], $0xffff  }
0x20e: {  	v17 =	vor.u32 $0x300, v1;
	v22 =	vld.idx.msk [tilespmem:v3+s19+$0x0], $0xffff;
	v0 =	vshll.u32 v2, $0x3  }
0x20f: {  	s8 =	simm.s32 $0x20;
	v12 =	vld.idx.msk [tilespmem:v4+s19+$0x0], $0xffff;
	v3 =	vor.u32 $0x380, v1;
	v2 =	vand.u32 $0x7F, v2;
	v0 =	vand.u32 $0xFFFFFC00, v0  }
0x210: {  	s18 =	sand.u32 $0x7E0, s8;
	v10 =	vld.idx.msk [tilespmem:v5+s19+$0x0], $0xffff;
	v0 =	vor.u32 v2, v0  }
0x211: {  	v4 =	vld [tilespmem:s18+$0x800];
	v2 =	vor.u32 $0x280, v0  }
0x212: {  	v11 =	vld.idx.msk [tilespmem:v6+s19+$0x0], $0xffff;
	v8 =	vor.u32 $0x380, v0  }
0x213: {  	v17 =	vld.idx.msk [tilespmem:v17+s19+$0x0], $0xffff;
	v9 =	vor.u32 $0x80, v0  }
0x214: {  	v13 =	vor.u32 $0x100, v0;
	v6 =	vld.idx.msk [tilespmem:v3+s19+$0x0], $0xffff  }
0x215: {  	v15 =	vor.u32 $0x300, v0;
	v5 =	vld.idx.msk [tilespmem:v0+s19+$0x0], $0xffff  }
0x216: {  	v3 =	vor.u32 $0x200, v0;
	v7 =	vld.idx.msk [tilespmem:v2+s19+$0x0], $0xffff;
	v2 =	vshll.u32 v4, $0x3  }
0x217: {  	v14 =	vor.u32 $0x180, v0;
	v0 =	vld.idx.msk [tilespmem:v8+s19+$0x0], $0xffff;
	v4 =	vand.u32 $0x7F, v4;
	v2 =	vand.u32 $0xFFFFFC00, v2  }
0x218: {  	v1 =	vld.idx.msk [tilespmem:v9+s19+$0x0], $0xffff;
	v4 =	vor.u32 v4, v2  }
0x219: {  	v8 =	vld.idx.msk [tilespmem:v13+s19+$0x0], $0xffff;
	v21 =	vor.u32 $0x100, v4  }
0x21a: {  	v9 =	vld.idx.msk [tilespmem:v15+s19+$0x0], $0xffff;
	v20 =	vor.u32 $0x80, v4  }
0x21b: {  	v2 =	vld.idx.msk [tilespmem:v3+s19+$0x0], $0xffff;
	v23 =	vor.u32 $0x180, v4  }
0x21c: {  	s29 =	smov.u32 s23;
	s21 =	sand.u32 $0x60, s3;
	s23 =	sand.u32 $0x3C00, s3;
	v3 =	vld.idx.msk [tilespmem:v14+s19+$0x0], $0xffff;
	v24 =	vor.u32 $0x200, v4  }
0x21d: {  	s1 =	sor.u32 s21, s23;
	v13 =	vld.idx.msk [tilespmem:v4+s19+$0x0], $0xffff  }
0x21e: {  	s17 =	sadd.s32 $0x15000, s1;
	v15 =	vld.idx.msk [tilespmem:v21+s19+$0x0], $0xffff;
	v21 =	vor.u32 $0x280, v4  }
0x21f: {  	[tilespmem:s17+$0x80] =	vst v16;
	v14 =	vld.idx.msk [tilespmem:v20+s19+$0x0], $0xffff;
	v20 =	vshll.u32 v19, $0x3  }
0x220: {  	s11 =	simm.s32 $0x100;
	[tilespmem:s1+$0x15000] =	vst v18;
	v16 =	vld.idx.msk [tilespmem:v23+s19+$0x0], $0xffff;
	v19 =	vand.u32 $0x7F, v19;
	v23 =	vand.u32 $0xFFFFFC00, v20  }
0x221: {  	s12 =	simm.s32 $0x1;
	s7 =	simm.s32 $0x0;
	s4 =	simm.s32 $0x40;
	[tilespmem:s17+$0x100] =	vst v22;
	v18 =	vld.idx.msk [tilespmem:v24+s19+$0x0], $0xffff;
	v20 =	vor.u32 $0x380, v4;
	v19 =	vor.u32 v19, v23  }
.LBB2_13:
0x222: {  	s5 =	sand.u32 $0x7E0, s4  }
0x223: {  	v21 =	vld.idx.msk [tilespmem:v21+s19+$0x0], $0xffff;
	v22 =	vor.u32 $0x100, v19;
	v23 =	vor.u32 $0x180, v19;
	v24 =	vor.u32 $0x280, v19;
	s16 =	sadd.s32 $0x20, s16;
	[tilespmem:s17+$0x180] =	vst v12;
	s1 =	smov.u32 s4;
	s9 =	sadd.s32 $0x20, s4  }
0x224: {  	p0 =	sne.s32 s4, $0x7E0;
	v26 =	vor.u32 $0x80, v19;
	v27 =	vor.u32 $0x380, v19;
	s4 =	sand.u32 $0x3, s3;
	v28 =	vmov v13;
	s3 =	smov.u32 s12;
	v25 =	vld [tilespmem:s5+$0x800];
	[tilespmem:s17+$0x200] =	vst v10  }
0x225: {  	s4 =	sshll.u32 s4, $0x5;
	v30 =	vmov v14;
	v29 =	vld [tilespmem:s16+$0x0];
	[tilespmem:s17+$0x280] =	vst v11  }
0x226: {  	v14 =	vor.u32 $0x200, v19;
	s4 =	sadd.s32 s4, s7;
	v31 =	vmov v15;
	s7 =	smov.u32 s11;
	v13 =	vld.idx.msk [tilespmem:v20+s19+$0x0], $0xffff  }
0x227: {  	s5 =	sor.u32 $0x300, s4;
	v12 =	vmov v16;
	v15 =	vld.idx.msk [tilespmem:v19+s19+$0x0], $0xffff  }
0x228: {  	v10 =	vmov v18;
	v16 =	vld.idx.msk [tilespmem:v24+s19+$0x0], $0xffff;
	[tilespmem:s5+$0x15000] =	vst v17;
	s5 =	sor.u32 $0x380, s4  }
0x229: {  	v19 =	vor.u32 $0x300, v19;
	v11 =	vmovc v21;
	v17 =	vand.u32 $0x7F, v25;
	v18 =	vshll.u32 v25, $0x3;
	v20 =	vld.idx.msk [tilespmem:v27+s19+$0x0], $0xffff;
	[tilespmem:s5+$0x15000] =	vst v6  }
0x22a: {  	v21 =	vand.u32 $0xFFFFFC00, v18;
	v18 =	vor.u32 $0x300, v4;
	v24 =	vld.idx.msk [tilespmem:v26+s19+$0x0], $0xffff;
	[tilespmem:s17+$0x10] =	vst v5  }
0x22b: {  	v4 =	vor.u32 v17, v21;
	v22 =	vld.idx.msk [tilespmem:v22+s19+$0x0], $0xffff;
	[tilespmem:s17+$0x290] =	vst v7  }
0x22c: {  	v6 =	vmov v13;
	v25 =	vor.u32 $0x80, v4;
	[tilespmem:s17+$0x210] =	vst v2;
	v2 =	vld.idx.msk [tilespmem:v14+s19+$0x0], $0xffff  }
0x22d: {  	s4 =	sadd.s32 $0x10, s4;
	v26 =	vor.u32 $0x100, v4;
	v5 =	vmov v15;
	[tilespmem:s17+$0x190] =	vst v3;
	v3 =	vld.idx.msk [tilespmem:v23+s19+$0x0], $0xffff  }
0x22e: {  	s5 =	sor.u32 $0x300, s4;
	v23 =	vor.u32 $0x180, v4;
	v7 =	vmov v16;
	v27 =	vld.idx.msk [tilespmem:v19+s19+$0x0], $0xffff;
	[tilespmem:s17+$0x110] =	vst v8  }
0x22f: {  	s8 =	sand.u32 $0x60, s8;
	s13 =	sand.u32 $0x3C00, s11;
	s4 =	sor.u32 $0x380, s4;
	v19 =	vor.u32 $0x200, v4;
	v17 =	vld.idx.msk [tilespmem:v18+s19+$0x0], $0xffff;
	[tilespmem:s17+$0x90] =	vst v1  }
.Ltmp5:
0x230: {  	s13 =	sor.u32 s8, s13;
	s8 =	smov.u32 s1;
	v21 =	vor.u32 $0x280, v4;
	v1 =	vmov v24;
	v13 =	vld.idx.msk [tilespmem:v4+s19+$0x0], $0xffff;
	[tilespmem:s5+$0x15000] =	vst v9;
	(pc) =	sbr.rel @p0 .LBB2_13-.Ltmp5, $4  }
0x231: {  	s17 =	sadd.s32 $0x15000, s13;
	v8 =	vmov v22;
	v14 =	vld.idx.msk [tilespmem:v25+s19+$0x0], $0xffff;
	[tilespmem:s4+$0x15000] =	vst v0;
	v0 =	vmov v20  }
0x232: {  	v24 =	vshll.u32 v29, $0x3;
	v15 =	vld.idx.msk [tilespmem:v26+s19+$0x0], $0xffff;
	[tilespmem:s17+$0x80] =	vst v30  }
0x233: {  	v22 =	vand.u32 $0x7F, v29;
	v20 =	vor.u32 $0x380, v4;
	v16 =	vld.idx.msk [tilespmem:v23+s19+$0x0], $0xffff;
	v23 =	vand.u32 $0xFFFFFC00, v24;
	[tilespmem:s13+$0x15000] =	vst v28  }
0x234: {  	s12 =	sadd.s32 $0x1, s12;
	s11 =	sadd.s32 $0x100, s11;
	s4 =	smov.u32 s9;
	v9 =	vmov v27;
	v18 =	vld.idx.msk [tilespmem:v19+s19+$0x0], $0xffff;
	v19 =	vor.u32 v22, v23;
	[tilespmem:s17+$0x100] =	vst v31  }
0x235: {  	_ =	sdelay $0x1  }
0x236: {  	v22 =	vor.u32 $0x280, v19  }
0x237: {  	v53 =	vor.u32 $0x380, v19  }
0x238: {  	v54 =	vld.idx.msk [tilespmem:v21+s19+$0x0], $0xffff;
	v55 =	vor.u32 $0x80, v19  }
0x239: {  	v56 =	vor.u32 $0x100, v19;
	v20 =	vld.idx.msk [tilespmem:v20+s19+$0x0], $0xffff  }
0x23a: {  	v57 =	vor.u32 $0x200, v19;
	v23 =	vld.idx.msk [tilespmem:v19+s19+$0x0], $0xffff  }
0x23b: {  	s1 =	sand.u32 $0x3, s3;
	v58 =	vor.u32 $0x180, v19;
	v22 =	vld.idx.msk [tilespmem:v22+s19+$0x0], $0xffff  }
0x23c: {  	[tilespmem:s17+$0x180] =	vst v12;
	v59 =	vor.u32 $0x300, v19;
	s1 =	sshll.u32 s1, $0x5;
	v12 =	vld.idx.msk [tilespmem:v53+s19+$0x0], $0xffff  }
0x23d: {  	[tilespmem:s17+$0x200] =	vst v10;
	v4 =	vor.u32 $0x300, v4;
	s1 =	sadd.s32 s1, s7;
	v60 =	vld.idx.msk [tilespmem:v55+s19+$0x0], $0xffff  }
0x23e: {  	[tilespmem:s17+$0x280] =	vst v11;
	s7 =	sor.u32 $0x300, s1;
	v61 =	vld.idx.msk [tilespmem:v56+s19+$0x0], $0xffff  }
0x23f: {  	s4 =	sand.u32 $0x60, s8;
	s5 =	sand.u32 $0x3C00, s11;
	s9 =	sor.u32 $0x380, s1;
	[tilespmem:s7+$0x15000] =	vst v17;
	v62 =	vld.idx.msk [tilespmem:v57+s19+$0x0], $0xffff  }
0x240: {  	s4 =	sor.u32 s4, s5;
	[tilespmem:s9+$0x15000] =	vst v6;
	v6 =	vld.idx.msk [tilespmem:v58+s19+$0x0], $0xffff  }
0x241: {  	s15 =	sadd.s32 $0x15000, s4;
	v63 =	vld.idx.msk [tilespmem:v59+s19+$0x0], $0xffff  }
0x242: {  	v4 =	vld.idx.msk [tilespmem:v4+s19+$0x0], $0xffff;
	[tilespmem:s15+$0x80] =	vst v14  }
0x243: {  	[tilespmem:s17+$0x10] =	vst v5  }
0x244: {  	[tilespmem:s17+$0x290] =	vst v7  }
0x245: {  	[tilespmem:s17+$0x210] =	vst v2  }
0x246: {  	[tilespmem:s17+$0x190] =	vst v3  }
0x247: {  	[tilespmem:s17+$0x110] =	vst v8  }
0x248: {  	s1 =	sadd.s32 $0x10, s1;
	[tilespmem:s17+$0x90] =	vst v1  }
0x249: {  	s13 =	sor.u32 $0x300, s1;
	[tilespmem:s4+$0x15000] =	vst v13  }
0x24a: {  	[tilespmem:s13+$0x15000] =	vst v9  }
0x24b: {  	[tilespmem:s15+$0x100] =	vst v15  }
0x24c: {  	s16 =	sand.u32 $0x3, s12;
	s1 =	sor.u32 $0x380, s1;
	[tilespmem:s15+$0x180] =	vst v16  }
0x24d: {  	[tilespmem:s1+$0x15000] =	vst v0;
	s1 =	sshll.u32 s16, $0x5  }
0x24e: {  	[tilespmem:s15+$0x200] =	vst v18;
	s1 =	sadd.s32 s1, s11  }
0x24f: {  	[tilespmem:s15+$0x280] =	vst v54;
	s17 =	sor.u32 $0x300, s1  }
0x250: {  	s18 =	sor.u32 $0x380, s1;
	[tilespmem:s17+$0x15000] =	vst v4  }
0x251: {  	[tilespmem:s18+$0x15000] =	vst v20  }
0x252: {  	[tilespmem:s15+$0x10] =	vst v23  }
0x253: {  	[tilespmem:s15+$0x290] =	vst v22  }
0x254: {  	[tilespmem:s15+$0x210] =	vst v62  }
0x255: {  	p0 =	seq.s32 s31, $0x6;
	[tilespmem:s15+$0x190] =	vst v6  }
.Ltmp6:
0x256: {  	s1 =	sadd.s32 $0x10, s1;
	[tilespmem:s15+$0x110] =	vst v61;
	(pc) =	sbr.rel @p0 .LBB2_16-.Ltmp6, $4  }
0x257: {  	s21 =	sor.u32 $0x300, s1;
	[tilespmem:s15+$0x90] =	vst v60  }
0x258: {  	s1 =	sor.u32 $0x380, s1;
	[tilespmem:s21+$0x15000] =	vst v63  }
0x259: {  	s23 =	sadd.s32 s2, s10;
	[tilespmem:s1+$0x15000] =	vst v12  }
0x25a: {  	[hbm4b:s23+s6] =	stream.linear.scatter [tilespmem:s24], [sflag:$0x4], $0x4000, $0x38;
	[tilespmem:$0x19000] =	vst v63  }
0x25b: {  	s1 =	rddreg [dreg:$0xc]  }
.Ltmp7:
0x25c: {  	s0 =	sadd.s32 s0, s1;
	(pc) =	sbr.rel .LBB2_6-.Ltmp7, $4  }
0x25d: {  	s0 =	sshll.u32 s0, $0xC  }
0x25e: {  	s23 =	rddreg [dreg:$0x0];
	s0 =	sand.u32 $0x1FFFE000, s0  }
0x25f: {  	s31 =	sadd.s32 $0x1, s31;
	s0 =	sadd.s32 s23, s0  }
0x260: {  	[tilespmem:s19], [sflag:$0x1] =	stream.linear.gather [hbm4b:s0+s6], $0x8000, $0x38;
	[tilespmem:$0x19000] =	vst v63  }
.LBB2_16:
0x261: {  	_ =	swait.ge [sflag:s25], $0x8000  }
0x262: {  	[sflag:s25] =	ssyncset.done $0x0  }
0x263: {  	[sflag:s25] =	ssyncadd.s32 $0xFFFF8000  }
0x264: {  	_ =	swait.ge [sflag:s26], $0x4000  }
0x265: {  	[sflag:s26] =	ssyncset.done $0x0  }
0x266: {  	s1 =	simm.s32 $0x0;
	[sflag:s26] =	ssyncadd.s32 $0xFFFFC000  }
0x267: {  	v0 =	vld [tilespmem:s1+$0x0];
	_ =	sdelay $0x4  }
0x268: {  	s4 =	sand.u32 $0x60, s1;
	v1 =	vshll.u32 v0, $0x3  }
0x269: {  	s0 =	sand.u32 $0x780, s1;
	s3 =	sor.u32 $0x10, s4;
	v0 =	vand.u32 $0x7F, v0;
	v1 =	vand.u32 $0xFFFFFC00, v1  }
0x26a: {  	s0 =	sor.u32 s3, s0;
	v0 =	vor.u32 v0, v1  }
0x26b: {  	v1 =	vld [tilespmem:s0+$0x0];
	v2 =	vor.u32 $0x380, v0;
	_ =	sdelay $0x1  }
0x26c: {  	s17 =	simm.s32 $0x20;
	v3 =	vor.u32 $0x300, v0  }
0x26d: {  	s11 =	simm.s32 $0x40;
	v6 =	vld [tilespmem:s17+$0x0];
	v4 =	vor.u32 $0x280, v0  }
0x26e: {  	v23 =	vld [tilespmem:s11+$0x0];
	v5 =	vor.u32 $0x80, v0  }
0x26f: {  	v7 =	vor.u32 $0x200, v0;
	v8 =	vor.u32 $0x100, v0;
	v12 =	vld.idx.msk [tilespmem:v2+s20+$0x0], $0xffff;
	v2 =	vshll.u32 v1, $0x3  }
0x270: {  	v9 =	vld.idx.msk [tilespmem:v0+s20+$0x0], $0xffff;
	v0 =	vor.u32 $0x180, v0;
	v1 =	vand.u32 $0x7F, v1;
	v2 =	vand.u32 $0xFFFFFC00, v2  }
0x271: {  	v13 =	vld.idx.msk [tilespmem:v3+s20+$0x0], $0xffff;
	v1 =	vor.u32 v1, v2  }
0x272: {  	v4 =	vld.idx.msk [tilespmem:v4+s20+$0x0], $0xffff;
	v2 =	vor.u32 $0x100, v1  }
0x273: {  	v5 =	vld.idx.msk [tilespmem:v5+s20+$0x0], $0xffff;
	v3 =	vor.u32 $0x80, v1  }
0x274: {  	v10 =	vld.idx.msk [tilespmem:v7+s20+$0x0], $0xffff;
	v7 =	vor.u32 $0x380, v1  }
0x275: {  	v14 =	vor.u32 $0x280, v1;
	v0 =	vld.idx.msk [tilespmem:v0+s20+$0x0], $0xffff  }
0x276: {  	v11 =	vor.u32 $0x200, v1;
	v15 =	vld.idx.msk [tilespmem:v1+s20+$0x0], $0xffff  }
0x277: {  	v21 =	vld.idx.msk [tilespmem:v2+s20+$0x0], $0xffff  }
0x278: {  	v16 =	vld.idx.msk [tilespmem:v3+s20+$0x0], $0xffff  }
0x279: {  	s2 =	sand.u32 $0x60, s17;
	v17 =	vor.u32 $0x300, v1;
	v2 =	vshll.u32 v6, $0x3;
	v3 =	vld.idx.msk [tilespmem:v7+s20+$0x0], $0xffff  }
0x27a: {  	s5 =	sand.u32 $0x780, s17;
	s0 =	sor.u32 $0x10, s2;
	v1 =	vor.u32 $0x180, v1;
	v6 =	vand.u32 $0x7F, v6;
	v18 =	vld.idx.msk [tilespmem:v14+s20+$0x0], $0xffff;
	v7 =	vand.u32 $0xFFFFFC00, v2  }
0x27b: {  	s5 =	sor.u32 s0, s5;
	v2 =	vld.idx.msk [tilespmem:v11+s20+$0x0], $0xffff;
	v6 =	vor.u32 v6, v7  }
0x27c: {  	s18 =	sand.u32 $0x3C00, s1;
	v11 =	vld [tilespmem:s5+$0x0];
	v14 =	vor.u32 $0x380, v6  }
0x27d: {  	v8 =	vld.idx.msk [tilespmem:v8+s20+$0x0], $0xffff;
	s5 =	sadd.s32 $0x11000, s18;
	v19 =	vor.u32 $0x300, v6  }
0x27e: {  	v7 =	vld.idx.msk [tilespmem:v17+s20+$0x0], $0xffff;
	s4 =	sor.u32 s4, s5;
	v17 =	vor.u32 $0x280, v6  }
0x27f: {  	v22 =	vor.u32 $0x80, v6;
	v20 =	vld.idx.msk [tilespmem:v1+s20+$0x0], $0xffff;
	[tilespmem:s4+$0x280] =	vst v4  }
0x280: {  	v25 =	vor.u32 $0x100, v6;
	[tilespmem:s4+$0x180] =	vst v0;
	v1 =	vld.idx.msk [tilespmem:v6+s20+$0x0], $0xffff  }
0x281: {  	s1 =	sand.u32 $0x3, s1;
	v24 =	vor.u32 $0x200, v6;
	[tilespmem:s4+$0x200] =	vst v10;
	v0 =	vld.idx.msk [tilespmem:v14+s20+$0x0], $0xffff;
	v14 =	vshll.u32 v11, $0x3  }
0x282: {  	s1 =	sshll.u32 s1, $0x5;
	[tilespmem:s4+$0x80] =	vst v5;
	v6 =	vor.u32 $0x180, v6;
	v4 =	vld.idx.msk [tilespmem:v19+s20+$0x0], $0xffff;
	v11 =	vand.u32 $0x7F, v11;
	v14 =	vand.u32 $0xFFFFFC00, v14  }
0x283: {  	s1 =	sadd.s32 $0x0, s1;
	[tilespmem:s4+$0x100] =	vst v8;
	v10 =	vld.idx.msk [tilespmem:v17+s20+$0x0], $0xffff;
	v17 =	vor.u32 v11, v14  }
0x284: {  	s21 =	sor.u32 $0x300, s1;
	[tilespmem:s4+$0x0] =	vst v9;
	v8 =	vld.idx.msk [tilespmem:v22+s20+$0x0], $0xffff;
	v19 =	vor.u32 $0x100, v17  }
0x285: {  	s23 =	sor.u32 $0x380, s1;
	[tilespmem:s21+$0x11000] =	vst v13;
	v9 =	vld.idx.msk [tilespmem:v25+s20+$0x0], $0xffff;
	v22 =	vor.u32 $0x80, v17  }
0x286: {  	s4 =	sor.u32 s3, s5;
	[tilespmem:s23+$0x11000] =	vst v12;
	v11 =	vld.idx.msk [tilespmem:v24+s20+$0x0], $0xffff;
	v13 =	vor.u32 $0x380, v17  }
0x287: {  	[tilespmem:s4+$0x280] =	vst v18;
	v14 =	vld.idx.msk [tilespmem:v6+s20+$0x0], $0xffff  }
0x288: {  	s31 =	simm.s32 $0x1;
	s12 =	simm.s32 $0x100;
	[tilespmem:s4+$0x0] =	vst v15;
	v18 =	vor.u32 $0x200, v17;
	v5 =	vld.idx.msk [tilespmem:v17+s20+$0x0], $0xffff  }
0x289: {  	s8 =	simm.s32 $0x200;
	s9 =	sand.u32 $0x780, s11;
	s1 =	sadd.s32 $0x10, s1;
	[tilespmem:s4+$0x80] =	vst v16;
	v16 =	vor.u32 $0x280, v17;
	v12 =	vld.idx.msk [tilespmem:v19+s20+$0x0], $0xffff  }
0x28a: {  	s16 =	sand.u32 $0x3, s31;
	s7 =	sand.u32 $0x60, s11;
	s15 =	sor.u32 $0x380, s1;
	[tilespmem:s4+$0x180] =	vst v20;
	v20 =	vshll.u32 v23, $0x3;
	v6 =	vld.idx.msk [tilespmem:v22+s20+$0x0], $0xffff  }
0x28b: {  	s13 =	sor.u32 $0x300, s1;
	s5 =	simm.s32 $0x60;
	s3 =	simm.s32 $0x2;
	[tilespmem:s4+$0x100] =	vst v21;
	v15 =	vor.u32 $0x180, v17;
	v17 =	vor.u32 $0x300, v17;
	v19 =	vand.u32 $0x7F, v23;
	v13 =	vld.idx.msk [tilespmem:v13+s20+$0x0], $0xffff  }
.LBB2_17:
0x28c: {  	s14 =	sand.u32 $0x780, s5  }
0x28d: {  	s1 =	sor.u32 $0x10, s7;
	v20 =	vand.u32 $0xFFFFFC00, v20;
	[tilespmem:s4+$0x200] =	vst v2;
	v2 =	vld.idx.msk [tilespmem:v18+s20+$0x0], $0xffff;
	s18 =	smov.u32 s5;
	s17 =	sadd.s32 $0x20, s5  }
0x28e: {  	p0 =	sne.s32 s5, $0x7E0;
	s4 =	sand.u32 $0x3, s3;
	s5 =	sor.u32 s1, s9;
	v18 =	vor.u32 v19, v20;
	v19 =	vld.idx.msk [tilespmem:v16+s20+$0x0], $0xffff;
	[tilespmem:s13+$0x11000] =	vst v7  }
0x28f: {  	s9 =	smov.u32 s14;
	v16 =	vld [tilespmem:s5+$0x0];
	v20 =	vor.u32 $0x80, v18;
	v21 =	vor.u32 $0x100, v18;
	v22 =	vor.u32 $0x380, v18;
	s5 =	sand.u32 $0x3C00, s12;
	[tilespmem:s15+$0x11000] =	vst v3  }
0x290: {  	v23 =	vor.u32 $0x180, v18;
	v24 =	vor.u32 $0x200, v18;
	v25 =	vor.u32 $0x300, v18;
	v26 =	vmovc v12;
	v7 =	vld.idx.msk [tilespmem:v17+s20+$0x0], $0xffff;
	s5 =	sadd.s32 $0x11000, s5  }
0x291: {  	s11 =	sadd.s32 $0x20, s11;
	v12 =	vor.u32 $0x280, v18;
	v27 =	vld.idx.msk [tilespmem:v15+s20+$0x0], $0xffff;
	s13 =	sor.u32 s2, s5;
	s2 =	smov.u32 s7  }
0x292: {  	v3 =	vmov v13;
	v28 =	vld [tilespmem:s11+$0x0];
	[tilespmem:s13+$0x280] =	vst v10  }
0x293: {  	v13 =	vld.idx.msk [tilespmem:v18+s20+$0x0], $0xffff;
	[tilespmem:s13+$0x180] =	vst v14  }
0x294: {  	v17 =	vld.idx.msk [tilespmem:v22+s20+$0x0], $0xffff;
	v10 =	vshll.u32 v16, $0x3;
	[tilespmem:s13+$0x200] =	vst v11  }
0x295: {  	s7 =	sshll.u32 s16, $0x5;
	s16 =	smov.u32 s4;
	v11 =	vand.u32 $0x7F, v16;
	v22 =	vld.idx.msk [tilespmem:v25+s20+$0x0], $0xffff;
	v14 =	vand.u32 $0xFFFFFC00, v10;
	[tilespmem:s13+$0x80] =	vst v8  }
0x296: {  	s4 =	sadd.s32 s7, s12;
	s12 =	smov.u32 s8;
	v10 =	vld.idx.msk [tilespmem:v12+s20+$0x0], $0xffff;
	v25 =	vor.u32 v11, v14;
	[tilespmem:s13+$0x100] =	vst v9  }
0x297: {  	s7 =	sor.u32 $0x300, s4;
	v8 =	vld.idx.msk [tilespmem:v20+s20+$0x0], $0xffff;
	v20 =	vor.u32 $0x80, v25;
	v12 =	vor.u32 $0x100, v25;
	v29 =	vor.u32 $0x380, v25;
	[tilespmem:s13+$0x0] =	vst v1;
	s13 =	sadd.s32 $0x10, s4  }
0x298: {  	v15 =	vor.u32 $0x180, v25;
	v18 =	vor.u32 $0x200, v25;
	v16 =	vor.u32 $0x280, v25;
	s4 =	sor.u32 $0x380, s4;
	v11 =	vld.idx.msk [tilespmem:v24+s20+$0x0], $0xffff;
	[tilespmem:s7+$0x11000] =	vst v4;
	s15 =	sor.u32 $0x380, s13  }
0x299: {  	v1 =	vmov v13;
	v9 =	vld.idx.msk [tilespmem:v21+s20+$0x0], $0xffff;
	[tilespmem:s4+$0x11000] =	vst v0;
	s4 =	sor.u32 s0, s5;
	s0 =	smov.u32 s1  }
.Ltmp8:
0x29a: {  	v0 =	vmov v17;
	v14 =	vld.idx.msk [tilespmem:v23+s20+$0x0], $0xffff;
	[tilespmem:s4+$0x280] =	vst v19;
	(pc) =	sbr.rel @p0 .LBB2_17-.Ltmp8, $4  }
0x29b: {  	v4 =	vmov v22;
	[tilespmem:s4+$0x0] =	vst v5;
	v5 =	vld.idx.msk [tilespmem:v25+s20+$0x0], $0xffff  }
0x29c: {  	v12 =	vld.idx.msk [tilespmem:v12+s20+$0x0], $0xffff;
	[tilespmem:s4+$0x80] =	vst v6  }
0x29d: {  	s3 =	sadd.s32 $0x1, s3;
	s8 =	sadd.s32 $0x100, s8;
	v17 =	vor.u32 $0x300, v25;
	v6 =	vld.idx.msk [tilespmem:v20+s20+$0x0], $0xffff;
	[tilespmem:s4+$0x180] =	vst v27  }
0x29e: {  	s7 =	sand.u32 $0x60, s18;
	s13 =	sor.u32 $0x300, s13;
	s5 =	smov.u32 s17;
	v19 =	vand.u32 $0x7F, v28;
	v20 =	vshll.u32 v28, $0x3;
	v13 =	vld.idx.msk [tilespmem:v29+s20+$0x0], $0xffff;
	[tilespmem:s4+$0x100] =	vst v26  }
0x29f: {  	_ =	sdelay $0x2  }
0x2a0: {  	s11 =	sor.u32 $0x10, s7;
	v20 =	vand.u32 $0xFFFFFC00, v20  }
0x2a1: {  	v18 =	vld.idx.msk [tilespmem:v18+s20+$0x0], $0xffff;
	s1 =	sor.u32 s11, s9;
	v19 =	vor.u32 v19, v20  }
0x2a2: {  	[tilespmem:s4+$0x200] =	vst v2;
	s18 =	sand.u32 $0x3C00, s12;
	v20 =	vld [tilespmem:s1+$0x0];
	v21 =	vor.u32 $0x380, v19  }
0x2a3: {  	v2 =	vld.idx.msk [tilespmem:v16+s20+$0x0], $0xffff;
	[tilespmem:s13+$0x11000] =	vst v7;
	v16 =	vor.u32 $0x300, v19;
	s1 =	sadd.s32 $0x11000, s18  }
0x2a4: {  	v7 =	vld.idx.msk [tilespmem:v17+s20+$0x0], $0xffff;
	v17 =	vor.u32 $0x280, v19;
	[tilespmem:s15+$0x11000] =	vst v3;
	s2 =	sor.u32 s2, s1  }
0x2a5: {  	v22 =	vor.u32 $0x80, v19;
	v3 =	vld.idx.msk [tilespmem:v15+s20+$0x0], $0xffff;
	[tilespmem:s2+$0x280] =	vst v10  }
0x2a6: {  	v15 =	vor.u32 $0x200, v19;
	[tilespmem:s2+$0x180] =	vst v14;
	v10 =	vld.idx.msk [tilespmem:v19+s20+$0x0], $0xffff  }
0x2a7: {  	v23 =	vor.u32 $0x100, v19;
	[tilespmem:s2+$0x200] =	vst v11;
	v14 =	vld.idx.msk [tilespmem:v21+s20+$0x0], $0xffff;
	v21 =	vshll.u32 v20, $0x3  }
0x2a8: {  	s21 =	sshll.u32 s16, $0x5;
	[tilespmem:s2+$0x80] =	vst v8;
	v19 =	vor.u32 $0x180, v19;
	v11 =	vld.idx.msk [tilespmem:v16+s20+$0x0], $0xffff;
	v16 =	vand.u32 $0x7F, v20;
	v20 =	vand.u32 $0xFFFFFC00, v21  }
0x2a9: {  	s4 =	sadd.s32 s21, s12;
	[tilespmem:s2+$0x100] =	vst v9;
	v8 =	vld.idx.msk [tilespmem:v17+s20+$0x0], $0xffff;
	v16 =	vor.u32 v16, v20  }
0x2aa: {  	s23 =	sor.u32 $0x300, s4;
	[tilespmem:s2+$0x0] =	vst v1;
	v9 =	vld.idx.msk [tilespmem:v22+s20+$0x0], $0xffff;
	v17 =	vor.u32 $0x100, v16  }
0x2ab: {  	s31 =	sor.u32 $0x380, s4;
	[tilespmem:s23+$0x11000] =	vst v4;
	v1 =	vld.idx.msk [tilespmem:v15+s20+$0x0], $0xffff;
	v20 =	vor.u32 $0x80, v16  }
0x2ac: {  	s0 =	sor.u32 s0, s1;
	[tilespmem:s31+$0x11000] =	vst v0;
	v4 =	vld.idx.msk [tilespmem:v23+s20+$0x0], $0xffff;
	v15 =	vor.u32 $0x380, v16  }
0x2ad: {  	[tilespmem:s0+$0x280] =	vst v2;
	v21 =	vor.u32 $0x200, v16;
	v0 =	vld.idx.msk [tilespmem:v19+s20+$0x0], $0xffff  }
0x2ae: {  	[tilespmem:s0+$0x0] =	vst v5;
	v19 =	vor.u32 $0x280, v16;
	v2 =	vld.idx.msk [tilespmem:v16+s20+$0x0], $0xffff  }
0x2af: {  	[tilespmem:s0+$0x80] =	vst v6;
	v5 =	vld.idx.msk [tilespmem:v17+s20+$0x0], $0xffff;
	v17 =	vor.u32 $0x300, v16  }
0x2b0: {  	[tilespmem:s0+$0x180] =	vst v3;
	v16 =	vor.u32 $0x180, v16;
	v6 =	vld.idx.msk [tilespmem:v20+s20+$0x0], $0xffff  }
0x2b1: {  	s2 =	sadd.s32 $0x10, s4;
	[tilespmem:s0+$0x100] =	vst v12;
	v3 =	vld.idx.msk [tilespmem:v15+s20+$0x0], $0xffff  }
0x2b2: {  	s5 =	sand.u32 $0x3C00, s8;
	s4 =	sor.u32 $0x300, s2;
	[tilespmem:s0+$0x200] =	vst v18;
	v12 =	vld.idx.msk [tilespmem:v21+s20+$0x0], $0xffff  }
0x2b3: {  	s1 =	sor.u32 $0x380, s2;
	s0 =	sadd.s32 $0x11000, s5;
	[tilespmem:s4+$0x11000] =	vst v7;
	v15 =	vld.idx.msk [tilespmem:v19+s20+$0x0], $0xffff  }
0x2b4: {  	s7 =	sor.u32 s7, s0;
	[tilespmem:s1+$0x11000] =	vst v13;
	v7 =	vld.idx.msk [tilespmem:v17+s20+$0x0], $0xffff  }
0x2b5: {  	v13 =	vld.idx.msk [tilespmem:v16+s20+$0x0], $0xffff;
	[tilespmem:s7+$0x280] =	vst v8  }
0x2b6: {  	[tilespmem:s7+$0x180] =	vst v0  }
0x2b7: {  	s9 =	sand.u32 $0x3, s3;
	[tilespmem:s7+$0x200] =	vst v1  }
0x2b8: {  	s2 =	sshll.u32 s9, $0x5;
	[tilespmem:s7+$0x80] =	vst v9  }
0x2b9: {  	s2 =	sadd.s32 s2, s8;
	[tilespmem:s7+$0x100] =	vst v4  }
0x2ba: {  	s12 =	sor.u32 $0x300, s2;
	[tilespmem:s7+$0x0] =	vst v10  }
0x2bb: {  	s13 =	sor.u32 $0x380, s2;
	[tilespmem:s12+$0x11000] =	vst v11  }
0x2bc: {  	s0 =	sor.u32 s11, s0;
	[tilespmem:s13+$0x11000] =	vst v14  }
0x2bd: {  	[tilespmem:s0+$0x280] =	vst v15  }
0x2be: {  	[tilespmem:s0+$0x0] =	vst v2  }
0x2bf: {  	[tilespmem:s0+$0x80] =	vst v6  }
0x2c0: {  	[tilespmem:s0+$0x100] =	vst v5  }
0x2c1: {  	s14 =	sadd.s32 $0x10, s2;
	[tilespmem:s0+$0x200] =	vst v12  }
0x2c2: {  	s2 =	sor.u32 $0x300, s14;
	[tilespmem:s0+$0x180] =	vst v13  }
0x2c3: {  	s15 =	sor.u32 $0x380, s14;
	[tilespmem:s2+$0x11000] =	vst v7  }
0x2c4: {  	[tilespmem:s15+$0x11000] =	vst v3  }
0x2c5: {  	s14 =	simm.s32 $0x11000;
	s0 =	simm.s32 $0x0;
	s16 =	rddreg [dreg:$0xd]  }
0x2c6: {  	[hbm4b:s16+s0] =	stream.linear.scatter [tilespmem:s14], [sflag:$0x3], $0x4000, $0x38;
	[tilespmem:$0x19000] =	vst v63  }
0x2c7: {  	_ =	swait.ge [sflag:s28], $0x4000  }
0x2c8: {  	[sflag:s28] =	ssyncset.done $0x0  }
0x2c9: {  	s17 =	sand.u32 $0x7E0, s0;
	[sflag:s28] =	ssyncadd.s32 $0xFFFFC000  }
0x2ca: {  	v0 =	vld [tilespmem:s17+$0x800];
	_ =	sdelay $0x4  }
0x2cb: {  	v1 =	vshll.u32 v0, $0x3  }
0x2cc: {  	v0 =	vand.u32 $0x7F, v0;
	v1 =	vand.u32 $0xFFFFFC00, v1  }
0x2cd: {  	v1 =	vor.u32 v0, v1  }
0x2ce: {  	s18 =	simm.s32 $0x810;
	v0 =	vor.u32 $0x80, v1  }
0x2cf: {  	v2 =	vld [tilespmem:s18+$0x0];
	v3 =	vor.u32 $0x100, v1  }
0x2d0: {  	s11 =	simm.s32 $0x830;
	v4 =	vor.u32 $0x180, v1  }
0x2d1: {  	v19 =	vld [tilespmem:s11+$0x0];
	v5 =	vor.u32 $0x200, v1  }
0x2d2: {  	v18 =	vld.idx.msk [tilespmem:v1+s20+$0x0], $0xffff  }
0x2d3: {  	v6 =	vor.u32 $0x280, v1;
	v16 =	vld.idx.msk [tilespmem:v0+s20+$0x0], $0xffff  }
0x2d4: {  	v17 =	vor.u32 $0x300, v1;
	v22 =	vld.idx.msk [tilespmem:v3+s20+$0x0], $0xffff;
	v0 =	vshll.u32 v2, $0x3  }
0x2d5: {  	s2 =	simm.s32 $0x20;
	v12 =	vld.idx.msk [tilespmem:v4+s20+$0x0], $0xffff;
	v3 =	vor.u32 $0x380, v1;
	v2 =	vand.u32 $0x7F, v2;
	v0 =	vand.u32 $0xFFFFFC00, v0  }
0x2d6: {  	s21 =	sand.u32 $0x7E0, s2;
	v10 =	vld.idx.msk [tilespmem:v5+s20+$0x0], $0xffff;
	v0 =	vor.u32 v2, v0  }
0x2d7: {  	v4 =	vld [tilespmem:s21+$0x800];
	v2 =	vor.u32 $0x280, v0  }
0x2d8: {  	v11 =	vld.idx.msk [tilespmem:v6+s20+$0x0], $0xffff;
	v8 =	vor.u32 $0x380, v0  }
0x2d9: {  	v17 =	vld.idx.msk [tilespmem:v17+s20+$0x0], $0xffff;
	v9 =	vor.u32 $0x80, v0  }
0x2da: {  	v13 =	vor.u32 $0x100, v0;
	v6 =	vld.idx.msk [tilespmem:v3+s20+$0x0], $0xffff  }
0x2db: {  	v15 =	vor.u32 $0x300, v0;
	v5 =	vld.idx.msk [tilespmem:v0+s20+$0x0], $0xffff  }
0x2dc: {  	v3 =	vor.u32 $0x200, v0;
	v7 =	vld.idx.msk [tilespmem:v2+s20+$0x0], $0xffff;
	v2 =	vshll.u32 v4, $0x3  }
0x2dd: {  	v14 =	vor.u32 $0x180, v0;
	v0 =	vld.idx.msk [tilespmem:v8+s20+$0x0], $0xffff;
	v4 =	vand.u32 $0x7F, v4;
	v2 =	vand.u32 $0xFFFFFC00, v2  }
0x2de: {  	v1 =	vld.idx.msk [tilespmem:v9+s20+$0x0], $0xffff;
	v4 =	vor.u32 v4, v2  }
0x2df: {  	v8 =	vld.idx.msk [tilespmem:v13+s20+$0x0], $0xffff;
	v21 =	vor.u32 $0x100, v4  }
0x2e0: {  	v9 =	vld.idx.msk [tilespmem:v15+s20+$0x0], $0xffff;
	v20 =	vor.u32 $0x80, v4  }
0x2e1: {  	v2 =	vld.idx.msk [tilespmem:v3+s20+$0x0], $0xffff;
	v23 =	vor.u32 $0x180, v4  }
0x2e2: {  	s23 =	sand.u32 $0x60, s0;
	s31 =	sand.u32 $0x3C00, s0;
	v3 =	vld.idx.msk [tilespmem:v14+s20+$0x0], $0xffff;
	v24 =	vor.u32 $0x200, v4  }
0x2e3: {  	s1 =	sor.u32 s23, s31;
	v13 =	vld.idx.msk [tilespmem:v4+s20+$0x0], $0xffff  }
0x2e4: {  	s12 =	sadd.s32 $0x15000, s1;
	v15 =	vld.idx.msk [tilespmem:v21+s20+$0x0], $0xffff;
	v21 =	vor.u32 $0x280, v4  }
0x2e5: {  	[tilespmem:s12+$0x80] =	vst v16;
	v14 =	vld.idx.msk [tilespmem:v20+s20+$0x0], $0xffff;
	v20 =	vshll.u32 v19, $0x3  }
0x2e6: {  	s3 =	simm.s32 $0x100;
	[tilespmem:s1+$0x15000] =	vst v18;
	v16 =	vld.idx.msk [tilespmem:v23+s20+$0x0], $0xffff;
	v19 =	vand.u32 $0x7F, v19;
	v23 =	vand.u32 $0xFFFFFC00, v20  }
0x2e7: {  	s8 =	simm.s32 $0x1;
	s4 =	simm.s32 $0x40;
	s7 =	simm.s32 $0x0;
	[tilespmem:s12+$0x100] =	vst v22;
	v18 =	vld.idx.msk [tilespmem:v24+s20+$0x0], $0xffff;
	v20 =	vor.u32 $0x380, v4;
	v19 =	vor.u32 v19, v23  }
.LBB2_19:
0x2e8: {  	s5 =	sand.u32 $0x7E0, s4  }
0x2e9: {  	v21 =	vld.idx.msk [tilespmem:v21+s20+$0x0], $0xffff;
	v22 =	vor.u32 $0x100, v19;
	v23 =	vor.u32 $0x180, v19;
	v24 =	vor.u32 $0x280, v19;
	s11 =	sadd.s32 $0x20, s11;
	[tilespmem:s12+$0x180] =	vst v12;
	s1 =	smov.u32 s4;
	s9 =	sadd.s32 $0x20, s4  }
0x2ea: {  	p0 =	sne.s32 s4, $0x7E0;
	v26 =	vor.u32 $0x80, v19;
	v27 =	vor.u32 $0x380, v19;
	s4 =	sand.u32 $0x3, s0;
	v28 =	vmov v13;
	s0 =	smov.u32 s8;
	v25 =	vld [tilespmem:s5+$0x800];
	[tilespmem:s12+$0x200] =	vst v10  }
0x2eb: {  	s4 =	sshll.u32 s4, $0x5;
	v30 =	vmov v14;
	v29 =	vld [tilespmem:s11+$0x0];
	[tilespmem:s12+$0x280] =	vst v11  }
0x2ec: {  	v14 =	vor.u32 $0x200, v19;
	s4 =	sadd.s32 s4, s7;
	v31 =	vmov v15;
	s7 =	smov.u32 s3;
	v13 =	vld.idx.msk [tilespmem:v20+s20+$0x0], $0xffff  }
0x2ed: {  	s5 =	sor.u32 $0x300, s4;
	v12 =	vmov v16;
	v15 =	vld.idx.msk [tilespmem:v19+s20+$0x0], $0xffff  }
0x2ee: {  	v10 =	vmov v18;
	v16 =	vld.idx.msk [tilespmem:v24+s20+$0x0], $0xffff;
	[tilespmem:s5+$0x15000] =	vst v17;
	s5 =	sor.u32 $0x380, s4  }
0x2ef: {  	v19 =	vor.u32 $0x300, v19;
	v11 =	vmovc v21;
	v17 =	vand.u32 $0x7F, v25;
	v18 =	vshll.u32 v25, $0x3;
	v20 =	vld.idx.msk [tilespmem:v27+s20+$0x0], $0xffff;
	[tilespmem:s5+$0x15000] =	vst v6  }
0x2f0: {  	v21 =	vand.u32 $0xFFFFFC00, v18;
	v18 =	vor.u32 $0x300, v4;
	v24 =	vld.idx.msk [tilespmem:v26+s20+$0x0], $0xffff;
	[tilespmem:s12+$0x10] =	vst v5  }
0x2f1: {  	v4 =	vor.u32 v17, v21;
	v22 =	vld.idx.msk [tilespmem:v22+s20+$0x0], $0xffff;
	[tilespmem:s12+$0x290] =	vst v7  }
0x2f2: {  	v6 =	vmov v13;
	v25 =	vor.u32 $0x80, v4;
	[tilespmem:s12+$0x210] =	vst v2;
	v2 =	vld.idx.msk [tilespmem:v14+s20+$0x0], $0xffff  }
0x2f3: {  	s4 =	sadd.s32 $0x10, s4;
	v26 =	vor.u32 $0x100, v4;
	v5 =	vmov v15;
	[tilespmem:s12+$0x190] =	vst v3;
	v3 =	vld.idx.msk [tilespmem:v23+s20+$0x0], $0xffff  }
0x2f4: {  	s5 =	sor.u32 $0x300, s4;
	v23 =	vor.u32 $0x180, v4;
	v7 =	vmov v16;
	v27 =	vld.idx.msk [tilespmem:v19+s20+$0x0], $0xffff;
	[tilespmem:s12+$0x110] =	vst v8  }
0x2f5: {  	s2 =	sand.u32 $0x60, s2;
	s13 =	sand.u32 $0x3C00, s3;
	s4 =	sor.u32 $0x380, s4;
	v19 =	vor.u32 $0x200, v4;
	v17 =	vld.idx.msk [tilespmem:v18+s20+$0x0], $0xffff;
	[tilespmem:s12+$0x90] =	vst v1  }
.Ltmp9:
0x2f6: {  	s13 =	sor.u32 s2, s13;
	s2 =	smov.u32 s1;
	v21 =	vor.u32 $0x280, v4;
	v1 =	vmov v24;
	v13 =	vld.idx.msk [tilespmem:v4+s20+$0x0], $0xffff;
	[tilespmem:s5+$0x15000] =	vst v9;
	(pc) =	sbr.rel @p0 .LBB2_19-.Ltmp9, $4  }
0x2f7: {  	s12 =	sadd.s32 $0x15000, s13;
	v8 =	vmov v22;
	v14 =	vld.idx.msk [tilespmem:v25+s20+$0x0], $0xffff;
	[tilespmem:s4+$0x15000] =	vst v0;
	v0 =	vmov v20  }
0x2f8: {  	v24 =	vshll.u32 v29, $0x3;
	v15 =	vld.idx.msk [tilespmem:v26+s20+$0x0], $0xffff;
	[tilespmem:s12+$0x80] =	vst v30  }
0x2f9: {  	v22 =	vand.u32 $0x7F, v29;
	v20 =	vor.u32 $0x380, v4;
	v16 =	vld.idx.msk [tilespmem:v23+s20+$0x0], $0xffff;
	v23 =	vand.u32 $0xFFFFFC00, v24;
	[tilespmem:s13+$0x15000] =	vst v28  }
0x2fa: {  	s8 =	sadd.s32 $0x1, s8;
	s3 =	sadd.s32 $0x100, s3;
	s4 =	smov.u32 s9;
	v9 =	vmov v27;
	v18 =	vld.idx.msk [tilespmem:v19+s20+$0x0], $0xffff;
	v19 =	vor.u32 v22, v23;
	[tilespmem:s12+$0x100] =	vst v31  }
0x2fb: {  	_ =	sdelay $0x1  }
0x2fc: {  	v22 =	vor.u32 $0x280, v19  }
0x2fd: {  	v53 =	vor.u32 $0x380, v19  }
0x2fe: {  	v54 =	vld.idx.msk [tilespmem:v21+s20+$0x0], $0xffff;
	v55 =	vor.u32 $0x80, v19  }
0x2ff: {  	v56 =	vor.u32 $0x100, v19;
	v20 =	vld.idx.msk [tilespmem:v20+s20+$0x0], $0xffff  }
0x300: {  	v57 =	vor.u32 $0x200, v19;
	v23 =	vld.idx.msk [tilespmem:v19+s20+$0x0], $0xffff  }
0x301: {  	s0 =	sand.u32 $0x3, s0;
	v58 =	vor.u32 $0x180, v19;
	v22 =	vld.idx.msk [tilespmem:v22+s20+$0x0], $0xffff  }
0x302: {  	[tilespmem:s12+$0x180] =	vst v12;
	v59 =	vor.u32 $0x300, v19;
	s0 =	sshll.u32 s0, $0x5;
	v12 =	vld.idx.msk [tilespmem:v53+s20+$0x0], $0xffff  }
0x303: {  	[tilespmem:s12+$0x200] =	vst v10;
	v4 =	vor.u32 $0x300, v4;
	s0 =	sadd.s32 s0, s7;
	v60 =	vld.idx.msk [tilespmem:v55+s20+$0x0], $0xffff  }
0x304: {  	[tilespmem:s12+$0x280] =	vst v11;
	s1 =	sor.u32 $0x300, s0;
	v61 =	vld.idx.msk [tilespmem:v56+s20+$0x0], $0xffff  }
0x305: {  	s2 =	sand.u32 $0x60, s2;
	s4 =	sand.u32 $0x3C00, s3;
	s11 =	sor.u32 $0x380, s0;
	[tilespmem:s1+$0x15000] =	vst v17;
	v62 =	vld.idx.msk [tilespmem:v57+s20+$0x0], $0xffff  }
0x306: {  	s2 =	sor.u32 s2, s4;
	[tilespmem:s11+$0x15000] =	vst v6;
	v6 =	vld.idx.msk [tilespmem:v58+s20+$0x0], $0xffff  }
0x307: {  	s15 =	sadd.s32 $0x15000, s2;
	v63 =	vld.idx.msk [tilespmem:v59+s20+$0x0], $0xffff  }
0x308: {  	v4 =	vld.idx.msk [tilespmem:v4+s20+$0x0], $0xffff;
	[tilespmem:s15+$0x80] =	vst v14  }
0x309: {  	[tilespmem:s12+$0x10] =	vst v5  }
0x30a: {  	[tilespmem:s12+$0x290] =	vst v7  }
0x30b: {  	[tilespmem:s12+$0x210] =	vst v2  }
0x30c: {  	[tilespmem:s12+$0x190] =	vst v3  }
0x30d: {  	[tilespmem:s12+$0x110] =	vst v8  }
0x30e: {  	s0 =	sadd.s32 $0x10, s0;
	[tilespmem:s12+$0x90] =	vst v1  }
0x30f: {  	s13 =	sor.u32 $0x300, s0;
	[tilespmem:s2+$0x15000] =	vst v13  }
0x310: {  	[tilespmem:s13+$0x15000] =	vst v9  }
0x311: {  	[tilespmem:s15+$0x100] =	vst v15  }
0x312: {  	s16 =	sand.u32 $0x3, s8;
	s0 =	sor.u32 $0x380, s0;
	[tilespmem:s15+$0x180] =	vst v16  }
0x313: {  	[tilespmem:s0+$0x15000] =	vst v0;
	s0 =	sshll.u32 s16, $0x5  }
0x314: {  	[tilespmem:s15+$0x200] =	vst v18;
	s0 =	sadd.s32 s0, s3  }
0x315: {  	[tilespmem:s15+$0x280] =	vst v54;
	s17 =	sor.u32 $0x300, s0  }
0x316: {  	s18 =	sor.u32 $0x380, s0;
	[tilespmem:s17+$0x15000] =	vst v4  }
0x317: {  	[tilespmem:s18+$0x15000] =	vst v20  }
0x318: {  	[tilespmem:s15+$0x10] =	vst v23  }
0x319: {  	[tilespmem:s15+$0x290] =	vst v22  }
0x31a: {  	[tilespmem:s15+$0x210] =	vst v62  }
0x31b: {  	[tilespmem:s15+$0x190] =	vst v6  }
0x31c: {  	s0 =	sadd.s32 $0x10, s0;
	[tilespmem:s15+$0x110] =	vst v61  }
0x31d: {  	s21 =	sor.u32 $0x300, s0;
	[tilespmem:s15+$0x90] =	vst v60  }
0x31e: {  	s0 =	sor.u32 $0x380, s0;
	[tilespmem:s21+$0x15000] =	vst v63  }
0x31f: {  	[tilespmem:s0+$0x15000] =	vst v12  }
0x320: {  	s0 =	rddreg [dreg:$0xe]  }
0x321: {  	[hbm4b:s0+s6] =	stream.linear.scatter [tilespmem:s24], [sflag:$0x4], $0x4000, $0x38;
	[tilespmem:$0x19000] =	vst v63  }
0x322: {  	_ =	swait.ge [sflag:s26], $0x4000  }
0x323: {  	[sflag:s26] =	ssyncset.done $0x0  }
0x324: {  	[sflag:s26] =	ssyncadd.s32 $0xFFFFC000  }
0x325: {  	_ =	swait.ge [sflag:s28], $0x4000  }
0x326: {  	s23 =	rddreg [dreg:$0x10]  }
0x327: {  	s31 =	rddreg [dreg:$0xf];
	s1 =	sadd.s32 $0x1, s23  }
0x328: {  	p0 =	sne.s32 s1, s31  }
.Ltmp10:
0x329: {  	_ = 	snop;
	(pc) =	sbr.rel @p0 .LBB2_1-.Ltmp10, $3  }
0x32a: {  	_ =	sdelay $0x1  }
0x32b: {  	[sflag:s28] =	ssyncset.done $0x0  }
0x32c: {  	[sflag:s28] =	ssyncadd.s32 $0xFFFFC000  }
0x32d: {  	_ =	sfence.sel $0x180000  }
0x32e: {  	[bflag:$0x0] =	sbarrier.arrive $0xFFFF  }
0x32f: {  	_ =	strace $0x90000047  }
0x330: {  	s0 =	stileid.u32;
	[bflag:$0x2] =	sbarrier.arrive $0xFFFF  }
0x331: {  	p0 =	sne.s32 s0, $0x0;
	s0 =	rddreg [dreg:$0x3]  }
0x332: {  	s0 =	sadd.s32 @!p0 $0x100000, s0  }
0x333: {  	[sflag:s0] =	ssyncadd.tile.s32 @!p0 $0x1;
	_ =	shalt  }
.Lfunc_end2:
_tile_overlayer_lowered:
.L_overlay_start_2:
0x334: {  	(tag) =	ssettag $0x2  }
0x335: {  	s0 =	rddreg [dreg:$0x0];
	s2 =	stileid.u32  }
0x336: {  	s1 =	rddreg [dreg:$0x1];
	p0 =	sne.s32 s2, $0x0  }
0x337: {  	s3 =	rddreg [dreg:$0x2];
	[bflag:$0x3] =	sbarrier.arrive $0xFFFF;
	s2 =	simm.s32 @!p0 $0x1C05  }
0x338: {  	[timem:s3], [sflag:s2] =	dma.local @!p0 [hbm:s0], s1  }
0x339: {  	s0 =	simm.s32 @!p0 $0x5  }
0x33a: {  	_ =	swait.ge @!p0 [sflag:s0], s1  }
0x33b: {  	s1 =	ssub.s32 @!p0 $0x0, s1;
	[sflag:s0] =	ssyncset.done @!p0 $0x0  }
0x33c: {  	[sflag:s0] =	ssyncadd.s32 @!p0 s1  }
0x33d: {  	[bflag:$0x3] =	sbarrier.arrive $0xFFFF  }
0x33e: {  	_ =	shalt  }

</sc_bundles>
